<compile_context>
chip_gen: v7x
topology: tpu7x:2x2x1
jax: 0.10.2.dev20260603
libtpu: 0.0.44.dev20260713+nightly
codegen_flags: <defaults>
</compile_context>

<pallas_src>
import functools

import jax
import jax.numpy as jnp
from jax import lax
from jax.experimental import pallas as pl
from jax.experimental.pallas import tpu as pltpu
from jax.experimental.pallas import tpu_sc as plsc

_NC = 2
_NS = 16
_K = 128
_GRP = 16


def _sc_aggregate(x2, src2, dst2, ea2, npad):
    dh = x2.shape[1]
    dep = ea2.shape[-1]
    chunks = src2.shape[0] // (_NC * _NS)
    rows_per_tile = npad // _NS
    nslab = rows_per_tile // _K
    mesh = plsc.VectorSubcoreMesh(core_axis_name="c", subcore_axis_name="s")

    nbuf = 4

    @functools.partial(
        pl.kernel,
        out_type=(
            jax.ShapeDtypeStruct((_NC, npad, dh), jnp.float32),
            jax.ShapeDtypeStruct((_NC, npad, dep), jnp.float32),
        ),
        mesh=mesh,
        compiler_params=pltpu.CompilerParams(use_tc_tiling_on_sc=False),
        scratch_types=(
            [pltpu.VMEM((_GRP, _K), jnp.int32)] * 2 +
            [pltpu.VMEM((_K, dh), jnp.float32)] * nbuf +
            [pltpu.VMEM((_K, dep), jnp.float32)] * nbuf +
            [pltpu.VMEM_SHARED((npad, dh), jnp.float32),
             pltpu.VMEM_SHARED((npad, dep), jnp.float32)] +
            [pltpu.SemaphoreType.DMA] * (4 * nbuf)
        ),
    )
    def sc(x_hbm, src_hbm, dst_hbm, ea_hbm,
           outx_hbm, oute_hbm, *scr):
        sidx_g, didx_g = scr[0], scr[1]
        rows = list(scr[2:2 + nbuf])
        eab = list(scr[2 + nbuf:2 + 2 * nbuf])
        accx_sh, acce_sh = scr[2 + 2 * nbuf], scr[3 + 2 * nbuf]
        sems = scr[4 + 2 * nbuf:]
        gsem = list(sems[0:nbuf])
        esem = list(sems[nbuf:2 * nbuf])
        sxsem = list(sems[2 * nbuf:3 * nbuf])
        sesem = list(sems[3 * nbuf:4 * nbuf])
        cid = lax.axis_index("c")
        sid = lax.axis_index("s")
        row0 = (cid * _NS + sid) * chunks
        elast = ea_hbm.shape[0] - 1
        erow0 = jnp.where(cid == 0, sid * chunks, elast)
        estep = jnp.where(cid == 0, 1, 0)
        r0 = sid * rows_per_tile
        zero16 = jnp.zeros((16,), jnp.float32)
        rows0_v = rows[0]
        ea0_v = eab[0]

        def zrow(i, c):
            for c8 in range(dh // 16):
                rows0_v[i, pl.ds(c8 * 16, 16)] = zero16
            for c8 in range(dep // 16):
                ea0_v[i, pl.ds(c8 * 16, 16)] = zero16
            return c
        lax.fori_loop(0, _K, zrow, 0)

        def zslab(i, c):
            base = r0 + i * _K
            pltpu.sync_copy(rows0_v, accx_sh.at[pl.ds(base, _K)])
            pltpu.sync_copy(ea0_v, acce_sh.at[pl.ds(base, _K)])
            return c
        lax.fori_loop(0, nslab, zslab, 0)

        plsc.subcore_barrier()

        def group(g, carry):
            gb = row0 + g * _GRP
            eb = erow0 + g * _GRP * estep
            pltpu.sync_copy(src_hbm.at[pl.ds(gb, _GRP)], sidx_g)
            pltpu.sync_copy(dst_hbm.at[pl.ds(gb, _GRP)], didx_g)

            gds = {}
            eds = {}
            pend_sx = {}
            pend_se = {}
            for jj in range(min(nbuf - 1, _GRP)):
                gds[jj] = pltpu.async_copy(
                    x_hbm.at[sidx_g.at[jj]], rows[jj], gsem[jj])
                eds[jj] = pltpu.async_copy(
                    ea_hbm.at[eb + jj * estep], eab[jj], esem[jj])
            for j in range(_GRP):
                b = j % nbuf
                jn = j + nbuf - 1
                if jn < _GRP:
                    bn = jn % nbuf
                    if j >= 1:
                        pend_sx[j - 1].wait()
                        pend_se[j - 1].wait()
                    gds[jn] = pltpu.async_copy(
                        x_hbm.at[sidx_g.at[jn]], rows[bn], gsem[bn])
                    eds[jn] = pltpu.async_copy(
                        ea_hbm.at[eb + jn * estep], eab[bn], esem[bn])
                gds[j].wait()
                pend_sx[j] = pltpu.async_copy(
                    rows[b], accx_sh.at[didx_g.at[j]], sxsem[b], add=True)
                eds[j].wait()
                pend_se[j] = pltpu.async_copy(
                    eab[b], acce_sh.at[didx_g.at[j]], sesem[b], add=True)
            for j in range(max(0, _GRP - nbuf), _GRP):
                pend_sx[j].wait()
                pend_se[j].wait()
            return carry

        lax.fori_loop(0, chunks // _GRP, group, 0)
        plsc.subcore_barrier()

        def rslab(i, c):
            base = r0 + i * _K
            pltpu.sync_copy(accx_sh.at[pl.ds(base, _K)], rows0_v)
            pltpu.sync_copy(rows0_v, outx_hbm.at[cid, pl.ds(base, _K)])
            pltpu.sync_copy(acce_sh.at[pl.ds(base, _K)], ea0_v)
            pltpu.sync_copy(ea0_v, oute_hbm.at[cid, pl.ds(base, _K)])
            return c
        lax.fori_loop(0, nslab, rslab, 0)

    return sc(x2, src2, dst2, ea2)


def _dense(n, rb, de, x, agx, age, W_enc, b_enc, W_self, W_nei, W_edge,
           W1, b1, gamma, beta, W2, b2):
    d = x.shape[1]
    dh = agx.shape[2]
    dep = age.shape[2]
    h_w = W1.shape[1]
    out_w = W2.shape[1]
    nb = n // rb
    hp = lax.Precision.HIGHEST

    def body1(x_ref, ax_ref, ae_ref, wenc_ref, benc_ref, wself_ref,
              wnei_ref, wedge_ref, w1_ref, b1_ref, t_ref, s_ref):
        i = pl.program_id(0)
        h = (jnp.dot(x_ref[...], wenc_ref[...], precision=hp)
             + benc_ref[...][None, :])
        ae = ae_ref[0][:, :de]
        deg_v = ae_ref[1][:, 0]
        wxn = jnp.dot(wenc_ref[...], wnei_ref[...], precision=hp)
        bnei = jnp.dot(benc_ref[...].reshape(1, -1), wnei_ref[...],
                       precision=hp)
        agg = (jnp.dot(ax_ref[0], wxn[:dh, :], precision=hp)
               + jnp.dot(ax_ref[1], wxn[dh:, :], precision=hp)
               + deg_v.reshape(-1, 1) * bnei
               + jnp.dot(ae, wedge_ref[...], precision=hp))
        h2 = jnp.maximum(jnp.dot(h, wself_ref[...], precision=hp) + agg, 0.0)
        t = jnp.dot(h2, w1_ref[...], precision=hp) + b1_ref[...][None, :]
        t_ref[...] = t

        @pl.when(i == 0)
        def _():
            s_ref[...] = jnp.zeros_like(s_ref)

        s_ref[0, :] += jnp.sum(t, axis=0)
        s_ref[1, :] += jnp.sum(t * t, axis=0)

    t_full, sums = pl.pallas_call(
        body1,
        grid=(nb,),
        in_specs=[
            pl.BlockSpec((rb, d), lambda i: (i, 0)),
            pl.BlockSpec((2, rb, dh), lambda i: (0, i, 0)),
            pl.BlockSpec((2, rb, dep), lambda i: (0, i, 0)),
            pl.BlockSpec((d, d), lambda i: (0, 0)),
            pl.BlockSpec((d,), lambda i: (0,)),
            pl.BlockSpec((d, d), lambda i: (0, 0)),
            pl.BlockSpec((d, d), lambda i: (0, 0)),
            pl.BlockSpec((de, d), lambda i: (0, 0)),
            pl.BlockSpec((d, h_w), lambda i: (0, 0)),
            pl.BlockSpec((h_w,), lambda i: (0,)),
        ],
        out_specs=[
            pl.BlockSpec((rb, h_w), lambda i: (i, 0)),
            pl.BlockSpec((2, h_w), lambda i: (0, 0)),
        ],
        out_shape=[
            jax.ShapeDtypeStruct((n, h_w), jnp.float32),
            jax.ShapeDtypeStruct((2, h_w), jnp.float32),
        ],
    )(x, agx, age, W_enc, b_enc, W_self, W_nei, W_edge, W1, b1)

    def body2(t_ref, s_ref, g_ref, bt_ref, w2_ref, b2_ref, o_ref):
        t = t_ref[...]
        mean = s_ref[0, :][None, :] * (1.0 / n)
        var = s_ref[1, :][None, :] * (1.0 / n) - mean * mean
        tn = ((t - mean) * lax.rsqrt(var + 1e-5) * g_ref[...][None, :]
              + bt_ref[...][None, :])
        h3 = jnp.maximum(tn, 0.0)
        o_ref[...] = (jnp.dot(h3, w2_ref[...], precision=hp)
                      + b2_ref[...][None, :])

    return pl.pallas_call(
        body2,
        grid=(nb,),
        in_specs=[
            pl.BlockSpec((rb, h_w), lambda i: (i, 0)),
            pl.BlockSpec((2, h_w), lambda i: (0, 0)),
            pl.BlockSpec((h_w,), lambda i: (0,)),
            pl.BlockSpec((h_w,), lambda i: (0,)),
            pl.BlockSpec((h_w, out_w), lambda i: (0, 0)),
            pl.BlockSpec((out_w,), lambda i: (0,)),
        ],
        out_specs=pl.BlockSpec((rb, out_w), lambda i: (i, 0)),
        out_shape=jax.ShapeDtypeStruct((n, out_w), jnp.float32),
    )(t_full, sums, gamma, beta, W2, b2)


def kernel(x, edge_index, edge_attr, batch, W_enc, b_enc, W_self, W_nei,
           W_edge, W1, b1, gamma, beta, W2, b2):
    n, d = x.shape
    e, de = edge_attr.shape
    dh = d // 2
    blk = _NS * _K
    npad = -(-n // blk) * blk
    if npad == n:
        npad += blk
    chunks = -(-e // (_NS * _K))
    chunks = -(-chunks // _GRP) * _GRP
    epad = _NS * chunks * _K
    pad = epad - e

    src = edge_index[0].astype(jnp.int32)
    dst = edge_index[1].astype(jnp.int32)
    srcp = jnp.concatenate([src, jnp.zeros((pad,), jnp.int32)])
    dstp = jnp.concatenate([dst, jnp.full((pad,), npad - 1, jnp.int32)])
    src2 = jnp.concatenate([srcp, srcp + n]).reshape(_NC * _NS * chunks, _K)
    dst2 = jnp.concatenate([dstp, dstp]).reshape(_NC * _NS * chunks, _K)
    x2 = jnp.concatenate([x[:, :dh], x[:, dh:]], axis=0)

    dep = -(-de // 16) * 16
    ea0 = edge_attr.astype(jnp.float32)
    if dep > de:
        ea0 = jnp.concatenate([ea0, jnp.zeros((e, dep - de), jnp.float32)],
                              axis=1)
    ones_slab = jnp.zeros((_K, dep), jnp.float32).at[:, 0].set(1.0)
    ea2 = jnp.concatenate([ea0, jnp.zeros((pad, dep), jnp.float32),
                           ones_slab])
    ea2 = ea2.reshape(_NS * chunks + 1, _K, dep)

    agx, age = _sc_aggregate(x2, src2, dst2, ea2, npad)
    agx = agx[:, :n, :]
    age = age[:, :n, :]

    rb = n
    for cand in range(min(1024, n), 0, -1):
        if n % cand == 0:
            rb = cand
            break
    out = _dense(n, rb, de, x, agx, age, W_enc, b_enc, W_self, W_nei,
                 W_edge, W1, b1, gamma, beta, W2, b2)
    return out.reshape(-1, 8, 4)

# --- scband reference (transcript-rebuilt; emitter-appended) ---
"""Pipeline reference for scband-scorer-gnn-46042049413287 (READ-ONLY COPY).

The authoritative reference and input builder live on the scoring server;
editing this copy changes nothing except your own understanding.
"""

import jax, jax.numpy as jnp
import numpy as np

N = 10000
E = 320000
D = 128
DE = 16
H = 128
C = 8  # max_num_centroids
S = 4  # num_ensemble
OUT = C * S


def setup_inputs(seed: int = 0) -> dict:
    key = jax.random.key(seed)
    ks = jax.random.split(key, 16)
    x = jax.random.normal(ks[0], (N, D), dtype=jnp.float32)
    edge_index = jax.random.randint(ks[1], (2, E), 0, N, dtype=jnp.int64)
    edge_attr = jax.random.normal(ks[2], (E, DE), dtype=jnp.float32)
    batch = jnp.sort(jax.random.randint(ks[3], (N,), 0, 64, dtype=jnp.int64))
    s = 0.05
    # atom encoder (linear)
    W_enc = jax.random.normal(ks[4], (D, D), dtype=jnp.float32) * s
    b_enc = jnp.zeros((D,), dtype=jnp.float32)
    # one message-passing GNN layer (GraphConv-style with edge features)
    W_self = jax.random.normal(ks[5], (D, D), dtype=jnp.float32) * s
    W_nei = jax.random.normal(ks[6], (D, D), dtype=jnp.float32) * s
    W_edge = jax.random.normal(ks[7], (DE, D), dtype=jnp.float32) * s
    # MLP (2 layers, batch_norm + relu between)
    W1 = jax.random.normal(ks[8], (D, H), dtype=jnp.float32) * s
    b1 = jnp.zeros((H,), dtype=jnp.float32)
    gamma = jnp.ones((H,), dtype=jnp.float32)
    beta = jnp.zeros((H,), dtype=jnp.float32)
    W2 = jax.random.normal(ks[9], (H, OUT), dtype=jnp.float32) * s
    b2 = jnp.zeros((OUT,), dtype=jnp.float32)
    return {
        "x": x, "edge_index": edge_index, "edge_attr": edge_attr, "batch": batch,
        "W_enc": W_enc, "b_enc": b_enc,
        "W_self": W_self, "W_nei": W_nei, "W_edge": W_edge,
        "W1": W1, "b1": b1, "gamma": gamma, "beta": beta,
        "W2": W2, "b2": b2,
    }


def reference(x, edge_index, edge_attr, batch, W_enc, b_enc, W_self, W_nei, W_edge, W1, b1, gamma, beta, W2, b2):
    # atom encoder
    h = x @ W_enc + b_enc
    # GNN message passing: gather neighbors, transform, scatter-add to dst
    src = edge_index[0]
    dst = edge_index[1]
    msg = h[src] @ W_nei + edge_attr @ W_edge
    agg = jax.ops.segment_sum(msg, dst, num_segments=N)
    h = jax.nn.relu(h @ W_self + agg)
    # MLP layer 1 + batch_norm + relu
    h = h @ W1 + b1
    mean = jnp.mean(h, axis=0)
    var = jnp.var(h, axis=0)
    h = (h - mean) / jnp.sqrt(var + 1e-5) * gamma + beta
    h = jax.nn.relu(h)
    # MLP output layer
    out = h @ W2 + b2
    return out.reshape(-1, C, S)

if __name__ == "__main__":
    import jax
    _d = setup_inputs()
    print(jax.jit(kernel)(*tuple(_d.values())))

</pallas_src>

<mosaic_0001>
#map = affine_map<(d0, d1) -> (0, 0)>
#map1 = affine_map<(d0, d1) -> (0, 0, 0)>
module attributes {stable_mosaic.version = 14 : i64} {
  func.func @sc(%arg0: i32, %arg1: i32, %arg2: memref<20000x64xf32, #tpu.memory_space<hbm>>, %arg3: memref<5120x128xi32, #tpu.memory_space<hbm>>, %arg4: memref<5120x128xi32, #tpu.memory_space<hbm>>, %arg5: memref<2561x128x16xf32, #tpu.memory_space<hbm>>, %arg6: memref<2x10240x64xf32, #tpu.memory_space<hbm>>, %arg7: memref<2x10240x16xf32, #tpu.memory_space<hbm>>, %arg8: memref<16x128xi32, #tpu.memory_space<vmem>>, %arg9: memref<16x128xi32, #tpu.memory_space<vmem>>, %arg10: memref<128x64xf32, #tpu.memory_space<vmem>>, %arg11: memref<128x64xf32, #tpu.memory_space<vmem>>, %arg12: memref<128x64xf32, #tpu.memory_space<vmem>>, %arg13: memref<128x64xf32, #tpu.memory_space<vmem>>, %arg14: memref<128x16xf32, #tpu.memory_space<vmem>>, %arg15: memref<128x16xf32, #tpu.memory_space<vmem>>, %arg16: memref<128x16xf32, #tpu.memory_space<vmem>>, %arg17: memref<128x16xf32, #tpu.memory_space<vmem>>, %arg18: memref<10240x64xf32, #tpu.memory_space<vmem_shared>>, %arg19: memref<10240x16xf32, #tpu.memory_space<vmem_shared>>, %arg20: memref<!tpu.dma_semaphore, #tpu.memory_space<semaphore_mem>>, %arg21: memref<!tpu.dma_semaphore, #tpu.memory_space<semaphore_mem>>, %arg22: memref<!tpu.dma_semaphore, #tpu.memory_space<semaphore_mem>>, %arg23: memref<!tpu.dma_semaphore, #tpu.memory_space<semaphore_mem>>, %arg24: memref<!tpu.dma_semaphore, #tpu.memory_space<semaphore_mem>>, %arg25: memref<!tpu.dma_semaphore, #tpu.memory_space<semaphore_mem>>, %arg26: memref<!tpu.dma_semaphore, #tpu.memory_space<semaphore_mem>>, %arg27: memref<!tpu.dma_semaphore, #tpu.memory_space<semaphore_mem>>, %arg28: memref<!tpu.dma_semaphore, #tpu.memory_space<semaphore_mem>>, %arg29: memref<!tpu.dma_semaphore, #tpu.memory_space<semaphore_mem>>, %arg30: memref<!tpu.dma_semaphore, #tpu.memory_space<semaphore_mem>>, %arg31: memref<!tpu.dma_semaphore, #tpu.memory_space<semaphore_mem>>, %arg32: memref<!tpu.dma_semaphore, #tpu.memory_space<semaphore_mem>>, %arg33: memref<!tpu.dma_semaphore, #tpu.memory_space<semaphore_mem>>, %arg34: memref<!tpu.dma_semaphore, #tpu.memory_space<semaphore_mem>>, %arg35: memref<!tpu.dma_semaphore, #tpu.memory_space<semaphore_mem>>) attributes {dimension_semantics = [#tpu.dimension_semantics<core_parallel>, #tpu.dimension_semantics<subcore_parallel>], iteration_bounds = array<i64: 2, 16>, scalar_prefetch = 0 : i64, scratch_operands = 28 : i64, tpu.core_type = #tpu.core_type<sc_vector_subcore>, window_params = [{transform_indices = #map}, {transform_indices = #map}, {transform_indices = #map}, {transform_indices = #map1}, {transform_indices = #map1}, {transform_indices = #map1}]} {
    %mul3A = arith.constant 16 : i32
    %mul3A_0 = arith.muli %arg0, %mul3A : i32
    %add3A = arith.addi %mul3A_0, %arg1 : i32
    %mul3A_1 = arith.constant 160 : i32
    %mul3A_2 = arith.muli %add3A, %mul3A_1 : i32
    %eq3A = arith.constant 0 : i32
    %eq3A_3 = arith.cmpi eq, %arg0, %eq3A : i32
    %mul3A_4 = arith.constant 160 : i32
    %mul3A_5 = arith.muli %arg1, %mul3A_4 : i32
    %jit3A = arith.constant 2560 : i32
    %select_n3A = arith.select %eq3A_3, %mul3A_5, %jit3A : i32
    %eq3A_6 = arith.constant 0 : i32
    %eq3A_7 = arith.cmpi eq, %arg0, %eq3A_6 : i32
    %jit3A_8 = arith.constant 1 : i32
    %jit3A_9 = arith.constant 0 : i32
    %select_n3A_10 = arith.select %eq3A_7, %jit3A_8, %jit3A_9 : i32
    %mul3A_11 = arith.constant 640 : i32
    %mul3A_12 = arith.muli %arg1, %mul3A_11 : i32
    %broadcast_in_dim3A = arith.constant 0.000000e+00 : f32
    %broadcast_in_dim3A_13 = vector.broadcast %broadcast_in_dim3A : f32 to vector<16xf32>
    %scan3A = arith.constant 0 : i32
    %scan3A_14 = arith.constant 0 : i32
    %scan3A_15 = arith.constant 128 : i32
    %scan3A_16 = arith.addi %scan3A_14, %scan3A_15 : i32
    %scan3A_17 = arith.constant 1 : i32
    scf.for %scan3A_38 = %scan3A_14 to %scan3A_16 step %scan3A_17  : i32 {
      %swap3A = arith.index_cast %scan3A_38 : i32 to index
      %swap3A_39 = arith.constant 0 : index
      %swap3A_40 = tpu.vector_load %arg10[%swap3A, %swap3A_39] {strides = array<i32>} : memref<128x64xf32, #tpu.memory_space<vmem>>, vector<1x16xf32>,
      %swap3A_41 = vector.shape_cast %swap3A_40 : vector<1x16xf32> to vector<16xf32>
      %swap3A_42 = vector.shape_cast %broadcast_in_dim3A_13 : vector<16xf32> to vector<1x16xf32>
      tpu.vector_store %arg10[%swap3A, %swap3A_39], %swap3A_42 {strides = array<i32>} : memref<128x64xf32, #tpu.memory_space<vmem>>, vector<1x16xf32>,
      %swap3A_43 = arith.index_cast %scan3A_38 : i32 to index
      %swap3A_44 = arith.constant 16 : index
      %swap3A_45 = tpu.vector_load %arg10[%swap3A_43, %swap3A_44] {strides = array<i32>} : memref<128x64xf32, #tpu.memory_space<vmem>>, vector<1x16xf32>,
      %swap3A_46 = vector.shape_cast %swap3A_45 : vector<1x16xf32> to vector<16xf32>
      %swap3A_47 = vector.shape_cast %broadcast_in_dim3A_13 : vector<16xf32> to vector<1x16xf32>
      tpu.vector_store %arg10[%swap3A_43, %swap3A_44], %swap3A_47 {strides = array<i32>} : memref<128x64xf32, #tpu.memory_space<vmem>>, vector<1x16xf32>,
      %swap3A_48 = arith.index_cast %scan3A_38 : i32 to index
      %swap3A_49 = arith.constant 32 : index
      %swap3A_50 = tpu.vector_load %arg10[%swap3A_48, %swap3A_49] {strides = array<i32>} : memref<128x64xf32, #tpu.memory_space<vmem>>, vector<1x16xf32>,
      %swap3A_51 = vector.shape_cast %swap3A_50 : vector<1x16xf32> to vector<16xf32>
      %swap3A_52 = vector.shape_cast %broadcast_in_dim3A_13 : vector<16xf32> to vector<1x16xf32>
      tpu.vector_store %arg10[%swap3A_48, %swap3A_49], %swap3A_52 {strides = array<i32>} : memref<128x64xf32, #tpu.memory_space<vmem>>, vector<1x16xf32>,
      %swap3A_53 = arith.index_cast %scan3A_38 : i32 to index
      %swap3A_54 = arith.constant 48 : index
      %swap3A_55 = tpu.vector_load %arg10[%swap3A_53, %swap3A_54] {strides = array<i32>} : memref<128x64xf32, #tpu.memory_space<vmem>>, vector<1x16xf32>,
      %swap3A_56 = vector.shape_cast %swap3A_55 : vector<1x16xf32> to vector<16xf32>
      %swap3A_57 = vector.shape_cast %broadcast_in_dim3A_13 : vector<16xf32> to vector<1x16xf32>
      tpu.vector_store %arg10[%swap3A_53, %swap3A_54], %swap3A_57 {strides = array<i32>} : memref<128x64xf32, #tpu.memory_space<vmem>>, vector<1x16xf32>,
      %swap3A_58 = arith.index_cast %scan3A_38 : i32 to index
      %swap3A_59 = arith.constant 0 : index
      %swap3A_60 = tpu.vector_load %arg14[%swap3A_58, %swap3A_59] {strides = array<i32>} : memref<128x16xf32, #tpu.memory_space<vmem>>, vector<1x16xf32>,
      %swap3A_61 = vector.shape_cast %swap3A_60 : vector<1x16xf32> to vector<16xf32>
      %swap3A_62 = vector.shape_cast %broadcast_in_dim3A_13 : vector<16xf32> to vector<1x16xf32>
      tpu.vector_store %arg14[%swap3A_58, %swap3A_59], %swap3A_62 {strides = array<i32>} : memref<128x16xf32, #tpu.memory_space<vmem>>, vector<1x16xf32>,
    }
    %scan3A_18 = arith.constant 128 : i32
    %scan3A_19 = arith.constant 0 : i32
    %scan3A_20 = arith.constant 0 : i32
    %scan3A_21 = arith.constant 5 : i32
    %scan3A_22 = arith.addi %scan3A_20, %scan3A_21 : i32
    %scan3A_23 = arith.constant 1 : i32
    scf.for %scan3A_38 = %scan3A_20 to %scan3A_22 step %scan3A_23  : i32 {
      %mul3A_39 = arith.constant 128 : i32
      %mul3A_40 = arith.muli %scan3A_38, %mul3A_39 : i32
      %add3A_41 = arith.addi %mul3A_12, %mul3A_40 : i32
      "tpu.region"() ({
        %run_scoped3A = tpu.sem_alloc : memref<!tpu.dma_semaphore, #tpu.memory_space<semaphore_mem>>
        %dma_start3A = arith.constant 0 : i32
        %dma_start3A_42 = tpu.memref_slice %arg18[%add3A_41, %dma_start3A] : memref<10240x64xf32, #tpu.memory_space<vmem_shared>> -> memref<128x64xf32, #tpu.memory_space<vmem_shared>>
        %dma_start3A_43 = arith.constant 0 : i32
        %dma_start3A_44 = tpu.memref_slice %arg18[%add3A_41, %dma_start3A_43] : memref<10240x64xf32, #tpu.memory_space<vmem_shared>> -> memref<128x64xf32, #tpu.memory_space<vmem_shared>>
        tpu.enqueue_dma source(%arg10 : memref<128x64xf32, #tpu.memory_space<vmem>>) target(%dma_start3A_44 : memref<128x64xf32, #tpu.memory_space<vmem_shared>>) target_semaphore(%run_scoped3A : memref<!tpu.dma_semaphore, #tpu.memory_space<semaphore_mem>>)
        %dma_wait3A = arith.constant 0 : i32
        %dma_wait3A_45 = tpu.memref_slice %arg18[%add3A_41, %dma_wait3A] : memref<10240x64xf32, #tpu.memory_space<vmem_shared>> -> memref<128x64xf32, #tpu.memory_space<vmem_shared>>
        %dma_wait3A_46 = arith.constant 0 : i32
        %dma_wait3A_47 = tpu.memref_slice %arg18[%add3A_41, %dma_wait3A_46] : memref<10240x64xf32, #tpu.memory_space<vmem_shared>> -> memref<128x64xf32, #tpu.memory_space<vmem_shared>>
        tpu.wait_dma2 semaphore(%run_scoped3A : memref<!tpu.dma_semaphore, #tpu.memory_space<semaphore_mem>>) src(%arg10 : memref<128x64xf32, #tpu.memory_space<vmem>>) dst(%dma_wait3A_47 : memref<128x64xf32, #tpu.memory_space<vmem_shared>>)
        tpu.yield
      }) : () -> ()
      "tpu.region"() ({
        %run_scoped3A = tpu.sem_alloc : memref<!tpu.dma_semaphore, #tpu.memory_space<semaphore_mem>>
        %dma_start3A = arith.constant 0 : i32
        %dma_start3A_42 = tpu.memref_slice %arg19[%add3A_41, %dma_start3A] : memref<10240x16xf32, #tpu.memory_space<vmem_shared>> -> memref<128x16xf32, #tpu.memory_space<vmem_shared>>
        %dma_start3A_43 = arith.constant 0 : i32
        %dma_start3A_44 = tpu.memref_slice %arg19[%add3A_41, %dma_start3A_43] : memref<10240x16xf32, #tpu.memory_space<vmem_shared>> -> memref<128x16xf32, #tpu.memory_space<vmem_shared>>
        tpu.enqueue_dma source(%arg14 : memref<128x16xf32, #tpu.memory_space<vmem>>) target(%dma_start3A_44 : memref<128x16xf32, #tpu.memory_space<vmem_shared>>) target_semaphore(%run_scoped3A : memref<!tpu.dma_semaphore, #tpu.memory_space<semaphore_mem>>)
        %dma_wait3A = arith.constant 0 : i32
        %dma_wait3A_45 = tpu.memref_slice %arg19[%add3A_41, %dma_wait3A] : memref<10240x16xf32, #tpu.memory_space<vmem_shared>> -> memref<128x16xf32, #tpu.memory_space<vmem_shared>>
        %dma_wait3A_46 = arith.constant 0 : i32
        %dma_wait3A_47 = tpu.memref_slice %arg19[%add3A_41, %dma_wait3A_46] : memref<10240x16xf32, #tpu.memory_space<vmem_shared>> -> memref<128x16xf32, #tpu.memory_space<vmem_shared>>
        tpu.wait_dma2 semaphore(%run_scoped3A : memref<!tpu.dma_semaphore, #tpu.memory_space<semaphore_mem>>) src(%arg14 : memref<128x16xf32, #tpu.memory_space<vmem>>) dst(%dma_wait3A_47 : memref<128x16xf32, #tpu.memory_space<vmem_shared>>)
        tpu.yield
      }) : () -> ()
    }
    %scan3A_24 = arith.constant 5 : i32
    %barrier3A = arith.constant 0 : index
    tpu.barrier barrier_id(%barrier3A)
    %scan3A_25 = arith.constant 0 : i32
    %scan3A_26 = arith.constant 0 : i32
    %scan3A_27 = arith.constant 10 : i32
    %scan3A_28 = arith.addi %scan3A_26, %scan3A_27 : i32
    %scan3A_29 = arith.constant 1 : i32
    scf.for %scan3A_38 = %scan3A_26 to %scan3A_28 step %scan3A_29  : i32 {
      %mul3A_39 = arith.constant 16 : i32
      %mul3A_40 = arith.muli %scan3A_38, %mul3A_39 : i32
      %add3A_41 = arith.addi %mul3A_2, %mul3A_40 : i32
      %mul3A_42 = arith.constant 16 : i32
      %mul3A_43 = arith.muli %scan3A_38, %mul3A_42 : i32
      %mul3A_44 = arith.muli %mul3A_43, %select_n3A_10 : i32
      %add3A_45 = arith.addi %select_n3A, %mul3A_44 : i32
      "tpu.region"() ({
        %run_scoped3A = tpu.sem_alloc : memref<!tpu.dma_semaphore, #tpu.memory_space<semaphore_mem>>
        %dma_start3A_1020 = arith.constant 0 : i32
        %dma_start3A_1021 = tpu.memref_slice %arg3[%add3A_41, %dma_start3A_1020] : memref<5120x128xi32, #tpu.memory_space<hbm>> -> memref<16x128xi32, #tpu.memory_space<hbm>>
        %dma_start3A_1022 = arith.constant 0 : i32
        %dma_start3A_1023 = tpu.memref_slice %arg3[%add3A_41, %dma_start3A_1022] : memref<5120x128xi32, #tpu.memory_space<hbm>> -> memref<16x128xi32, #tpu.memory_space<hbm>>
        tpu.enqueue_dma source(%dma_start3A_1023 : memref<16x128xi32, #tpu.memory_space<hbm>>) target(%arg8 : memref<16x128xi32, #tpu.memory_space<vmem>>) target_semaphore(%run_scoped3A : memref<!tpu.dma_semaphore, #tpu.memory_space<semaphore_mem>>)
        %dma_wait3A_1024 = arith.constant 0 : i32
        %dma_wait3A_1025 = tpu.memref_slice %arg3[%add3A_41, %dma_wait3A_1024] : memref<5120x128xi32, #tpu.memory_space<hbm>> -> memref<16x128xi32, #tpu.memory_space<hbm>>
        %dma_wait3A_1026 = arith.constant 0 : i32
        %dma_wait3A_1027 = tpu.memref_slice %arg3[%add3A_41, %dma_wait3A_1026] : memref<5120x128xi32, #tpu.memory_space<hbm>> -> memref<16x128xi32, #tpu.memory_space<hbm>>
        tpu.wait_dma2 semaphore(%run_scoped3A : memref<!tpu.dma_semaphore, #tpu.memory_space<semaphore_mem>>) src(%dma_wait3A_1027 : memref<16x128xi32, #tpu.memory_space<hbm>>) dst(%arg8 : memref<16x128xi32, #tpu.memory_space<vmem>>)
        tpu.yield
      }) : () -> ()
      "tpu.region"() ({
        %run_scoped3A = tpu.sem_alloc : memref<!tpu.dma_semaphore, #tpu.memory_space<semaphore_mem>>
        %dma_start3A_1020 = arith.constant 0 : i32
        %dma_start3A_1021 = tpu.memref_slice %arg4[%add3A_41, %dma_start3A_1020] : memref<5120x128xi32, #tpu.memory_space<hbm>> -> memref<16x128xi32, #tpu.memory_space<hbm>>
        %dma_start3A_1022 = arith.constant 0 : i32
        %dma_start3A_1023 = tpu.memref_slice %arg4[%add3A_41, %dma_start3A_1022] : memref<5120x128xi32, #tpu.memory_space<hbm>> -> memref<16x128xi32, #tpu.memory_space<hbm>>
        tpu.enqueue_dma source(%dma_start3A_1023 : memref<16x128xi32, #tpu.memory_space<hbm>>) target(%arg9 : memref<16x128xi32, #tpu.memory_space<vmem>>) target_semaphore(%run_scoped3A : memref<!tpu.dma_semaphore, #tpu.memory_space<semaphore_mem>>)
        %dma_wait3A_1024 = arith.constant 0 : i32
        %dma_wait3A_1025 = tpu.memref_slice %arg4[%add3A_41, %dma_wait3A_1024] : memref<5120x128xi32, #tpu.memory_space<hbm>> -> memref<16x128xi32, #tpu.memory_space<hbm>>
        %dma_wait3A_1026 = arith.constant 0 : i32
        %dma_wait3A_1027 = tpu.memref_slice %arg4[%add3A_41, %dma_wait3A_1026] : memref<5120x128xi32, #tpu.memory_space<hbm>> -> memref<16x128xi32, #tpu.memory_space<hbm>>
        tpu.wait_dma2 semaphore(%run_scoped3A : memref<!tpu.dma_semaphore, #tpu.memory_space<semaphore_mem>>) src(%dma_wait3A_1027 : memref<16x128xi32, #tpu.memory_space<hbm>>) dst(%arg9 : memref<16x128xi32, #tpu.memory_space<vmem>>)
        tpu.yield
      }) : () -> ()
      %dma_start3A = arith.constant 0 : i32
      %dma_start3A_46 = arith.constant 0 : i32
      %dma_start3A_47 = tpu.memref_slice %arg8[%dma_start3A, %dma_start3A_46] : memref<16x128xi32, #tpu.memory_space<vmem>> -> memref<1x128xi32, #tpu.memory_space<vmem>>
      %dma_start3A_48 = tpu.memref_squeeze %dma_start3A_47 : memref<1x128xi32, #tpu.memory_space<vmem>> -> memref<128xi32, #tpu.memory_space<vmem>>
      %dma_start3A_49 = arith.constant 0 : i32
      %dma_start3A_50 = arith.constant 0 : i32
      %dma_start3A_51 = tpu.memref_slice %arg2[%dma_start3A_49, %dma_start3A_50] : memref<20000x64xf32, #tpu.memory_space<hbm>> -> memref<20000x64xf32, #tpu.memory_space<hbm>>
      tpu.enqueue_indirect_dma source(%dma_start3A_51 : memref<20000x64xf32, #tpu.memory_space<hbm>>) target(%arg10 : memref<128x64xf32, #tpu.memory_space<vmem>>) offsets(%dma_start3A_48 : memref<128xi32, #tpu.memory_space<vmem>>) semaphore(%arg20 : memref<!tpu.dma_semaphore, #tpu.memory_space<semaphore_mem>>)
      %mul3A_52 = arith.constant 0 : i32
      %mul3A_53 = arith.muli %mul3A_52, %select_n3A_10 : i32
      %add3A_54 = arith.addi %add3A_45, %mul3A_53 : i32
      %dma_start3A_55 = arith.constant 0 : i32
      %dma_start3A_56 = arith.constant 0 : i32
      %dma_start3A_57 = tpu.memref_slice %arg5[%add3A_54, %dma_start3A_55, %dma_start3A_56] : memref<2561x128x16xf32, #tpu.memory_space<hbm>> -> memref<1x128x16xf32, #tpu.memory_space<hbm>>
      %dma_start3A_58 = tpu.memref_squeeze %dma_start3A_57 : memref<1x128x16xf32, #tpu.memory_space<hbm>> -> memref<128x16xf32, #tpu.memory_space<hbm>>
      %dma_start3A_59 = arith.constant 0 : i32
      %dma_start3A_60 = arith.constant 0 : i32
      %dma_start3A_61 = tpu.memref_slice %arg5[%add3A_54, %dma_start3A_59, %dma_start3A_60] : memref<2561x128x16xf32, #tpu.memory_space<hbm>> -> memref<1x128x16xf32, #tpu.memory_space<hbm>>
      %dma_start3A_62 = tpu.memref_squeeze %dma_start3A_61 : memref<1x128x16xf32, #tpu.memory_space<hbm>> -> memref<128x16xf32, #tpu.memory_space<hbm>>
      tpu.enqueue_dma source(%dma_start3A_62 : memref<128x16xf32, #tpu.memory_space<hbm>>) target(%arg14 : memref<128x16xf32, #tpu.memory_space<vmem>>) target_semaphore(%arg24 : memref<!tpu.dma_semaphore, #tpu.memory_space<semaphore_mem>>)
      %dma_start3A_63 = arith.constant 1 : i32
      %dma_start3A_64 = arith.constant 0 : i32
      %dma_start3A_65 = tpu.memref_slice %arg8[%dma_start3A_63, %dma_start3A_64] : memref<16x128xi32, #tpu.memory_space<vmem>> -> memref<1x128xi32, #tpu.memory_space<vmem>>
      %dma_start3A_66 = tpu.memref_squeeze %dma_start3A_65 : memref<1x128xi32, #tpu.memory_space<vmem>> -> memref<128xi32, #tpu.memory_space<vmem>>
      %dma_start3A_67 = arith.constant 0 : i32
      %dma_start3A_68 = arith.constant 0 : i32
      %dma_start3A_69 = tpu.memref_slice %arg2[%dma_start3A_67, %dma_start3A_68] : memref<20000x64xf32, #tpu.memory_space<hbm>> -> memref<20000x64xf32, #tpu.memory_space<hbm>>
      tpu.enqueue_indirect_dma source(%dma_start3A_69 : memref<20000x64xf32, #tpu.memory_space<hbm>>) target(%arg11 : memref<128x64xf32, #tpu.memory_space<vmem>>) offsets(%dma_start3A_66 : memref<128xi32, #tpu.memory_space<vmem>>) semaphore(%arg21 : memref<!tpu.dma_semaphore, #tpu.memory_space<semaphore_mem>>)
      %mul3A_70 = arith.constant 1 : i32
      %mul3A_71 = arith.muli %mul3A_70, %select_n3A_10 : i32
      %add3A_72 = arith.addi %add3A_45, %mul3A_71 : i32
      %dma_start3A_73 = arith.constant 0 : i32
      %dma_start3A_74 = arith.constant 0 : i32
      %dma_start3A_75 = tpu.memref_slice %arg5[%add3A_72, %dma_start3A_73, %dma_start3A_74] : memref<2561x128x16xf32, #tpu.memory_space<hbm>> -> memref<1x128x16xf32, #tpu.memory_space<hbm>>
      %dma_start3A_76 = tpu.memref_squeeze %dma_start3A_75 : memref<1x128x16xf32, #tpu.memory_space<hbm>> -> memref<128x16xf32, #tpu.memory_space<hbm>>
      %dma_start3A_77 = arith.constant 0 : i32
      %dma_start3A_78 = arith.constant 0 : i32
      %dma_start3A_79 = tpu.memref_slice %arg5[%add3A_72, %dma_start3A_77, %dma_start3A_78] : memref<2561x128x16xf32, #tpu.memory_space<hbm>> -> memref<1x128x16xf32, #tpu.memory_space<hbm>>
      %dma_start3A_80 = tpu.memref_squeeze %dma_start3A_79 : memref<1x128x16xf32, #tpu.memory_space<hbm>> -> memref<128x16xf32, #tpu.memory_space<hbm>>
      tpu.enqueue_dma source(%dma_start3A_80 : memref<128x16xf32, #tpu.memory_space<hbm>>) target(%arg15 : memref<128x16xf32, #tpu.memory_space<vmem>>) target_semaphore(%arg25 : memref<!tpu.dma_semaphore, #tpu.memory_space<semaphore_mem>>)
      %dma_start3A_81 = arith.constant 2 : i32
      %dma_start3A_82 = arith.constant 0 : i32
      %dma_start3A_83 = tpu.memref_slice %arg8[%dma_start3A_81, %dma_start3A_82] : memref<16x128xi32, #tpu.memory_space<vmem>> -> memref<1x128xi32, #tpu.memory_space<vmem>>
      %dma_start3A_84 = tpu.memref_squeeze %dma_start3A_83 : memref<1x128xi32, #tpu.memory_space<vmem>> -> memref<128xi32, #tpu.memory_space<vmem>>
      %dma_start3A_85 = arith.constant 0 : i32
      %dma_start3A_86 = arith.constant 0 : i32
      %dma_start3A_87 = tpu.memref_slice %arg2[%dma_start3A_85, %dma_start3A_86] : memref<20000x64xf32, #tpu.memory_space<hbm>> -> memref<20000x64xf32, #tpu.memory_space<hbm>>
      tpu.enqueue_indirect_dma source(%dma_start3A_87 : memref<20000x64xf32, #tpu.memory_space<hbm>>) target(%arg12 : memref<128x64xf32, #tpu.memory_space<vmem>>) offsets(%dma_start3A_84 : memref<128xi32, #tpu.memory_space<vmem>>) semaphore(%arg22 : memref<!tpu.dma_semaphore, #tpu.memory_space<semaphore_mem>>)
      %mul3A_88 = arith.constant 2 : i32
      %mul3A_89 = arith.muli %mul3A_88, %select_n3A_10 : i32
      %add3A_90 = arith.addi %add3A_45, %mul3A_89 : i32
      %dma_start3A_91 = arith.constant 0 : i32
      %dma_start3A_92 = arith.constant 0 : i32
      %dma_start3A_93 = tpu.memref_slice %arg5[%add3A_90, %dma_start3A_91, %dma_start3A_92] : memref<2561x128x16xf32, #tpu.memory_space<hbm>> -> memref<1x128x16xf32, #tpu.memory_space<hbm>>
      %dma_start3A_94 = tpu.memref_squeeze %dma_start3A_93 : memref<1x128x16xf32, #tpu.memory_space<hbm>> -> memref<128x16xf32, #tpu.memory_space<hbm>>
      %dma_start3A_95 = arith.constant 0 : i32
      %dma_start3A_96 = arith.constant 0 : i32
      %dma_start3A_97 = tpu.memref_slice %arg5[%add3A_90, %dma_start3A_95, %dma_start3A_96] : memref<2561x128x16xf32, #tpu.memory_space<hbm>> -> memref<1x128x16xf32, #tpu.memory_space<hbm>>
      %dma_start3A_98 = tpu.memref_squeeze %dma_start3A_97 : memref<1x128x16xf32, #tpu.memory_space<hbm>> -> memref<128x16xf32, #tpu.memory_space<hbm>>
      tpu.enqueue_dma source(%dma_start3A_98 : memref<128x16xf32, #tpu.memory_space<hbm>>) target(%arg16 : memref<128x16xf32, #tpu.memory_space<vmem>>) target_semaphore(%arg26 : memref<!tpu.dma_semaphore, #tpu.memory_space<semaphore_mem>>)
      %dma_start3A_99 = arith.constant 3 : i32
      %dma_start3A_100 = arith.constant 0 : i32
      %dma_start3A_101 = tpu.memref_slice %arg8[%dma_start3A_99, %dma_start3A_100] : memref<16x128xi32, #tpu.memory_space<vmem>> -> memref<1x128xi32, #tpu.memory_space<vmem>>
      %dma_start3A_102 = tpu.memref_squeeze %dma_start3A_101 : memref<1x128xi32, #tpu.memory_space<vmem>> -> memref<128xi32, #tpu.memory_space<vmem>>
      %dma_start3A_103 = arith.constant 0 : i32
      %dma_start3A_104 = arith.constant 0 : i32
      %dma_start3A_105 = tpu.memref_slice %arg2[%dma_start3A_103, %dma_start3A_104] : memref<20000x64xf32, #tpu.memory_space<hbm>> -> memref<20000x64xf32, #tpu.memory_space<hbm>>
      tpu.enqueue_indirect_dma source(%dma_start3A_105 : memref<20000x64xf32, #tpu.memory_space<hbm>>) target(%arg13 : memref<128x64xf32, #tpu.memory_space<vmem>>) offsets(%dma_start3A_102 : memref<128xi32, #tpu.memory_space<vmem>>) semaphore(%arg23 : memref<!tpu.dma_semaphore, #tpu.memory_space<semaphore_mem>>)
      %mul3A_106 = arith.constant 3 : i32
      %mul3A_107 = arith.muli %mul3A_106, %select_n3A_10 : i32
      %add3A_108 = arith.addi %add3A_45, %mul3A_107 : i32
      %dma_start3A_109 = arith.constant 0 : i32
      %dma_start3A_110 = arith.constant 0 : i32
      %dma_start3A_111 = tpu.memref_slice %arg5[%add3A_108, %dma_start3A_109, %dma_start3A_110] : memref<2561x128x16xf32, #tpu.memory_space<hbm>> -> memref<1x128x16xf32, #tpu.memory_space<hbm>>
      %dma_start3A_112 = tpu.memref_squeeze %dma_start3A_111 : memref<1x128x16xf32, #tpu.memory_space<hbm>> -> memref<128x16xf32, #tpu.memory_space<hbm>>
      %dma_start3A_113 = arith.constant 0 : i32
      %dma_start3A_114 = arith.constant 0 : i32
      %dma_start3A_115 = tpu.memref_slice %arg5[%add3A_108, %dma_start3A_113, %dma_start3A_114] : memref<2561x128x16xf32, #tpu.memory_space<hbm>> -> memref<1x128x16xf32, #tpu.memory_space<hbm>>
      %dma_start3A_116 = tpu.memref_squeeze %dma_start3A_115 : memref<1x128x16xf32, #tpu.memory_space<hbm>> -> memref<128x16xf32, #tpu.memory_space<hbm>>
      tpu.enqueue_dma source(%dma_start3A_116 : memref<128x16xf32, #tpu.memory_space<hbm>>) target(%arg17 : memref<128x16xf32, #tpu.memory_space<vmem>>) target_semaphore(%arg27 : memref<!tpu.dma_semaphore, #tpu.memory_space<semaphore_mem>>)
      %dma_wait3A = arith.constant 0 : i32
      %dma_wait3A_117 = arith.constant 0 : i32
      %dma_wait3A_118 = tpu.memref_slice %arg8[%dma_wait3A, %dma_wait3A_117] : memref<16x128xi32, #tpu.memory_space<vmem>> -> memref<1x128xi32, #tpu.memory_space<vmem>>
      %dma_wait3A_119 = tpu.memref_squeeze %dma_wait3A_118 : memref<1x128xi32, #tpu.memory_space<vmem>> -> memref<128xi32, #tpu.memory_space<vmem>>
      %dma_wait3A_120 = arith.constant 0 : i32
      %dma_wait3A_121 = arith.constant 0 : i32
      %dma_wait3A_122 = tpu.memref_slice %arg2[%dma_wait3A_120, %dma_wait3A_121] : memref<20000x64xf32, #tpu.memory_space<hbm>> -> memref<20000x64xf32, #tpu.memory_space<hbm>>
      tpu.wait_indirect_dma semaphore(%arg20 : memref<!tpu.dma_semaphore, #tpu.memory_space<semaphore_mem>>) src(%dma_wait3A_122 : memref<20000x64xf32, #tpu.memory_space<hbm>>) dst(%arg10 : memref<128x64xf32, #tpu.memory_space<vmem>>)
      %dma_start3A_123 = arith.constant 0 : i32
      %dma_start3A_124 = arith.constant 0 : i32
      %dma_start3A_125 = tpu.memref_slice %arg9[%dma_start3A_123, %dma_start3A_124] : memref<16x128xi32, #tpu.memory_space<vmem>> -> memref<1x128xi32, #tpu.memory_space<vmem>>
      %dma_start3A_126 = tpu.memref_squeeze %dma_start3A_125 : memref<1x128xi32, #tpu.memory_space<vmem>> -> memref<128xi32, #tpu.memory_space<vmem>>
      %dma_start3A_127 = arith.constant 0 : i32
      %dma_start3A_128 = arith.constant 0 : i32
      %dma_start3A_129 = tpu.memref_slice %arg18[%dma_start3A_127, %dma_start3A_128] : memref<10240x64xf32, #tpu.memory_space<vmem_shared>> -> memref<10240x64xf32, #tpu.memory_space<vmem_shared>>
      tpu.enqueue_indirect_dma source(%arg10 : memref<128x64xf32, #tpu.memory_space<vmem>>) target(%dma_start3A_129 : memref<10240x64xf32, #tpu.memory_space<vmem_shared>>) offsets(%dma_start3A_126 : memref<128xi32, #tpu.memory_space<vmem>>) semaphore(%arg28 : memref<!tpu.dma_semaphore, #tpu.memory_space<semaphore_mem>>) {add = true}
      %dma_wait3A_130 = arith.constant 0 : i32
      %dma_wait3A_131 = arith.constant 0 : i32
      %dma_wait3A_132 = tpu.memref_slice %arg5[%add3A_54, %dma_wait3A_130, %dma_wait3A_131] : memref<2561x128x16xf32, #tpu.memory_space<hbm>> -> memref<1x128x16xf32, #tpu.memory_space<hbm>>
      %dma_wait3A_133 = tpu.memref_squeeze %dma_wait3A_132 : memref<1x128x16xf32, #tpu.memory_space<hbm>> -> memref<128x16xf32, #tpu.memory_space<hbm>>
      %dma_wait3A_134 = arith.constant 0 : i32
      %dma_wait3A_135 = arith.constant 0 : i32
      %dma_wait3A_136 = tpu.memref_slice %arg5[%add3A_54, %dma_wait3A_134, %dma_wait3A_135] : memref<2561x128x16xf32, #tpu.memory_space<hbm>> -> memref<1x128x16xf32, #tpu.memory_space<hbm>>
      %dma_wait3A_137 = tpu.memref_squeeze %dma_wait3A_136 : memref<1x128x16xf32, #tpu.memory_space<hbm>> -> memref<128x16xf32, #tpu.memory_space<hbm>>
      tpu.wait_dma2 semaphore(%arg24 : memref<!tpu.dma_semaphore, #tpu.memory_space<semaphore_mem>>) src(%dma_wait3A_137 : memref<128x16xf32, #tpu.memory_space<hbm>>) dst(%arg14 : memref<128x16xf32, #tpu.memory_space<vmem>>)
      %dma_start3A_138 = arith.constant 0 : i32
      %dma_start3A_139 = arith.constant 0 : i32
      %dma_start3A_140 = tpu.memref_slice %arg9[%dma_start3A_138, %dma_start3A_139] : memref<16x128xi32, #tpu.memory_space<vmem>> -> memref<1x128xi32, #tpu.memory_space<vmem>>
      %dma_start3A_141 = tpu.memref_squeeze %dma_start3A_140 : memref<1x128xi32, #tpu.memory_space<vmem>> -> memref<128xi32, #tpu.memory_space<vmem>>
      %dma_start3A_142 = arith.constant 0 : i32
      %dma_start3A_143 = arith.constant 0 : i32
      %dma_start3A_144 = tpu.memref_slice %arg19[%dma_start3A_142, %dma_start3A_143] : memref<10240x16xf32, #tpu.memory_space<vmem_shared>> -> memref<10240x16xf32, #tpu.memory_space<vmem_shared>>
      tpu.enqueue_indirect_dma source(%arg14 : memref<128x16xf32, #tpu.memory_space<vmem>>) target(%dma_start3A_144 : memref<10240x16xf32, #tpu.memory_space<vmem_shared>>) offsets(%dma_start3A_141 : memref<128xi32, #tpu.memory_space<vmem>>) semaphore(%arg32 : memref<!tpu.dma_semaphore, #tpu.memory_space<semaphore_mem>>) {add = true}
      %dma_wait3A_145 = arith.constant 0 : i32
      %dma_wait3A_146 = arith.constant 0 : i32
      %dma_wait3A_147 = tpu.memref_slice %arg9[%dma_wait3A_145, %dma_wait3A_146] : memref<16x128xi32, #tpu.memory_space<vmem>> -> memref<1x128xi32, #tpu.memory_space<vmem>>
      %dma_wait3A_148 = tpu.memref_squeeze %dma_wait3A_147 : memref<1x128xi32, #tpu.memory_space<vmem>> -> memref<128xi32, #tpu.memory_space<vmem>>
      %dma_wait3A_149 = arith.constant 0 : i32
      %dma_wait3A_150 = arith.constant 0 : i32
      %dma_wait3A_151 = tpu.memref_slice %arg18[%dma_wait3A_149, %dma_wait3A_150] : memref<10240x64xf32, #tpu.memory_space<vmem_shared>> -> memref<10240x64xf32, #tpu.memory_space<vmem_shared>>
      tpu.wait_indirect_dma semaphore(%arg28 : memref<!tpu.dma_semaphore, #tpu.memory_space<semaphore_mem>>) src(%arg10 : memref<128x64xf32, #tpu.memory_space<vmem>>) dst(%dma_wait3A_151 : memref<10240x64xf32, #tpu.memory_space<vmem_shared>>)
      %dma_wait3A_152 = arith.constant 0 : i32
      %dma_wait3A_153 = arith.constant 0 : i32
      %dma_wait3A_154 = tpu.memref_slice %arg9[%dma_wait3A_152, %dma_wait3A_153] : memref<16x128xi32, #tpu.memory_space<vmem>> -> memref<1x128xi32, #tpu.memory_space<vmem>>
      %dma_wait3A_155 = tpu.memref_squeeze %dma_wait3A_154 : memref<1x128xi32, #tpu.memory_space<vmem>> -> memref<128xi32, #tpu.memory_space<vmem>>
      %dma_wait3A_156 = arith.constant 0 : i32
      %dma_wait3A_157 = arith.constant 0 : i32
      %dma_wait3A_158 = tpu.memref_slice %arg19[%dma_wait3A_156, %dma_wait3A_157] : memref<10240x16xf32, #tpu.memory_space<vmem_shared>> -> memref<10240x16xf32, #tpu.memory_space<vmem_shared>>
      tpu.wait_indirect_dma semaphore(%arg32 : memref<!tpu.dma_semaphore, #tpu.memory_space<semaphore_mem>>) src(%arg14 : memref<128x16xf32, #tpu.memory_space<vmem>>) dst(%dma_wait3A_158 : memref<10240x16xf32, #tpu.memory_space<vmem_shared>>)
      %dma_start3A_159 = arith.constant 4 : i32
      %dma_start3A_160 = arith.constant 0 : i32
      %dma_start3A_161 = tpu.memref_slice %arg8[%dma_start3A_159, %dma_start3A_160] : memref<16x128xi32, #tpu.memory_space<vmem>> -> memref<1x128xi32, #tpu.memory_space<vmem>>
      %dma_start3A_162 = tpu.memref_squeeze %dma_start3A_161 : memref<1x128xi32, #tpu.memory_space<vmem>> -> memref<128xi32, #tpu.memory_space<vmem>>
      %dma_start3A_163 = arith.constant 0 : i32
      %dma_start3A_164 = arith.constant 0 : i32
      %dma_start3A_165 = tpu.memref_slice %arg2[%dma_start3A_163, %dma_start3A_164] : memref<20000x64xf32, #tpu.memory_space<hbm>> -> memref<20000x64xf32, #tpu.memory_space<hbm>>
      tpu.enqueue_indirect_dma source(%dma_start3A_165 : memref<20000x64xf32, #tpu.memory_space<hbm>>) target(%arg10 : memref<128x64xf32, #tpu.memory_space<vmem>>) offsets(%dma_start3A_162 : memref<128xi32, #tpu.memory_space<vmem>>) semaphore(%arg20 : memref<!tpu.dma_semaphore, #tpu.memory_space<semaphore_mem>>)
      %mul3A_166 = arith.constant 4 : i32
      %mul3A_167 = arith.muli %mul3A_166, %select_n3A_10 : i32
      %add3A_168 = arith.addi %add3A_45, %mul3A_167 : i32
      %dma_start3A_169 = arith.constant 0 : i32
      %dma_start3A_170 = arith.constant 0 : i32
      %dma_start3A_171 = tpu.memref_slice %arg5[%add3A_168, %dma_start3A_169, %dma_start3A_170] : memref<2561x128x16xf32, #tpu.memory_space<hbm>> -> memref<1x128x16xf32, #tpu.memory_space<hbm>>
      %dma_start3A_172 = tpu.memref_squeeze %dma_start3A_171 : memref<1x128x16xf32, #tpu.memory_space<hbm>> -> memref<128x16xf32, #tpu.memory_space<hbm>>
      %dma_start3A_173 = arith.constant 0 : i32
      %dma_start3A_174 = arith.constant 0 : i32
      %dma_start3A_175 = tpu.memref_slice %arg5[%add3A_168, %dma_start3A_173, %dma_start3A_174] : memref<2561x128x16xf32, #tpu.memory_space<hbm>> -> memref<1x128x16xf32, #tpu.memory_space<hbm>>
      %dma_start3A_176 = tpu.memref_squeeze %dma_start3A_175 : memref<1x128x16xf32, #tpu.memory_space<hbm>> -> memref<128x16xf32, #tpu.memory_space<hbm>>
      tpu.enqueue_dma source(%dma_start3A_176 : memref<128x16xf32, #tpu.memory_space<hbm>>) target(%arg14 : memref<128x16xf32, #tpu.memory_space<vmem>>) target_semaphore(%arg24 : memref<!tpu.dma_semaphore, #tpu.memory_space<semaphore_mem>>)
      %dma_wait3A_177 = arith.constant 1 : i32
      %dma_wait3A_178 = arith.constant 0 : i32
      %dma_wait3A_179 = tpu.memref_slice %arg8[%dma_wait3A_177, %dma_wait3A_178] : memref<16x128xi32, #tpu.memory_space<vmem>> -> memref<1x128xi32, #tpu.memory_space<vmem>>
      %dma_wait3A_180 = tpu.memref_squeeze %dma_wait3A_179 : memref<1x128xi32, #tpu.memory_space<vmem>> -> memref<128xi32, #tpu.memory_space<vmem>>
      %dma_wait3A_181 = arith.constant 0 : i32
      %dma_wait3A_182 = arith.constant 0 : i32
      %dma_wait3A_183 = tpu.memref_slice %arg2[%dma_wait3A_181, %dma_wait3A_182] : memref<20000x64xf32, #tpu.memory_space<hbm>> -> memref<20000x64xf32, #tpu.memory_space<hbm>>
      tpu.wait_indirect_dma semaphore(%arg21 : memref<!tpu.dma_semaphore, #tpu.memory_space<semaphore_mem>>) src(%dma_wait3A_183 : memref<20000x64xf32, #tpu.memory_space<hbm>>) dst(%arg11 : memref<128x64xf32, #tpu.memory_space<vmem>>)
      %dma_start3A_184 = arith.constant 1 : i32
      %dma_start3A_185 = arith.constant 0 : i32
      %dma_start3A_186 = tpu.memref_slice %arg9[%dma_start3A_184, %dma_start3A_185] : memref<16x128xi32, #tpu.memory_space<vmem>> -> memref<1x128xi32, #tpu.memory_space<vmem>>
      %dma_start3A_187 = tpu.memref_squeeze %dma_start3A_186 : memref<1x128xi32, #tpu.memory_space<vmem>> -> memref<128xi32, #tpu.memory_space<vmem>>
      %dma_start3A_188 = arith.constant 0 : i32
      %dma_start3A_189 = arith.constant 0 : i32
      %dma_start3A_190 = tpu.memref_slice %arg18[%dma_start3A_188, %dma_start3A_189] : memref<10240x64xf32, #tpu.memory_space<vmem_shared>> -> memref<10240x64xf32, #tpu.memory_space<vmem_shared>>
      tpu.enqueue_indirect_dma source(%arg11 : memref<128x64xf32, #tpu.memory_space<vmem>>) target(%dma_start3A_190 : memref<10240x64xf32, #tpu.memory_space<vmem_shared>>) offsets(%dma_start3A_187 : memref<128xi32, #tpu.memory_space<vmem>>) semaphore(%arg29 : memref<!tpu.dma_semaphore, #tpu.memory_space<semaphore_mem>>) {add = true}
      %dma_wait3A_191 = arith.constant 0 : i32
      %dma_wait3A_192 = arith.constant 0 : i32
      %dma_wait3A_193 = tpu.memref_slice %arg5[%add3A_72, %dma_wait3A_191, %dma_wait3A_192] : memref<2561x128x16xf32, #tpu.memory_space<hbm>> -> memref<1x128x16xf32, #tpu.memory_space<hbm>>
      %dma_wait3A_194 = tpu.memref_squeeze %dma_wait3A_193 : memref<1x128x16xf32, #tpu.memory_space<hbm>> -> memref<128x16xf32, #tpu.memory_space<hbm>>
      %dma_wait3A_195 = arith.constant 0 : i32
      %dma_wait3A_196 = arith.constant 0 : i32
      %dma_wait3A_197 = tpu.memref_slice %arg5[%add3A_72, %dma_wait3A_195, %dma_wait3A_196] : memref<2561x128x16xf32, #tpu.memory_space<hbm>> -> memref<1x128x16xf32, #tpu.memory_space<hbm>>
      %dma_wait3A_198 = tpu.memref_squeeze %dma_wait3A_197 : memref<1x128x16xf32, #tpu.memory_space<hbm>> -> memref<128x16xf32, #tpu.memory_space<hbm>>
      tpu.wait_dma2 semaphore(%arg25 : memref<!tpu.dma_semaphore, #tpu.memory_space<semaphore_mem>>) src(%dma_wait3A_198 : memref<128x16xf32, #tpu.memory_space<hbm>>) dst(%arg15 : memref<128x16xf32, #tpu.memory_space<vmem>>)
      %dma_start3A_199 = arith.constant 1 : i32
      %dma_start3A_200 = arith.constant 0 : i32
      %dma_start3A_201 = tpu.memref_slice %arg9[%dma_start3A_199, %dma_start3A_200] : memref<16x128xi32, #tpu.memory_space<vmem>> -> memref<1x128xi32, #tpu.memory_space<vmem>>
      %dma_start3A_202 = tpu.memref_squeeze %dma_start3A_201 : memref<1x128xi32, #tpu.memory_space<vmem>> -> memref<128xi32, #tpu.memory_space<vmem>>
      %dma_start3A_203 = arith.constant 0 : i32
      %dma_start3A_204 = arith.constant 0 : i32
      %dma_start3A_205 = tpu.memref_slice %arg19[%dma_start3A_203, %dma_start3A_204] : memref<10240x16xf32, #tpu.memory_space<vmem_shared>> -> memref<10240x16xf32, #tpu.memory_space<vmem_shared>>
      tpu.enqueue_indirect_dma source(%arg15 : memref<128x16xf32, #tpu.memory_space<vmem>>) target(%dma_start3A_205 : memref<10240x16xf32, #tpu.memory_space<vmem_shared>>) offsets(%dma_start3A_202 : memref<128xi32, #tpu.memory_space<vmem>>) semaphore(%arg33 : memref<!tpu.dma_semaphore, #tpu.memory_space<semaphore_mem>>) {add = true}
      %dma_wait3A_206 = arith.constant 1 : i32
      %dma_wait3A_207 = arith.constant 0 : i32
      %dma_wait3A_208 = tpu.memref_slice %arg9[%dma_wait3A_206, %dma_wait3A_207] : memref<16x128xi32, #tpu.memory_space<vmem>> -> memref<1x128xi32, #tpu.memory_space<vmem>>
      %dma_wait3A_209 = tpu.memref_squeeze %dma_wait3A_208 : memref<1x128xi32, #tpu.memory_space<vmem>> -> memref<128xi32, #tpu.memory_space<vmem>>
      %dma_wait3A_210 = arith.constant 0 : i32
      %dma_wait3A_211 = arith.constant 0 : i32
      %dma_wait3A_212 = tpu.memref_slice %arg18[%dma_wait3A_210, %dma_wait3A_211] : memref<10240x64xf32, #tpu.memory_space<vmem_shared>> -> memref<10240x64xf32, #tpu.memory_space<vmem_shared>>
      tpu.wait_indirect_dma semaphore(%arg29 : memref<!tpu.dma_semaphore, #tpu.memory_space<semaphore_mem>>) src(%arg11 : memref<128x64xf32, #tpu.memory_space<vmem>>) dst(%dma_wait3A_212 : memref<10240x64xf32, #tpu.memory_space<vmem_shared>>)
      %dma_wait3A_213 = arith.constant 1 : i32
      %dma_wait3A_214 = arith.constant 0 : i32
      %dma_wait3A_215 = tpu.memref_slice %arg9[%dma_wait3A_213, %dma_wait3A_214] : memref<16x128xi32, #tpu.memory_space<vmem>> -> memref<1x128xi32, #tpu.memory_space<vmem>>
      %dma_wait3A_216 = tpu.memref_squeeze %dma_wait3A_215 : memref<1x128xi32, #tpu.memory_space<vmem>> -> memref<128xi32, #tpu.memory_space<vmem>>
      %dma_wait3A_217 = arith.constant 0 : i32
      %dma_wait3A_218 = arith.constant 0 : i32
      %dma_wait3A_219 = tpu.memref_slice %arg19[%dma_wait3A_217, %dma_wait3A_218] : memref<10240x16xf32, #tpu.memory_space<vmem_shared>> -> memref<10240x16xf32, #tpu.memory_space<vmem_shared>>
      tpu.wait_indirect_dma semaphore(%arg33 : memref<!tpu.dma_semaphore, #tpu.memory_space<semaphore_mem>>) src(%arg15 : memref<128x16xf32, #tpu.memory_space<vmem>>) dst(%dma_wait3A_219 : memref<10240x16xf32, #tpu.memory_space<vmem_shared>>)
      %dma_start3A_220 = arith.constant 5 : i32
      %dma_start3A_221 = arith.constant 0 : i32
      %dma_start3A_222 = tpu.memref_slice %arg8[%dma_start3A_220, %dma_start3A_221] : memref<16x128xi32, #tpu.memory_space<vmem>> -> memref<1x128xi32, #tpu.memory_space<vmem>>
      %dma_start3A_223 = tpu.memref_squeeze %dma_start3A_222 : memref<1x128xi32, #tpu.memory_space<vmem>> -> memref<128xi32, #tpu.memory_space<vmem>>
      %dma_start3A_224 = arith.constant 0 : i32
      %dma_start3A_225 = arith.constant 0 : i32
      %dma_start3A_226 = tpu.memref_slice %arg2[%dma_start3A_224, %dma_start3A_225] : memref<20000x64xf32, #tpu.memory_space<hbm>> -> memref<20000x64xf32, #tpu.memory_space<hbm>>
      tpu.enqueue_indirect_dma source(%dma_start3A_226 : memref<20000x64xf32, #tpu.memory_space<hbm>>) target(%arg11 : memref<128x64xf32, #tpu.memory_space<vmem>>) offsets(%dma_start3A_223 : memref<128xi32, #tpu.memory_space<vmem>>) semaphore(%arg21 : memref<!tpu.dma_semaphore, #tpu.memory_space<semaphore_mem>>)
      %mul3A_227 = arith.constant 5 : i32
      %mul3A_228 = arith.muli %mul3A_227, %select_n3A_10 : i32
      %add3A_229 = arith.addi %add3A_45, %mul3A_228 : i32
      %dma_start3A_230 = arith.constant 0 : i32
      %dma_start3A_231 = arith.constant 0 : i32
      %dma_start3A_232 = tpu.memref_slice %arg5[%add3A_229, %dma_start3A_230, %dma_start3A_231] : memref<2561x128x16xf32, #tpu.memory_space<hbm>> -> memref<1x128x16xf32, #tpu.memory_space<hbm>>
      %dma_start3A_233 = tpu.memref_squeeze %dma_start3A_232 : memref<1x128x16xf32, #tpu.memory_space<hbm>> -> memref<128x16xf32, #tpu.memory_space<hbm>>
      %dma_start3A_234 = arith.constant 0 : i32
      %dma_start3A_235 = arith.constant 0 : i32
      %dma_start3A_236 = tpu.memref_slice %arg5[%add3A_229, %dma_start3A_234, %dma_start3A_235] : memref<2561x128x16xf32, #tpu.memory_space<hbm>> -> memref<1x128x16xf32, #tpu.memory_space<hbm>>
      %dma_start3A_237 = tpu.memref_squeeze %dma_start3A_236 : memref<1x128x16xf32, #tpu.memory_space<hbm>> -> memref<128x16xf32, #tpu.memory_space<hbm>>
      tpu.enqueue_dma source(%dma_start3A_237 : memref<128x16xf32, #tpu.memory_space<hbm>>) target(%arg15 : memref<128x16xf32, #tpu.memory_space<vmem>>) target_semaphore(%arg25 : memref<!tpu.dma_semaphore, #tpu.memory_space<semaphore_mem>>)
      %dma_wait3A_238 = arith.constant 2 : i32
      %dma_wait3A_239 = arith.constant 0 : i32
      %dma_wait3A_240 = tpu.memref_slice %arg8[%dma_wait3A_238, %dma_wait3A_239] : memref<16x128xi32, #tpu.memory_space<vmem>> -> memref<1x128xi32, #tpu.memory_space<vmem>>
      %dma_wait3A_241 = tpu.memref_squeeze %dma_wait3A_240 : memref<1x128xi32, #tpu.memory_space<vmem>> -> memref<128xi32, #tpu.memory_space<vmem>>
      %dma_wait3A_242 = arith.constant 0 : i32
      %dma_wait3A_243 = arith.constant 0 : i32
      %dma_wait3A_244 = tpu.memref_slice %arg2[%dma_wait3A_242, %dma_wait3A_243] : memref<20000x64xf32, #tpu.memory_space<hbm>> -> memref<20000x64xf32, #tpu.memory_space<hbm>>
      tpu.wait_indirect_dma semaphore(%arg22 : memref<!tpu.dma_semaphore, #tpu.memory_space<semaphore_mem>>) src(%dma_wait3A_244 : memref<20000x64xf32, #tpu.memory_space<hbm>>) dst(%arg12 : memref<128x64xf32, #tpu.memory_space<vmem>>)
      %dma_start3A_245 = arith.constant 2 : i32
      %dma_start3A_246 = arith.constant 0 : i32
      %dma_start3A_247 = tpu.memref_slice %arg9[%dma_start3A_245, %dma_start3A_246] : memref<16x128xi32, #tpu.memory_space<vmem>> -> memref<1x128xi32, #tpu.memory_space<vmem>>
      %dma_start3A_248 = tpu.memref_squeeze %dma_start3A_247 : memref<1x128xi32, #tpu.memory_space<vmem>> -> memref<128xi32, #tpu.memory_space<vmem>>
      %dma_start3A_249 = arith.constant 0 : i32
      %dma_start3A_250 = arith.constant 0 : i32
      %dma_start3A_251 = tpu.memref_slice %arg18[%dma_start3A_249, %dma_start3A_250] : memref<10240x64xf32, #tpu.memory_space<vmem_shared>> -> memref<10240x64xf32, #tpu.memory_space<vmem_shared>>
      tpu.enqueue_indirect_dma source(%arg12 : memref<128x64xf32, #tpu.memory_space<vmem>>) target(%dma_start3A_251 : memref<10240x64xf32, #tpu.memory_space<vmem_shared>>) offsets(%dma_start3A_248 : memref<128xi32, #tpu.memory_space<vmem>>) semaphore(%arg30 : memref<!tpu.dma_semaphore, #tpu.memory_space<semaphore_mem>>) {add = true}
      %dma_wait3A_252 = arith.constant 0 : i32
      %dma_wait3A_253 = arith.constant 0 : i32
      %dma_wait3A_254 = tpu.memref_slice %arg5[%add3A_90, %dma_wait3A_252, %dma_wait3A_253] : memref<2561x128x16xf32, #tpu.memory_space<hbm>> -> memref<1x128x16xf32, #tpu.memory_space<hbm>>
      %dma_wait3A_255 = tpu.memref_squeeze %dma_wait3A_254 : memref<1x128x16xf32, #tpu.memory_space<hbm>> -> memref<128x16xf32, #tpu.memory_space<hbm>>
      %dma_wait3A_256 = arith.constant 0 : i32
      %dma_wait3A_257 = arith.constant 0 : i32
      %dma_wait3A_258 = tpu.memref_slice %arg5[%add3A_90, %dma_wait3A_256, %dma_wait3A_257] : memref<2561x128x16xf32, #tpu.memory_space<hbm>> -> memref<1x128x16xf32, #tpu.memory_space<hbm>>
      %dma_wait3A_259 = tpu.memref_squeeze %dma_wait3A_258 : memref<1x128x16xf32, #tpu.memory_space<hbm>> -> memref<128x16xf32, #tpu.memory_space<hbm>>
      tpu.wait_dma2 semaphore(%arg26 : memref<!tpu.dma_semaphore, #tpu.memory_space<semaphore_mem>>) src(%dma_wait3A_259 : memref<128x16xf32, #tpu.memory_space<hbm>>) dst(%arg16 : memref<128x16xf32, #tpu.memory_space<vmem>>)
      %dma_start3A_260 = arith.constant 2 : i32
      %dma_start3A_261 = arith.constant 0 : i32
      %dma_start3A_262 = tpu.memref_slice %arg9[%dma_start3A_260, %dma_start3A_261] : memref<16x128xi32, #tpu.memory_space<vmem>> -> memref<1x128xi32, #tpu.memory_space<vmem>>
      %dma_start3A_263 = tpu.memref_squeeze %dma_start3A_262 : memref<1x128xi32, #tpu.memory_space<vmem>> -> memref<128xi32, #tpu.memory_space<vmem>>
      %dma_start3A_264 = arith.constant 0 : i32
      %dma_start3A_265 = arith.constant 0 : i32
      %dma_start3A_266 = tpu.memref_slice %arg19[%dma_start3A_264, %dma_start3A_265] : memref<10240x16xf32, #tpu.memory_space<vmem_shared>> -> memref<10240x16xf32, #tpu.memory_space<vmem_shared>>
      tpu.enqueue_indirect_dma source(%arg16 : memref<128x16xf32, #tpu.memory_space<vmem>>) target(%dma_start3A_266 : memref<10240x16xf32, #tpu.memory_space<vmem_shared>>) offsets(%dma_start3A_263 : memref<128xi32, #tpu.memory_space<vmem>>) semaphore(%arg34 : memref<!tpu.dma_semaphore, #tpu.memory_space<semaphore_mem>>) {add = true}
      %dma_wait3A_267 = arith.constant 2 : i32
      %dma_wait3A_268 = arith.constant 0 : i32
      %dma_wait3A_269 = tpu.memref_slice %arg9[%dma_wait3A_267, %dma_wait3A_268] : memref<16x128xi32, #tpu.memory_space<vmem>> -> memref<1x128xi32, #tpu.memory_space<vmem>>
      %dma_wait3A_270 = tpu.memref_squeeze %dma_wait3A_269 : memref<1x128xi32, #tpu.memory_space<vmem>> -> memref<128xi32, #tpu.memory_space<vmem>>
      %dma_wait3A_271 = arith.constant 0 : i32
      %dma_wait3A_272 = arith.constant 0 : i32
      %dma_wait3A_273 = tpu.memref_slice %arg18[%dma_wait3A_271, %dma_wait3A_272] : memref<10240x64xf32, #tpu.memory_space<vmem_shared>> -> memref<10240x64xf32, #tpu.memory_space<vmem_shared>>
      tpu.wait_indirect_dma semaphore(%arg30 : memref<!tpu.dma_semaphore, #tpu.memory_space<semaphore_mem>>) src(%arg12 : memref<128x64xf32, #tpu.memory_space<vmem>>) dst(%dma_wait3A_273 : memref<10240x64xf32, #tpu.memory_space<vmem_shared>>)
      %dma_wait3A_274 = arith.constant 2 : i32
      %dma_wait3A_275 = arith.constant 0 : i32
      %dma_wait3A_276 = tpu.memref_slice %arg9[%dma_wait3A_274, %dma_wait3A_275] : memref<16x128xi32, #tpu.memory_space<vmem>> -> memref<1x128xi32, #tpu.memory_space<vmem>>
      %dma_wait3A_277 = tpu.memref_squeeze %dma_wait3A_276 : memref<1x128xi32, #tpu.memory_space<vmem>> -> memref<128xi32, #tpu.memory_space<vmem>>
      %dma_wait3A_278 = arith.constant 0 : i32
      %dma_wait3A_279 = arith.constant 0 : i32
      %dma_wait3A_280 = tpu.memref_slice %arg19[%dma_wait3A_278, %dma_wait3A_279] : memref<10240x16xf32, #tpu.memory_space<vmem_shared>> -> memref<10240x16xf32, #tpu.memory_space<vmem_shared>>
      tpu.wait_indirect_dma semaphore(%arg34 : memref<!tpu.dma_semaphore, #tpu.memory_space<semaphore_mem>>) src(%arg16 : memref<128x16xf32, #tpu.memory_space<vmem>>) dst(%dma_wait3A_280 : memref<10240x16xf32, #tpu.memory_space<vmem_shared>>)
      %dma_start3A_281 = arith.constant 6 : i32
      %dma_start3A_282 = arith.constant 0 : i32
      %dma_start3A_283 = tpu.memref_slice %arg8[%dma_start3A_281, %dma_start3A_282] : memref<16x128xi32, #tpu.memory_space<vmem>> -> memref<1x128xi32, #tpu.memory_space<vmem>>
      %dma_start3A_284 = tpu.memref_squeeze %dma_start3A_283 : memref<1x128xi32, #tpu.memory_space<vmem>> -> memref<128xi32, #tpu.memory_space<vmem>>
      %dma_start3A_285 = arith.constant 0 : i32
      %dma_start3A_286 = arith.constant 0 : i32
      %dma_start3A_287 = tpu.memref_slice %arg2[%dma_start3A_285, %dma_start3A_286] : memref<20000x64xf32, #tpu.memory_space<hbm>> -> memref<20000x64xf32, #tpu.memory_space<hbm>>
      tpu.enqueue_indirect_dma source(%dma_start3A_287 : memref<20000x64xf32, #tpu.memory_space<hbm>>) target(%arg12 : memref<128x64xf32, #tpu.memory_space<vmem>>) offsets(%dma_start3A_284 : memref<128xi32, #tpu.memory_space<vmem>>) semaphore(%arg22 : memref<!tpu.dma_semaphore, #tpu.memory_space<semaphore_mem>>)
      %mul3A_288 = arith.constant 6 : i32
      %mul3A_289 = arith.muli %mul3A_288, %select_n3A_10 : i32
      %add3A_290 = arith.addi %add3A_45, %mul3A_289 : i32
      %dma_start3A_291 = arith.constant 0 : i32
      %dma_start3A_292 = arith.constant 0 : i32
      %dma_start3A_293 = tpu.memref_slice %arg5[%add3A_290, %dma_start3A_291, %dma_start3A_292] : memref<2561x128x16xf32, #tpu.memory_space<hbm>> -> memref<1x128x16xf32, #tpu.memory_space<hbm>>
      %dma_start3A_294 = tpu.memref_squeeze %dma_start3A_293 : memref<1x128x16xf32, #tpu.memory_space<hbm>> -> memref<128x16xf32, #tpu.memory_space<hbm>>
      %dma_start3A_295 = arith.constant 0 : i32
      %dma_start3A_296 = arith.constant 0 : i32
      %dma_start3A_297 = tpu.memref_slice %arg5[%add3A_290, %dma_start3A_295, %dma_start3A_296] : memref<2561x128x16xf32, #tpu.memory_space<hbm>> -> memref<1x128x16xf32, #tpu.memory_space<hbm>>
      %dma_start3A_298 = tpu.memref_squeeze %dma_start3A_297 : memref<1x128x16xf32, #tpu.memory_space<hbm>> -> memref<128x16xf32, #tpu.memory_space<hbm>>
      tpu.enqueue_dma source(%dma_start3A_298 : memref<128x16xf32, #tpu.memory_space<hbm>>) target(%arg16 : memref<128x16xf32, #tpu.memory_space<vmem>>) target_semaphore(%arg26 : memref<!tpu.dma_semaphore, #tpu.memory_space<semaphore_mem>>)
      %dma_wait3A_299 = arith.constant 3 : i32
      %dma_wait3A_300 = arith.constant 0 : i32
      %dma_wait3A_301 = tpu.memref_slice %arg8[%dma_wait3A_299, %dma_wait3A_300] : memref<16x128xi32, #tpu.memory_space<vmem>> -> memref<1x128xi32, #tpu.memory_space<vmem>>
      %dma_wait3A_302 = tpu.memref_squeeze %dma_wait3A_301 : memref<1x128xi32, #tpu.memory_space<vmem>> -> memref<128xi32, #tpu.memory_space<vmem>>
      %dma_wait3A_303 = arith.constant 0 : i32
      %dma_wait3A_304 = arith.constant 0 : i32
      %dma_wait3A_305 = tpu.memref_slice %arg2[%dma_wait3A_303, %dma_wait3A_304] : memref<20000x64xf32, #tpu.memory_space<hbm>> -> memref<20000x64xf32, #tpu.memory_space<hbm>>
      tpu.wait_indirect_dma semaphore(%arg23 : memref<!tpu.dma_semaphore, #tpu.memory_space<semaphore_mem>>) src(%dma_wait3A_305 : memref<20000x64xf32, #tpu.memory_space<hbm>>) dst(%arg13 : memref<128x64xf32, #tpu.memory_space<vmem>>)
      %dma_start3A_306 = arith.constant 3 : i32
      %dma_start3A_307 = arith.constant 0 : i32
      %dma_start3A_308 = tpu.memref_slice %arg9[%dma_start3A_306, %dma_start3A_307] : memref<16x128xi32, #tpu.memory_space<vmem>> -> memref<1x128xi32, #tpu.memory_space<vmem>>
      %dma_start3A_309 = tpu.memref_squeeze %dma_start3A_308 : memref<1x128xi32, #tpu.memory_space<vmem>> -> memref<128xi32, #tpu.memory_space<vmem>>
      %dma_start3A_310 = arith.constant 0 : i32
      %dma_start3A_311 = arith.constant 0 : i32
      %dma_start3A_312 = tpu.memref_slice %arg18[%dma_start3A_310, %dma_start3A_311] : memref<10240x64xf32, #tpu.memory_space<vmem_shared>> -> memref<10240x64xf32, #tpu.memory_space<vmem_shared>>
      tpu.enqueue_indirect_dma source(%arg13 : memref<128x64xf32, #tpu.memory_space<vmem>>) target(%dma_start3A_312 : memref<10240x64xf32, #tpu.memory_space<vmem_shared>>) offsets(%dma_start3A_309 : memref<128xi32, #tpu.memory_space<vmem>>) semaphore(%arg31 : memref<!tpu.dma_semaphore, #tpu.memory_space<semaphore_mem>>) {add = true}
      %dma_wait3A_313 = arith.constant 0 : i32
      %dma_wait3A_314 = arith.constant 0 : i32
      %dma_wait3A_315 = tpu.memref_slice %arg5[%add3A_108, %dma_wait3A_313, %dma_wait3A_314] : memref<2561x128x16xf32, #tpu.memory_space<hbm>> -> memref<1x128x16xf32, #tpu.memory_space<hbm>>
      %dma_wait3A_316 = tpu.memref_squeeze %dma_wait3A_315 : memref<1x128x16xf32, #tpu.memory_space<hbm>> -> memref<128x16xf32, #tpu.memory_space<hbm>>
      %dma_wait3A_317 = arith.constant 0 : i32
      %dma_wait3A_318 = arith.constant 0 : i32
      %dma_wait3A_319 = tpu.memref_slice %arg5[%add3A_108, %dma_wait3A_317, %dma_wait3A_318] : memref<2561x128x16xf32, #tpu.memory_space<hbm>> -> memref<1x128x16xf32, #tpu.memory_space<hbm>>
      %dma_wait3A_320 = tpu.memref_squeeze %dma_wait3A_319 : memref<1x128x16xf32, #tpu.memory_space<hbm>> -> memref<128x16xf32, #tpu.memory_space<hbm>>
      tpu.wait_dma2 semaphore(%arg27 : memref<!tpu.dma_semaphore, #tpu.memory_space<semaphore_mem>>) src(%dma_wait3A_320 : memref<128x16xf32, #tpu.memory_space<hbm>>) dst(%arg17 : memref<128x16xf32, #tpu.memory_space<vmem>>)
      %dma_start3A_321 = arith.constant 3 : i32
      %dma_start3A_322 = arith.constant 0 : i32
      %dma_start3A_323 = tpu.memref_slice %arg9[%dma_start3A_321, %dma_start3A_322] : memref<16x128xi32, #tpu.memory_space<vmem>> -> memref<1x128xi32, #tpu.memory_space<vmem>>
      %dma_start3A_324 = tpu.memref_squeeze %dma_start3A_323 : memref<1x128xi32, #tpu.memory_space<vmem>> -> memref<128xi32, #tpu.memory_space<vmem>>
      %dma_start3A_325 = arith.constant 0 : i32
      %dma_start3A_326 = arith.constant 0 : i32
      %dma_start3A_327 = tpu.memref_slice %arg19[%dma_start3A_325, %dma_start3A_326] : memref<10240x16xf32, #tpu.memory_space<vmem_shared>> -> memref<10240x16xf32, #tpu.memory_space<vmem_shared>>
      tpu.enqueue_indirect_dma source(%arg17 : memref<128x16xf32, #tpu.memory_space<vmem>>) target(%dma_start3A_327 : memref<10240x16xf32, #tpu.memory_space<vmem_shared>>) offsets(%dma_start3A_324 : memref<128xi32, #tpu.memory_space<vmem>>) semaphore(%arg35 : memref<!tpu.dma_semaphore, #tpu.memory_space<semaphore_mem>>) {add = true}
      %dma_wait3A_328 = arith.constant 3 : i32
      %dma_wait3A_329 = arith.constant 0 : i32
      %dma_wait3A_330 = tpu.memref_slice %arg9[%dma_wait3A_328, %dma_wait3A_329] : memref<16x128xi32, #tpu.memory_space<vmem>> -> memref<1x128xi32, #tpu.memory_space<vmem>>
      %dma_wait3A_331 = tpu.memref_squeeze %dma_wait3A_330 : memref<1x128xi32, #tpu.memory_space<vmem>> -> memref<128xi32, #tpu.memory_space<vmem>>
      %dma_wait3A_332 = arith.constant 0 : i32
      %dma_wait3A_333 = arith.constant 0 : i32
      %dma_wait3A_334 = tpu.memref_slice %arg18[%dma_wait3A_332, %dma_wait3A_333] : memref<10240x64xf32, #tpu.memory_space<vmem_shared>> -> memref<10240x64xf32, #tpu.memory_space<vmem_shared>>
      tpu.wait_indirect_dma semaphore(%arg31 : memref<!tpu.dma_semaphore, #tpu.memory_space<semaphore_mem>>) src(%arg13 : memref<128x64xf32, #tpu.memory_space<vmem>>) dst(%dma_wait3A_334 : memref<10240x64xf32, #tpu.memory_space<vmem_shared>>)
      %dma_wait3A_335 = arith.constant 3 : i32
      %dma_wait3A_336 = arith.constant 0 : i32
      %dma_wait3A_337 = tpu.memref_slice %arg9[%dma_wait3A_335, %dma_wait3A_336] : memref<16x128xi32, #tpu.memory_space<vmem>> -> memref<1x128xi32, #tpu.memory_space<vmem>>
      %dma_wait3A_338 = tpu.memref_squeeze %dma_wait3A_337 : memref<1x128xi32, #tpu.memory_space<vmem>> -> memref<128xi32, #tpu.memory_space<vmem>>
      %dma_wait3A_339 = arith.constant 0 : i32
      %dma_wait3A_340 = arith.constant 0 : i32
      %dma_wait3A_341 = tpu.memref_slice %arg19[%dma_wait3A_339, %dma_wait3A_340] : memref<10240x16xf32, #tpu.memory_space<vmem_shared>> -> memref<10240x16xf32, #tpu.memory_space<vmem_shared>>
      tpu.wait_indirect_dma semaphore(%arg35 : memref<!tpu.dma_semaphore, #tpu.memory_space<semaphore_mem>>) src(%arg17 : memref<128x16xf32, #tpu.memory_space<vmem>>) dst(%dma_wait3A_341 : memref<10240x16xf32, #tpu.memory_space<vmem_shared>>)
      %dma_start3A_342 = arith.constant 7 : i32
      %dma_start3A_343 = arith.constant 0 : i32
      %dma_start3A_344 = tpu.memref_slice %arg8[%dma_start3A_342, %dma_start3A_343] : memref<16x128xi32, #tpu.memory_space<vmem>> -> memref<1x128xi32, #tpu.memory_space<vmem>>
      %dma_start3A_345 = tpu.memref_squeeze %dma_start3A_344 : memref<1x128xi32, #tpu.memory_space<vmem>> -> memref<128xi32, #tpu.memory_space<vmem>>
      %dma_start3A_346 = arith.constant 0 : i32
      %dma_start3A_347 = arith.constant 0 : i32
      %dma_start3A_348 = tpu.memref_slice %arg2[%dma_start3A_346, %dma_start3A_347] : memref<20000x64xf32, #tpu.memory_space<hbm>> -> memref<20000x64xf32, #tpu.memory_space<hbm>>
      tpu.enqueue_indirect_dma source(%dma_start3A_348 : memref<20000x64xf32, #tpu.memory_space<hbm>>) target(%arg13 : memref<128x64xf32, #tpu.memory_space<vmem>>) offsets(%dma_start3A_345 : memref<128xi32, #tpu.memory_space<vmem>>) semaphore(%arg23 : memref<!tpu.dma_semaphore, #tpu.memory_space<semaphore_mem>>)
      %mul3A_349 = arith.constant 7 : i32
      %mul3A_350 = arith.muli %mul3A_349, %select_n3A_10 : i32
      %add3A_351 = arith.addi %add3A_45, %mul3A_350 : i32
      %dma_start3A_352 = arith.constant 0 : i32
      %dma_start3A_353 = arith.constant 0 : i32
      %dma_start3A_354 = tpu.memref_slice %arg5[%add3A_351, %dma_start3A_352, %dma_start3A_353] : memref<2561x128x16xf32, #tpu.memory_space<hbm>> -> memref<1x128x16xf32, #tpu.memory_space<hbm>>
      %dma_start3A_355 = tpu.memref_squeeze %dma_start3A_354 : memref<1x128x16xf32, #tpu.memory_space<hbm>> -> memref<128x16xf32, #tpu.memory_space<hbm>>
      %dma_start3A_356 = arith.constant 0 : i32
      %dma_start3A_357 = arith.constant 0 : i32
      %dma_start3A_358 = tpu.memref_slice %arg5[%add3A_351, %dma_start3A_356, %dma_start3A_357] : memref<2561x128x16xf32, #tpu.memory_space<hbm>> -> memref<1x128x16xf32, #tpu.memory_space<hbm>>
      %dma_start3A_359 = tpu.memref_squeeze %dma_start3A_358 : memref<1x128x16xf32, #tpu.memory_space<hbm>> -> memref<128x16xf32, #tpu.memory_space<hbm>>
      tpu.enqueue_dma source(%dma_start3A_359 : memref<128x16xf32, #tpu.memory_space<hbm>>) target(%arg17 : memref<128x16xf32, #tpu.memory_space<vmem>>) target_semaphore(%arg27 : memref<!tpu.dma_semaphore, #tpu.memory_space<semaphore_mem>>)
      %dma_wait3A_360 = arith.constant 4 : i32
      %dma_wait3A_361 = arith.constant 0 : i32
      %dma_wait3A_362 = tpu.memref_slice %arg8[%dma_wait3A_360, %dma_wait3A_361] : memref<16x128xi32, #tpu.memory_space<vmem>> -> memref<1x128xi32, #tpu.memory_space<vmem>>
      %dma_wait3A_363 = tpu.memref_squeeze %dma_wait3A_362 : memref<1x128xi32, #tpu.memory_space<vmem>> -> memref<128xi32, #tpu.memory_space<vmem>>
      %dma_wait3A_364 = arith.constant 0 : i32
      %dma_wait3A_365 = arith.constant 0 : i32
      %dma_wait3A_366 = tpu.memref_slice %arg2[%dma_wait3A_364, %dma_wait3A_365] : memref<20000x64xf32, #tpu.memory_space<hbm>> -> memref<20000x64xf32, #tpu.memory_space<hbm>>
      tpu.wait_indirect_dma semaphore(%arg20 : memref<!tpu.dma_semaphore, #tpu.memory_space<semaphore_mem>>) src(%dma_wait3A_366 : memref<20000x64xf32, #tpu.memory_space<hbm>>) dst(%arg10 : memref<128x64xf32, #tpu.memory_space<vmem>>)
      %dma_start3A_367 = arith.constant 4 : i32
      %dma_start3A_368 = arith.constant 0 : i32
      %dma_start3A_369 = tpu.memref_slice %arg9[%dma_start3A_367, %dma_start3A_368] : memref<16x128xi32, #tpu.memory_space<vmem>> -> memref<1x128xi32, #tpu.memory_space<vmem>>
      %dma_start3A_370 = tpu.memref_squeeze %dma_start3A_369 : memref<1x128xi32, #tpu.memory_space<vmem>> -> memref<128xi32, #tpu.memory_space<vmem>>
      %dma_start3A_371 = arith.constant 0 : i32
      %dma_start3A_372 = arith.constant 0 : i32
      %dma_start3A_373 = tpu.memref_slice %arg18[%dma_start3A_371, %dma_start3A_372] : memref<10240x64xf32, #tpu.memory_space<vmem_shared>> -> memref<10240x64xf32, #tpu.memory_space<vmem_shared>>
      tpu.enqueue_indirect_dma source(%arg10 : memref<128x64xf32, #tpu.memory_space<vmem>>) target(%dma_start3A_373 : memref<10240x64xf32, #tpu.memory_space<vmem_shared>>) offsets(%dma_start3A_370 : memref<128xi32, #tpu.memory_space<vmem>>) semaphore(%arg28 : memref<!tpu.dma_semaphore, #tpu.memory_space<semaphore_mem>>) {add = true}
      %dma_wait3A_374 = arith.constant 0 : i32
      %dma_wait3A_375 = arith.constant 0 : i32
      %dma_wait3A_376 = tpu.memref_slice %arg5[%add3A_168, %dma_wait3A_374, %dma_wait3A_375] : memref<2561x128x16xf32, #tpu.memory_space<hbm>> -> memref<1x128x16xf32, #tpu.memory_space<hbm>>
      %dma_wait3A_377 = tpu.memref_squeeze %dma_wait3A_376 : memref<1x128x16xf32, #tpu.memory_space<hbm>> -> memref<128x16xf32, #tpu.memory_space<hbm>>
      %dma_wait3A_378 = arith.constant 0 : i32
      %dma_wait3A_379 = arith.constant 0 : i32
      %dma_wait3A_380 = tpu.memref_slice %arg5[%add3A_168, %dma_wait3A_378, %dma_wait3A_379] : memref<2561x128x16xf32, #tpu.memory_space<hbm>> -> memref<1x128x16xf32, #tpu.memory_space<hbm>>
      %dma_wait3A_381 = tpu.memref_squeeze %dma_wait3A_380 : memref<1x128x16xf32, #tpu.memory_space<hbm>> -> memref<128x16xf32, #tpu.memory_space<hbm>>
      tpu.wait_dma2 semaphore(%arg24 : memref<!tpu.dma_semaphore, #tpu.memory_space<semaphore_mem>>) src(%dma_wait3A_381 : memref<128x16xf32, #tpu.memory_space<hbm>>) dst(%arg14 : memref<128x16xf32, #tpu.memory_space<vmem>>)
      %dma_start3A_382 = arith.constant 4 : i32
      %dma_start3A_383 = arith.constant 0 : i32
      %dma_start3A_384 = tpu.memref_slice %arg9[%dma_start3A_382, %dma_start3A_383] : memref<16x128xi32, #tpu.memory_space<vmem>> -> memref<1x128xi32, #tpu.memory_space<vmem>>
      %dma_start3A_385 = tpu.memref_squeeze %dma_start3A_384 : memref<1x128xi32, #tpu.memory_space<vmem>> -> memref<128xi32, #tpu.memory_space<vmem>>
      %dma_start3A_386 = arith.constant 0 : i32
      %dma_start3A_387 = arith.constant 0 : i32
      %dma_start3A_388 = tpu.memref_slice %arg19[%dma_start3A_386, %dma_start3A_387] : memref<10240x16xf32, #tpu.memory_space<vmem_shared>> -> memref<10240x16xf32, #tpu.memory_space<vmem_shared>>
      tpu.enqueue_indirect_dma source(%arg14 : memref<128x16xf32, #tpu.memory_space<vmem>>) target(%dma_start3A_388 : memref<10240x16xf32, #tpu.memory_space<vmem_shared>>) offsets(%dma_start3A_385 : memref<128xi32, #tpu.memory_space<vmem>>) semaphore(%arg32 : memref<!tpu.dma_semaphore, #tpu.memory_space<semaphore_mem>>) {add = true}
      %dma_wait3A_389 = arith.constant 4 : i32
      %dma_wait3A_390 = arith.constant 0 : i32
      %dma_wait3A_391 = tpu.memref_slice %arg9[%dma_wait3A_389, %dma_wait3A_390] : memref<16x128xi32, #tpu.memory_space<vmem>> -> memref<1x128xi32, #tpu.memory_space<vmem>>
      %dma_wait3A_392 = tpu.memref_squeeze %dma_wait3A_391 : memref<1x128xi32, #tpu.memory_space<vmem>> -> memref<128xi32, #tpu.memory_space<vmem>>
      %dma_wait3A_393 = arith.constant 0 : i32
      %dma_wait3A_394 = arith.constant 0 : i32
      %dma_wait3A_395 = tpu.memref_slice %arg18[%dma_wait3A_393, %dma_wait3A_394] : memref<10240x64xf32, #tpu.memory_space<vmem_shared>> -> memref<10240x64xf32, #tpu.memory_space<vmem_shared>>
      tpu.wait_indirect_dma semaphore(%arg28 : memref<!tpu.dma_semaphore, #tpu.memory_space<semaphore_mem>>) src(%arg10 : memref<128x64xf32, #tpu.memory_space<vmem>>) dst(%dma_wait3A_395 : memref<10240x64xf32, #tpu.memory_space<vmem_shared>>)
      %dma_wait3A_396 = arith.constant 4 : i32
      %dma_wait3A_397 = arith.constant 0 : i32
      %dma_wait3A_398 = tpu.memref_slice %arg9[%dma_wait3A_396, %dma_wait3A_397] : memref<16x128xi32, #tpu.memory_space<vmem>> -> memref<1x128xi32, #tpu.memory_space<vmem>>
      %dma_wait3A_399 = tpu.memref_squeeze %dma_wait3A_398 : memref<1x128xi32, #tpu.memory_space<vmem>> -> memref<128xi32, #tpu.memory_space<vmem>>
      %dma_wait3A_400 = arith.constant 0 : i32
      %dma_wait3A_401 = arith.constant 0 : i32
      %dma_wait3A_402 = tpu.memref_slice %arg19[%dma_wait3A_400, %dma_wait3A_401] : memref<10240x16xf32, #tpu.memory_space<vmem_shared>> -> memref<10240x16xf32, #tpu.memory_space<vmem_shared>>
      tpu.wait_indirect_dma semaphore(%arg32 : memref<!tpu.dma_semaphore, #tpu.memory_space<semaphore_mem>>) src(%arg14 : memref<128x16xf32, #tpu.memory_space<vmem>>) dst(%dma_wait3A_402 : memref<10240x16xf32, #tpu.memory_space<vmem_shared>>)
      %dma_start3A_403 = arith.constant 8 : i32
      %dma_start3A_404 = arith.constant 0 : i32
      %dma_start3A_405 = tpu.memref_slice %arg8[%dma_start3A_403, %dma_start3A_404] : memref<16x128xi32, #tpu.memory_space<vmem>> -> memref<1x128xi32, #tpu.memory_space<vmem>>
      %dma_start3A_406 = tpu.memref_squeeze %dma_start3A_405 : memref<1x128xi32, #tpu.memory_space<vmem>> -> memref<128xi32, #tpu.memory_space<vmem>>
      %dma_start3A_407 = arith.constant 0 : i32
      %dma_start3A_408 = arith.constant 0 : i32
      %dma_start3A_409 = tpu.memref_slice %arg2[%dma_start3A_407, %dma_start3A_408] : memref<20000x64xf32, #tpu.memory_space<hbm>> -> memref<20000x64xf32, #tpu.memory_space<hbm>>
      tpu.enqueue_indirect_dma source(%dma_start3A_409 : memref<20000x64xf32, #tpu.memory_space<hbm>>) target(%arg10 : memref<128x64xf32, #tpu.memory_space<vmem>>) offsets(%dma_start3A_406 : memref<128xi32, #tpu.memory_space<vmem>>) semaphore(%arg20 : memref<!tpu.dma_semaphore, #tpu.memory_space<semaphore_mem>>)
      %mul3A_410 = arith.constant 8 : i32
      %mul3A_411 = arith.muli %mul3A_410, %select_n3A_10 : i32
      %add3A_412 = arith.addi %add3A_45, %mul3A_411 : i32
      %dma_start3A_413 = arith.constant 0 : i32
      %dma_start3A_414 = arith.constant 0 : i32
      %dma_start3A_415 = tpu.memref_slice %arg5[%add3A_412, %dma_start3A_413, %dma_start3A_414] : memref<2561x128x16xf32, #tpu.memory_space<hbm>> -> memref<1x128x16xf32, #tpu.memory_space<hbm>>
      %dma_start3A_416 = tpu.memref_squeeze %dma_start3A_415 : memref<1x128x16xf32, #tpu.memory_space<hbm>> -> memref<128x16xf32, #tpu.memory_space<hbm>>
      %dma_start3A_417 = arith.constant 0 : i32
      %dma_start3A_418 = arith.constant 0 : i32
      %dma_start3A_419 = tpu.memref_slice %arg5[%add3A_412, %dma_start3A_417, %dma_start3A_418] : memref<2561x128x16xf32, #tpu.memory_space<hbm>> -> memref<1x128x16xf32, #tpu.memory_space<hbm>>
      %dma_start3A_420 = tpu.memref_squeeze %dma_start3A_419 : memref<1x128x16xf32, #tpu.memory_space<hbm>> -> memref<128x16xf32, #tpu.memory_space<hbm>>
      tpu.enqueue_dma source(%dma_start3A_420 : memref<128x16xf32, #tpu.memory_space<hbm>>) target(%arg14 : memref<128x16xf32, #tpu.memory_space<vmem>>) target_semaphore(%arg24 : memref<!tpu.dma_semaphore, #tpu.memory_space<semaphore_mem>>)
      %dma_wait3A_421 = arith.constant 5 : i32
      %dma_wait3A_422 = arith.constant 0 : i32
      %dma_wait3A_423 = tpu.memref_slice %arg8[%dma_wait3A_421, %dma_wait3A_422] : memref<16x128xi32, #tpu.memory_space<vmem>> -> memref<1x128xi32, #tpu.memory_space<vmem>>
      %dma_wait3A_424 = tpu.memref_squeeze %dma_wait3A_423 : memref<1x128xi32, #tpu.memory_space<vmem>> -> memref<128xi32, #tpu.memory_space<vmem>>
      %dma_wait3A_425 = arith.constant 0 : i32
      %dma_wait3A_426 = arith.constant 0 : i32
      %dma_wait3A_427 = tpu.memref_slice %arg2[%dma_wait3A_425, %dma_wait3A_426] : memref<20000x64xf32, #tpu.memory_space<hbm>> -> memref<20000x64xf32, #tpu.memory_space<hbm>>
      tpu.wait_indirect_dma semaphore(%arg21 : memref<!tpu.dma_semaphore, #tpu.memory_space<semaphore_mem>>) src(%dma_wait3A_427 : memref<20000x64xf32, #tpu.memory_space<hbm>>) dst(%arg11 : memref<128x64xf32, #tpu.memory_space<vmem>>)
      %dma_start3A_428 = arith.constant 5 : i32
      %dma_start3A_429 = arith.constant 0 : i32
      %dma_start3A_430 = tpu.memref_slice %arg9[%dma_start3A_428, %dma_start3A_429] : memref<16x128xi32, #tpu.memory_space<vmem>> -> memref<1x128xi32, #tpu.memory_space<vmem>>
      %dma_start3A_431 = tpu.memref_squeeze %dma_start3A_430 : memref<1x128xi32, #tpu.memory_space<vmem>> -> memref<128xi32, #tpu.memory_space<vmem>>
      %dma_start3A_432 = arith.constant 0 : i32
      %dma_start3A_433 = arith.constant 0 : i32
      %dma_start3A_434 = tpu.memref_slice %arg18[%dma_start3A_432, %dma_start3A_433] : memref<10240x64xf32, #tpu.memory_space<vmem_shared>> -> memref<10240x64xf32, #tpu.memory_space<vmem_shared>>
      tpu.enqueue_indirect_dma source(%arg11 : memref<128x64xf32, #tpu.memory_space<vmem>>) target(%dma_start3A_434 : memref<10240x64xf32, #tpu.memory_space<vmem_shared>>) offsets(%dma_start3A_431 : memref<128xi32, #tpu.memory_space<vmem>>) semaphore(%arg29 : memref<!tpu.dma_semaphore, #tpu.memory_space<semaphore_mem>>) {add = true}
      %dma_wait3A_435 = arith.constant 0 : i32
      %dma_wait3A_436 = arith.constant 0 : i32
      %dma_wait3A_437 = tpu.memref_slice %arg5[%add3A_229, %dma_wait3A_435, %dma_wait3A_436] : memref<2561x128x16xf32, #tpu.memory_space<hbm>> -> memref<1x128x16xf32, #tpu.memory_space<hbm>>
      %dma_wait3A_438 = tpu.memref_squeeze %dma_wait3A_437 : memref<1x128x16xf32, #tpu.memory_space<hbm>> -> memref<128x16xf32, #tpu.memory_space<hbm>>
      %dma_wait3A_439 = arith.constant 0 : i32
      %dma_wait3A_440 = arith.constant 0 : i32
      %dma_wait3A_441 = tpu.memref_slice %arg5[%add3A_229, %dma_wait3A_439, %dma_wait3A_440] : memref<2561x128x16xf32, #tpu.memory_space<hbm>> -> memref<1x128x16xf32, #tpu.memory_space<hbm>>
      %dma_wait3A_442 = tpu.memref_squeeze %dma_wait3A_441 : memref<1x128x16xf32, #tpu.memory_space<hbm>> -> memref<128x16xf32, #tpu.memory_space<hbm>>
      tpu.wait_dma2 semaphore(%arg25 : memref<!tpu.dma_semaphore, #tpu.memory_space<semaphore_mem>>) src(%dma_wait3A_442 : memref<128x16xf32, #tpu.memory_space<hbm>>) dst(%arg15 : memref<128x16xf32, #tpu.memory_space<vmem>>)
      %dma_start3A_443 = arith.constant 5 : i32
      %dma_start3A_444 = arith.constant 0 : i32
      %dma_start3A_445 = tpu.memref_slice %arg9[%dma_start3A_443, %dma_start3A_444] : memref<16x128xi32, #tpu.memory_space<vmem>> -> memref<1x128xi32, #tpu.memory_space<vmem>>
      %dma_start3A_446 = tpu.memref_squeeze %dma_start3A_445 : memref<1x128xi32, #tpu.memory_space<vmem>> -> memref<128xi32, #tpu.memory_space<vmem>>
      %dma_start3A_447 = arith.constant 0 : i32
      %dma_start3A_448 = arith.constant 0 : i32
      %dma_start3A_449 = tpu.memref_slice %arg19[%dma_start3A_447, %dma_start3A_448] : memref<10240x16xf32, #tpu.memory_space<vmem_shared>> -> memref<10240x16xf32, #tpu.memory_space<vmem_shared>>
      tpu.enqueue_indirect_dma source(%arg15 : memref<128x16xf32, #tpu.memory_space<vmem>>) target(%dma_start3A_449 : memref<10240x16xf32, #tpu.memory_space<vmem_shared>>) offsets(%dma_start3A_446 : memref<128xi32, #tpu.memory_space<vmem>>) semaphore(%arg33 : memref<!tpu.dma_semaphore, #tpu.memory_space<semaphore_mem>>) {add = true}
      %dma_wait3A_450 = arith.constant 5 : i32
      %dma_wait3A_451 = arith.constant 0 : i32
      %dma_wait3A_452 = tpu.memref_slice %arg9[%dma_wait3A_450, %dma_wait3A_451] : memref<16x128xi32, #tpu.memory_space<vmem>> -> memref<1x128xi32, #tpu.memory_space<vmem>>
      %dma_wait3A_453 = tpu.memref_squeeze %dma_wait3A_452 : memref<1x128xi32, #tpu.memory_space<vmem>> -> memref<128xi32, #tpu.memory_space<vmem>>
      %dma_wait3A_454 = arith.constant 0 : i32
      %dma_wait3A_455 = arith.constant 0 : i32
      %dma_wait3A_456 = tpu.memref_slice %arg18[%dma_wait3A_454, %dma_wait3A_455] : memref<10240x64xf32, #tpu.memory_space<vmem_shared>> -> memref<10240x64xf32, #tpu.memory_space<vmem_shared>>
      tpu.wait_indirect_dma semaphore(%arg29 : memref<!tpu.dma_semaphore, #tpu.memory_space<semaphore_mem>>) src(%arg11 : memref<128x64xf32, #tpu.memory_space<vmem>>) dst(%dma_wait3A_456 : memref<10240x64xf32, #tpu.memory_space<vmem_shared>>)
      %dma_wait3A_457 = arith.constant 5 : i32
      %dma_wait3A_458 = arith.constant 0 : i32
      %dma_wait3A_459 = tpu.memref_slice %arg9[%dma_wait3A_457, %dma_wait3A_458] : memref<16x128xi32, #tpu.memory_space<vmem>> -> memref<1x128xi32, #tpu.memory_space<vmem>>
      %dma_wait3A_460 = tpu.memref_squeeze %dma_wait3A_459 : memref<1x128xi32, #tpu.memory_space<vmem>> -> memref<128xi32, #tpu.memory_space<vmem>>
      %dma_wait3A_461 = arith.constant 0 : i32
      %dma_wait3A_462 = arith.constant 0 : i32
      %dma_wait3A_463 = tpu.memref_slice %arg19[%dma_wait3A_461, %dma_wait3A_462] : memref<10240x16xf32, #tpu.memory_space<vmem_shared>> -> memref<10240x16xf32, #tpu.memory_space<vmem_shared>>
      tpu.wait_indirect_dma semaphore(%arg33 : memref<!tpu.dma_semaphore, #tpu.memory_space<semaphore_mem>>) src(%arg15 : memref<128x16xf32, #tpu.memory_space<vmem>>) dst(%dma_wait3A_463 : memref<10240x16xf32, #tpu.memory_space<vmem_shared>>)
      %dma_start3A_464 = arith.constant 9 : i32
      %dma_start3A_465 = arith.constant 0 : i32
      %dma_start3A_466 = tpu.memref_slice %arg8[%dma_start3A_464, %dma_start3A_465] : memref<16x128xi32, #tpu.memory_space<vmem>> -> memref<1x128xi32, #tpu.memory_space<vmem>>
      %dma_start3A_467 = tpu.memref_squeeze %dma_start3A_466 : memref<1x128xi32, #tpu.memory_space<vmem>> -> memref<128xi32, #tpu.memory_space<vmem>>
      %dma_start3A_468 = arith.constant 0 : i32
      %dma_start3A_469 = arith.constant 0 : i32
      %dma_start3A_470 = tpu.memref_slice %arg2[%dma_start3A_468, %dma_start3A_469] : memref<20000x64xf32, #tpu.memory_space<hbm>> -> memref<20000x64xf32, #tpu.memory_space<hbm>>
      tpu.enqueue_indirect_dma source(%dma_start3A_470 : memref<20000x64xf32, #tpu.memory_space<hbm>>) target(%arg11 : memref<128x64xf32, #tpu.memory_space<vmem>>) offsets(%dma_start3A_467 : memref<128xi32, #tpu.memory_space<vmem>>) semaphore(%arg21 : memref<!tpu.dma_semaphore, #tpu.memory_space<semaphore_mem>>)
      %mul3A_471 = arith.constant 9 : i32
      %mul3A_472 = arith.muli %mul3A_471, %select_n3A_10 : i32
      %add3A_473 = arith.addi %add3A_45, %mul3A_472 : i32
      %dma_start3A_474 = arith.constant 0 : i32
      %dma_start3A_475 = arith.constant 0 : i32
      %dma_start3A_476 = tpu.memref_slice %arg5[%add3A_473, %dma_start3A_474, %dma_start3A_475] : memref<2561x128x16xf32, #tpu.memory_space<hbm>> -> memref<1x128x16xf32, #tpu.memory_space<hbm>>
      %dma_start3A_477 = tpu.memref_squeeze %dma_start3A_476 : memref<1x128x16xf32, #tpu.memory_space<hbm>> -> memref<128x16xf32, #tpu.memory_space<hbm>>
      %dma_start3A_478 = arith.constant 0 : i32
      %dma_start3A_479 = arith.constant 0 : i32
      %dma_start3A_480 = tpu.memref_slice %arg5[%add3A_473, %dma_start3A_478, %dma_start3A_479] : memref<2561x128x16xf32, #tpu.memory_space<hbm>> -> memref<1x128x16xf32, #tpu.memory_space<hbm>>
      %dma_start3A_481 = tpu.memref_squeeze %dma_start3A_480 : memref<1x128x16xf32, #tpu.memory_space<hbm>> -> memref<128x16xf32, #tpu.memory_space<hbm>>
      tpu.enqueue_dma source(%dma_start3A_481 : memref<128x16xf32, #tpu.memory_space<hbm>>) target(%arg15 : memref<128x16xf32, #tpu.memory_space<vmem>>) target_semaphore(%arg25 : memref<!tpu.dma_semaphore, #tpu.memory_space<semaphore_mem>>)
      %dma_wait3A_482 = arith.constant 6 : i32
      %dma_wait3A_483 = arith.constant 0 : i32
      %dma_wait3A_484 = tpu.memref_slice %arg8[%dma_wait3A_482, %dma_wait3A_483] : memref<16x128xi32, #tpu.memory_space<vmem>> -> memref<1x128xi32, #tpu.memory_space<vmem>>
      %dma_wait3A_485 = tpu.memref_squeeze %dma_wait3A_484 : memref<1x128xi32, #tpu.memory_space<vmem>> -> memref<128xi32, #tpu.memory_space<vmem>>
      %dma_wait3A_486 = arith.constant 0 : i32
      %dma_wait3A_487 = arith.constant 0 : i32
      %dma_wait3A_488 = tpu.memref_slice %arg2[%dma_wait3A_486, %dma_wait3A_487] : memref<20000x64xf32, #tpu.memory_space<hbm>> -> memref<20000x64xf32, #tpu.memory_space<hbm>>
      tpu.wait_indirect_dma semaphore(%arg22 : memref<!tpu.dma_semaphore, #tpu.memory_space<semaphore_mem>>) src(%dma_wait3A_488 : memref<20000x64xf32, #tpu.memory_space<hbm>>) dst(%arg12 : memref<128x64xf32, #tpu.memory_space<vmem>>)
      %dma_start3A_489 = arith.constant 6 : i32
      %dma_start3A_490 = arith.constant 0 : i32
      %dma_start3A_491 = tpu.memref_slice %arg9[%dma_start3A_489, %dma_start3A_490] : memref<16x128xi32, #tpu.memory_space<vmem>> -> memref<1x128xi32, #tpu.memory_space<vmem>>
      %dma_start3A_492 = tpu.memref_squeeze %dma_start3A_491 : memref<1x128xi32, #tpu.memory_space<vmem>> -> memref<128xi32, #tpu.memory_space<vmem>>
      %dma_start3A_493 = arith.constant 0 : i32
      %dma_start3A_494 = arith.constant 0 : i32
      %dma_start3A_495 = tpu.memref_slice %arg18[%dma_start3A_493, %dma_start3A_494] : memref<10240x64xf32, #tpu.memory_space<vmem_shared>> -> memref<10240x64xf32, #tpu.memory_space<vmem_shared>>
      tpu.enqueue_indirect_dma source(%arg12 : memref<128x64xf32, #tpu.memory_space<vmem>>) target(%dma_start3A_495 : memref<10240x64xf32, #tpu.memory_space<vmem_shared>>) offsets(%dma_start3A_492 : memref<128xi32, #tpu.memory_space<vmem>>) semaphore(%arg30 : memref<!tpu.dma_semaphore, #tpu.memory_space<semaphore_mem>>) {add = true}
      %dma_wait3A_496 = arith.constant 0 : i32
      %dma_wait3A_497 = arith.constant 0 : i32
      %dma_wait3A_498 = tpu.memref_slice %arg5[%add3A_290, %dma_wait3A_496, %dma_wait3A_497] : memref<2561x128x16xf32, #tpu.memory_space<hbm>> -> memref<1x128x16xf32, #tpu.memory_space<hbm>>
      %dma_wait3A_499 = tpu.memref_squeeze %dma_wait3A_498 : memref<1x128x16xf32, #tpu.memory_space<hbm>> -> memref<128x16xf32, #tpu.memory_space<hbm>>
      %dma_wait3A_500 = arith.constant 0 : i32
      %dma_wait3A_501 = arith.constant 0 : i32
      %dma_wait3A_502 = tpu.memref_slice %arg5[%add3A_290, %dma_wait3A_500, %dma_wait3A_501] : memref<2561x128x16xf32, #tpu.memory_space<hbm>> -> memref<1x128x16xf32, #tpu.memory_space<hbm>>
      %dma_wait3A_503 = tpu.memref_squeeze %dma_wait3A_502 : memref<1x128x16xf32, #tpu.memory_space<hbm>> -> memref<128x16xf32, #tpu.memory_space<hbm>>
      tpu.wait_dma2 semaphore(%arg26 : memref<!tpu.dma_semaphore, #tpu.memory_space<semaphore_mem>>) src(%dma_wait3A_503 : memref<128x16xf32, #tpu.memory_space<hbm>>) dst(%arg16 : memref<128x16xf32, #tpu.memory_space<vmem>>)
      %dma_start3A_504 = arith.constant 6 : i32
      %dma_start3A_505 = arith.constant 0 : i32
      %dma_start3A_506 = tpu.memref_slice %arg9[%dma_start3A_504, %dma_start3A_505] : memref<16x128xi32, #tpu.memory_space<vmem>> -> memref<1x128xi32, #tpu.memory_space<vmem>>
      %dma_start3A_507 = tpu.memref_squeeze %dma_start3A_506 : memref<1x128xi32, #tpu.memory_space<vmem>> -> memref<128xi32, #tpu.memory_space<vmem>>
      %dma_start3A_508 = arith.constant 0 : i32
      %dma_start3A_509 = arith.constant 0 : i32
      %dma_start3A_510 = tpu.memref_slice %arg19[%dma_start3A_508, %dma_start3A_509] : memref<10240x16xf32, #tpu.memory_space<vmem_shared>> -> memref<10240x16xf32, #tpu.memory_space<vmem_shared>>
      tpu.enqueue_indirect_dma source(%arg16 : memref<128x16xf32, #tpu.memory_space<vmem>>) target(%dma_start3A_510 : memref<10240x16xf32, #tpu.memory_space<vmem_shared>>) offsets(%dma_start3A_507 : memref<128xi32, #tpu.memory_space<vmem>>) semaphore(%arg34 : memref<!tpu.dma_semaphore, #tpu.memory_space<semaphore_mem>>) {add = true}
      %dma_wait3A_511 = arith.constant 6 : i32
      %dma_wait3A_512 = arith.constant 0 : i32
      %dma_wait3A_513 = tpu.memref_slice %arg9[%dma_wait3A_511, %dma_wait3A_512] : memref<16x128xi32, #tpu.memory_space<vmem>> -> memref<1x128xi32, #tpu.memory_space<vmem>>
      %dma_wait3A_514 = tpu.memref_squeeze %dma_wait3A_513 : memref<1x128xi32, #tpu.memory_space<vmem>> -> memref<128xi32, #tpu.memory_space<vmem>>
      %dma_wait3A_515 = arith.constant 0 : i32
      %dma_wait3A_516 = arith.constant 0 : i32
      %dma_wait3A_517 = tpu.memref_slice %arg18[%dma_wait3A_515, %dma_wait3A_516] : memref<10240x64xf32, #tpu.memory_space<vmem_shared>> -> memref<10240x64xf32, #tpu.memory_space<vmem_shared>>
      tpu.wait_indirect_dma semaphore(%arg30 : memref<!tpu.dma_semaphore, #tpu.memory_space<semaphore_mem>>) src(%arg12 : memref<128x64xf32, #tpu.memory_space<vmem>>) dst(%dma_wait3A_517 : memref<10240x64xf32, #tpu.memory_space<vmem_shared>>)
      %dma_wait3A_518 = arith.constant 6 : i32
      %dma_wait3A_519 = arith.constant 0 : i32
      %dma_wait3A_520 = tpu.memref_slice %arg9[%dma_wait3A_518, %dma_wait3A_519] : memref<16x128xi32, #tpu.memory_space<vmem>> -> memref<1x128xi32, #tpu.memory_space<vmem>>
      %dma_wait3A_521 = tpu.memref_squeeze %dma_wait3A_520 : memref<1x128xi32, #tpu.memory_space<vmem>> -> memref<128xi32, #tpu.memory_space<vmem>>
      %dma_wait3A_522 = arith.constant 0 : i32
      %dma_wait3A_523 = arith.constant 0 : i32
      %dma_wait3A_524 = tpu.memref_slice %arg19[%dma_wait3A_522, %dma_wait3A_523] : memref<10240x16xf32, #tpu.memory_space<vmem_shared>> -> memref<10240x16xf32, #tpu.memory_space<vmem_shared>>
      tpu.wait_indirect_dma semaphore(%arg34 : memref<!tpu.dma_semaphore, #tpu.memory_space<semaphore_mem>>) src(%arg16 : memref<128x16xf32, #tpu.memory_space<vmem>>) dst(%dma_wait3A_524 : memref<10240x16xf32, #tpu.memory_space<vmem_shared>>)
      %dma_start3A_525 = arith.constant 10 : i32
      %dma_start3A_526 = arith.constant 0 : i32
      %dma_start3A_527 = tpu.memref_slice %arg8[%dma_start3A_525, %dma_start3A_526] : memref<16x128xi32, #tpu.memory_space<vmem>> -> memref<1x128xi32, #tpu.memory_space<vmem>>
      %dma_start3A_528 = tpu.memref_squeeze %dma_start3A_527 : memref<1x128xi32, #tpu.memory_space<vmem>> -> memref<128xi32, #tpu.memory_space<vmem>>
      %dma_start3A_529 = arith.constant 0 : i32
      %dma_start3A_530 = arith.constant 0 : i32
      %dma_start3A_531 = tpu.memref_slice %arg2[%dma_start3A_529, %dma_start3A_530] : memref<20000x64xf32, #tpu.memory_space<hbm>> -> memref<20000x64xf32, #tpu.memory_space<hbm>>
      tpu.enqueue_indirect_dma source(%dma_start3A_531 : memref<20000x64xf32, #tpu.memory_space<hbm>>) target(%arg12 : memref<128x64xf32, #tpu.memory_space<vmem>>) offsets(%dma_start3A_528 : memref<128xi32, #tpu.memory_space<vmem>>) semaphore(%arg22 : memref<!tpu.dma_semaphore, #tpu.memory_space<semaphore_mem>>)
      %mul3A_532 = arith.constant 10 : i32
      %mul3A_533 = arith.muli %mul3A_532, %select_n3A_10 : i32
      %add3A_534 = arith.addi %add3A_45, %mul3A_533 : i32
      %dma_start3A_535 = arith.constant 0 : i32
      %dma_start3A_536 = arith.constant 0 : i32
      %dma_start3A_537 = tpu.memref_slice %arg5[%add3A_534, %dma_start3A_535, %dma_start3A_536] : memref<2561x128x16xf32, #tpu.memory_space<hbm>> -> memref<1x128x16xf32, #tpu.memory_space<hbm>>
      %dma_start3A_538 = tpu.memref_squeeze %dma_start3A_537 : memref<1x128x16xf32, #tpu.memory_space<hbm>> -> memref<128x16xf32, #tpu.memory_space<hbm>>
      %dma_start3A_539 = arith.constant 0 : i32
      %dma_start3A_540 = arith.constant 0 : i32
      %dma_start3A_541 = tpu.memref_slice %arg5[%add3A_534, %dma_start3A_539, %dma_start3A_540] : memref<2561x128x16xf32, #tpu.memory_space<hbm>> -> memref<1x128x16xf32, #tpu.memory_space<hbm>>
      %dma_start3A_542 = tpu.memref_squeeze %dma_start3A_541 : memref<1x128x16xf32, #tpu.memory_space<hbm>> -> memref<128x16xf32, #tpu.memory_space<hbm>>
      tpu.enqueue_dma source(%dma_start3A_542 : memref<128x16xf32, #tpu.memory_space<hbm>>) target(%arg16 : memref<128x16xf32, #tpu.memory_space<vmem>>) target_semaphore(%arg26 : memref<!tpu.dma_semaphore, #tpu.memory_space<semaphore_mem>>)
      %dma_wait3A_543 = arith.constant 7 : i32
      %dma_wait3A_544 = arith.constant 0 : i32
      %dma_wait3A_545 = tpu.memref_slice %arg8[%dma_wait3A_543, %dma_wait3A_544] : memref<16x128xi32, #tpu.memory_space<vmem>> -> memref<1x128xi32, #tpu.memory_space<vmem>>
      %dma_wait3A_546 = tpu.memref_squeeze %dma_wait3A_545 : memref<1x128xi32, #tpu.memory_space<vmem>> -> memref<128xi32, #tpu.memory_space<vmem>>
      %dma_wait3A_547 = arith.constant 0 : i32
      %dma_wait3A_548 = arith.constant 0 : i32
      %dma_wait3A_549 = tpu.memref_slice %arg2[%dma_wait3A_547, %dma_wait3A_548] : memref<20000x64xf32, #tpu.memory_space<hbm>> -> memref<20000x64xf32, #tpu.memory_space<hbm>>
      tpu.wait_indirect_dma semaphore(%arg23 : memref<!tpu.dma_semaphore, #tpu.memory_space<semaphore_mem>>) src(%dma_wait3A_549 : memref<20000x64xf32, #tpu.memory_space<hbm>>) dst(%arg13 : memref<128x64xf32, #tpu.memory_space<vmem>>)
      %dma_start3A_550 = arith.constant 7 : i32
      %dma_start3A_551 = arith.constant 0 : i32
      %dma_start3A_552 = tpu.memref_slice %arg9[%dma_start3A_550, %dma_start3A_551] : memref<16x128xi32, #tpu.memory_space<vmem>> -> memref<1x128xi32, #tpu.memory_space<vmem>>
      %dma_start3A_553 = tpu.memref_squeeze %dma_start3A_552 : memref<1x128xi32, #tpu.memory_space<vmem>> -> memref<128xi32, #tpu.memory_space<vmem>>
      %dma_start3A_554 = arith.constant 0 : i32
      %dma_start3A_555 = arith.constant 0 : i32
      %dma_start3A_556 = tpu.memref_slice %arg18[%dma_start3A_554, %dma_start3A_555] : memref<10240x64xf32, #tpu.memory_space<vmem_shared>> -> memref<10240x64xf32, #tpu.memory_space<vmem_shared>>
      tpu.enqueue_indirect_dma source(%arg13 : memref<128x64xf32, #tpu.memory_space<vmem>>) target(%dma_start3A_556 : memref<10240x64xf32, #tpu.memory_space<vmem_shared>>) offsets(%dma_start3A_553 : memref<128xi32, #tpu.memory_space<vmem>>) semaphore(%arg31 : memref<!tpu.dma_semaphore, #tpu.memory_space<semaphore_mem>>) {add = true}
      %dma_wait3A_557 = arith.constant 0 : i32
      %dma_wait3A_558 = arith.constant 0 : i32
      %dma_wait3A_559 = tpu.memref_slice %arg5[%add3A_351, %dma_wait3A_557, %dma_wait3A_558] : memref<2561x128x16xf32, #tpu.memory_space<hbm>> -> memref<1x128x16xf32, #tpu.memory_space<hbm>>
      %dma_wait3A_560 = tpu.memref_squeeze %dma_wait3A_559 : memref<1x128x16xf32, #tpu.memory_space<hbm>> -> memref<128x16xf32, #tpu.memory_space<hbm>>
      %dma_wait3A_561 = arith.constant 0 : i32
      %dma_wait3A_562 = arith.constant 0 : i32
      %dma_wait3A_563 = tpu.memref_slice %arg5[%add3A_351, %dma_wait3A_561, %dma_wait3A_562] : memref<2561x128x16xf32, #tpu.memory_space<hbm>> -> memref<1x128x16xf32, #tpu.memory_space<hbm>>
      %dma_wait3A_564 = tpu.memref_squeeze %dma_wait3A_563 : memref<1x128x16xf32, #tpu.memory_space<hbm>> -> memref<128x16xf32, #tpu.memory_space<hbm>>
      tpu.wait_dma2 semaphore(%arg27 : memref<!tpu.dma_semaphore, #tpu.memory_space<semaphore_mem>>) src(%dma_wait3A_564 : memref<128x16xf32, #tpu.memory_space<hbm>>) dst(%arg17 : memref<128x16xf32, #tpu.memory_space<vmem>>)
      %dma_start3A_565 = arith.constant 7 : i32
      %dma_start3A_566 = arith.constant 0 : i32
      %dma_start3A_567 = tpu.memref_slice %arg9[%dma_start3A_565, %dma_start3A_566] : memref<16x128xi32, #tpu.memory_space<vmem>> -> memref<1x128xi32, #tpu.memory_space<vmem>>
      %dma_start3A_568 = tpu.memref_squeeze %dma_start3A_567 : memref<1x128xi32, #tpu.memory_space<vmem>> -> memref<128xi32, #tpu.memory_space<vmem>>
      %dma_start3A_569 = arith.constant 0 : i32
      %dma_start3A_570 = arith.constant 0 : i32
      %dma_start3A_571 = tpu.memref_slice %arg19[%dma_start3A_569, %dma_start3A_570] : memref<10240x16xf32, #tpu.memory_space<vmem_shared>> -> memref<10240x16xf32, #tpu.memory_space<vmem_shared>>
      tpu.enqueue_indirect_dma source(%arg17 : memref<128x16xf32, #tpu.memory_space<vmem>>) target(%dma_start3A_571 : memref<10240x16xf32, #tpu.memory_space<vmem_shared>>) offsets(%dma_start3A_568 : memref<128xi32, #tpu.memory_space<vmem>>) semaphore(%arg35 : memref<!tpu.dma_semaphore, #tpu.memory_space<semaphore_mem>>) {add = true}
      %dma_wait3A_572 = arith.constant 7 : i32
      %dma_wait3A_573 = arith.constant 0 : i32
      %dma_wait3A_574 = tpu.memref_slice %arg9[%dma_wait3A_572, %dma_wait3A_573] : memref<16x128xi32, #tpu.memory_space<vmem>> -> memref<1x128xi32, #tpu.memory_space<vmem>>
      %dma_wait3A_575 = tpu.memref_squeeze %dma_wait3A_574 : memref<1x128xi32, #tpu.memory_space<vmem>> -> memref<128xi32, #tpu.memory_space<vmem>>
      %dma_wait3A_576 = arith.constant 0 : i32
      %dma_wait3A_577 = arith.constant 0 : i32
      %dma_wait3A_578 = tpu.memref_slice %arg18[%dma_wait3A_576, %dma_wait3A_577] : memref<10240x64xf32, #tpu.memory_space<vmem_shared>> -> memref<10240x64xf32, #tpu.memory_space<vmem_shared>>
      tpu.wait_indirect_dma semaphore(%arg31 : memref<!tpu.dma_semaphore, #tpu.memory_space<semaphore_mem>>) src(%arg13 : memref<128x64xf32, #tpu.memory_space<vmem>>) dst(%dma_wait3A_578 : memref<10240x64xf32, #tpu.memory_space<vmem_shared>>)
      %dma_wait3A_579 = arith.constant 7 : i32
      %dma_wait3A_580 = arith.constant 0 : i32
      %dma_wait3A_581 = tpu.memref_slice %arg9[%dma_wait3A_579, %dma_wait3A_580] : memref<16x128xi32, #tpu.memory_space<vmem>> -> memref<1x128xi32, #tpu.memory_space<vmem>>
      %dma_wait3A_582 = tpu.memref_squeeze %dma_wait3A_581 : memref<1x128xi32, #tpu.memory_space<vmem>> -> memref<128xi32, #tpu.memory_space<vmem>>
      %dma_wait3A_583 = arith.constant 0 : i32
      %dma_wait3A_584 = arith.constant 0 : i32
      %dma_wait3A_585 = tpu.memref_slice %arg19[%dma_wait3A_583, %dma_wait3A_584] : memref<10240x16xf32, #tpu.memory_space<vmem_shared>> -> memref<10240x16xf32, #tpu.memory_space<vmem_shared>>
      tpu.wait_indirect_dma semaphore(%arg35 : memref<!tpu.dma_semaphore, #tpu.memory_space<semaphore_mem>>) src(%arg17 : memref<128x16xf32, #tpu.memory_space<vmem>>) dst(%dma_wait3A_585 : memref<10240x16xf32, #tpu.memory_space<vmem_shared>>)
      %dma_start3A_586 = arith.constant 11 : i32
      %dma_start3A_587 = arith.constant 0 : i32
      %dma_start3A_588 = tpu.memref_slice %arg8[%dma_start3A_586, %dma_start3A_587] : memref<16x128xi32, #tpu.memory_space<vmem>> -> memref<1x128xi32, #tpu.memory_space<vmem>>
      %dma_start3A_589 = tpu.memref_squeeze %dma_start3A_588 : memref<1x128xi32, #tpu.memory_space<vmem>> -> memref<128xi32, #tpu.memory_space<vmem>>
      %dma_start3A_590 = arith.constant 0 : i32
      %dma_start3A_591 = arith.constant 0 : i32
      %dma_start3A_592 = tpu.memref_slice %arg2[%dma_start3A_590, %dma_start3A_591] : memref<20000x64xf32, #tpu.memory_space<hbm>> -> memref<20000x64xf32, #tpu.memory_space<hbm>>
      tpu.enqueue_indirect_dma source(%dma_start3A_592 : memref<20000x64xf32, #tpu.memory_space<hbm>>) target(%arg13 : memref<128x64xf32, #tpu.memory_space<vmem>>) offsets(%dma_start3A_589 : memref<128xi32, #tpu.memory_space<vmem>>) semaphore(%arg23 : memref<!tpu.dma_semaphore, #tpu.memory_space<semaphore_mem>>)
      %mul3A_593 = arith.constant 11 : i32
      %mul3A_594 = arith.muli %mul3A_593, %select_n3A_10 : i32
      %add3A_595 = arith.addi %add3A_45, %mul3A_594 : i32
      %dma_start3A_596 = arith.constant 0 : i32
      %dma_start3A_597 = arith.constant 0 : i32
      %dma_start3A_598 = tpu.memref_slice %arg5[%add3A_595, %dma_start3A_596, %dma_start3A_597] : memref<2561x128x16xf32, #tpu.memory_space<hbm>> -> memref<1x128x16xf32, #tpu.memory_space<hbm>>
      %dma_start3A_599 = tpu.memref_squeeze %dma_start3A_598 : memref<1x128x16xf32, #tpu.memory_space<hbm>> -> memref<128x16xf32, #tpu.memory_space<hbm>>
      %dma_start3A_600 = arith.constant 0 : i32
      %dma_start3A_601 = arith.constant 0 : i32
      %dma_start3A_602 = tpu.memref_slice %arg5[%add3A_595, %dma_start3A_600, %dma_start3A_601] : memref<2561x128x16xf32, #tpu.memory_space<hbm>> -> memref<1x128x16xf32, #tpu.memory_space<hbm>>
      %dma_start3A_603 = tpu.memref_squeeze %dma_start3A_602 : memref<1x128x16xf32, #tpu.memory_space<hbm>> -> memref<128x16xf32, #tpu.memory_space<hbm>>
      tpu.enqueue_dma source(%dma_start3A_603 : memref<128x16xf32, #tpu.memory_space<hbm>>) target(%arg17 : memref<128x16xf32, #tpu.memory_space<vmem>>) target_semaphore(%arg27 : memref<!tpu.dma_semaphore, #tpu.memory_space<semaphore_mem>>)
      %dma_wait3A_604 = arith.constant 8 : i32
      %dma_wait3A_605 = arith.constant 0 : i32
      %dma_wait3A_606 = tpu.memref_slice %arg8[%dma_wait3A_604, %dma_wait3A_605] : memref<16x128xi32, #tpu.memory_space<vmem>> -> memref<1x128xi32, #tpu.memory_space<vmem>>
      %dma_wait3A_607 = tpu.memref_squeeze %dma_wait3A_606 : memref<1x128xi32, #tpu.memory_space<vmem>> -> memref<128xi32, #tpu.memory_space<vmem>>
      %dma_wait3A_608 = arith.constant 0 : i32
      %dma_wait3A_609 = arith.constant 0 : i32
      %dma_wait3A_610 = tpu.memref_slice %arg2[%dma_wait3A_608, %dma_wait3A_609] : memref<20000x64xf32, #tpu.memory_space<hbm>> -> memref<20000x64xf32, #tpu.memory_space<hbm>>
      tpu.wait_indirect_dma semaphore(%arg20 : memref<!tpu.dma_semaphore, #tpu.memory_space<semaphore_mem>>) src(%dma_wait3A_610 : memref<20000x64xf32, #tpu.memory_space<hbm>>) dst(%arg10 : memref<128x64xf32, #tpu.memory_space<vmem>>)
      %dma_start3A_611 = arith.constant 8 : i32
      %dma_start3A_612 = arith.constant 0 : i32
      %dma_start3A_613 = tpu.memref_slice %arg9[%dma_start3A_611, %dma_start3A_612] : memref<16x128xi32, #tpu.memory_space<vmem>> -> memref<1x128xi32, #tpu.memory_space<vmem>>
      %dma_start3A_614 = tpu.memref_squeeze %dma_start3A_613 : memref<1x128xi32, #tpu.memory_space<vmem>> -> memref<128xi32, #tpu.memory_space<vmem>>
      %dma_start3A_615 = arith.constant 0 : i32
      %dma_start3A_616 = arith.constant 0 : i32
      %dma_start3A_617 = tpu.memref_slice %arg18[%dma_start3A_615, %dma_start3A_616] : memref<10240x64xf32, #tpu.memory_space<vmem_shared>> -> memref<10240x64xf32, #tpu.memory_space<vmem_shared>>
      tpu.enqueue_indirect_dma source(%arg10 : memref<128x64xf32, #tpu.memory_space<vmem>>) target(%dma_start3A_617 : memref<10240x64xf32, #tpu.memory_space<vmem_shared>>) offsets(%dma_start3A_614 : memref<128xi32, #tpu.memory_space<vmem>>) semaphore(%arg28 : memref<!tpu.dma_semaphore, #tpu.memory_space<semaphore_mem>>) {add = true}
      %dma_wait3A_618 = arith.constant 0 : i32
      %dma_wait3A_619 = arith.constant 0 : i32
      %dma_wait3A_620 = tpu.memref_slice %arg5[%add3A_412, %dma_wait3A_618, %dma_wait3A_619] : memref<2561x128x16xf32, #tpu.memory_space<hbm>> -> memref<1x128x16xf32, #tpu.memory_space<hbm>>
      %dma_wait3A_621 = tpu.memref_squeeze %dma_wait3A_620 : memref<1x128x16xf32, #tpu.memory_space<hbm>> -> memref<128x16xf32, #tpu.memory_space<hbm>>
      %dma_wait3A_622 = arith.constant 0 : i32
      %dma_wait3A_623 = arith.constant 0 : i32
      %dma_wait3A_624 = tpu.memref_slice %arg5[%add3A_412, %dma_wait3A_622, %dma_wait3A_623] : memref<2561x128x16xf32, #tpu.memory_space<hbm>> -> memref<1x128x16xf32, #tpu.memory_space<hbm>>
      %dma_wait3A_625 = tpu.memref_squeeze %dma_wait3A_624 : memref<1x128x16xf32, #tpu.memory_space<hbm>> -> memref<128x16xf32, #tpu.memory_space<hbm>>
      tpu.wait_dma2 semaphore(%arg24 : memref<!tpu.dma_semaphore, #tpu.memory_space<semaphore_mem>>) src(%dma_wait3A_625 : memref<128x16xf32, #tpu.memory_space<hbm>>) dst(%arg14 : memref<128x16xf32, #tpu.memory_space<vmem>>)
      %dma_start3A_626 = arith.constant 8 : i32
      %dma_start3A_627 = arith.constant 0 : i32
      %dma_start3A_628 = tpu.memref_slice %arg9[%dma_start3A_626, %dma_start3A_627] : memref<16x128xi32, #tpu.memory_space<vmem>> -> memref<1x128xi32, #tpu.memory_space<vmem>>
      %dma_start3A_629 = tpu.memref_squeeze %dma_start3A_628 : memref<1x128xi32, #tpu.memory_space<vmem>> -> memref<128xi32, #tpu.memory_space<vmem>>
      %dma_start3A_630 = arith.constant 0 : i32
      %dma_start3A_631 = arith.constant 0 : i32
      %dma_start3A_632 = tpu.memref_slice %arg19[%dma_start3A_630, %dma_start3A_631] : memref<10240x16xf32, #tpu.memory_space<vmem_shared>> -> memref<10240x16xf32, #tpu.memory_space<vmem_shared>>
      tpu.enqueue_indirect_dma source(%arg14 : memref<128x16xf32, #tpu.memory_space<vmem>>) target(%dma_start3A_632 : memref<10240x16xf32, #tpu.memory_space<vmem_shared>>) offsets(%dma_start3A_629 : memref<128xi32, #tpu.memory_space<vmem>>) semaphore(%arg32 : memref<!tpu.dma_semaphore, #tpu.memory_space<semaphore_mem>>) {add = true}
      %dma_wait3A_633 = arith.constant 8 : i32
      %dma_wait3A_634 = arith.constant 0 : i32
      %dma_wait3A_635 = tpu.memref_slice %arg9[%dma_wait3A_633, %dma_wait3A_634] : memref<16x128xi32, #tpu.memory_space<vmem>> -> memref<1x128xi32, #tpu.memory_space<vmem>>
      %dma_wait3A_636 = tpu.memref_squeeze %dma_wait3A_635 : memref<1x128xi32, #tpu.memory_space<vmem>> -> memref<128xi32, #tpu.memory_space<vmem>>
      %dma_wait3A_637 = arith.constant 0 : i32
      %dma_wait3A_638 = arith.constant 0 : i32
      %dma_wait3A_639 = tpu.memref_slice %arg18[%dma_wait3A_637, %dma_wait3A_638] : memref<10240x64xf32, #tpu.memory_space<vmem_shared>> -> memref<10240x64xf32, #tpu.memory_space<vmem_shared>>
      tpu.wait_indirect_dma semaphore(%arg28 : memref<!tpu.dma_semaphore, #tpu.memory_space<semaphore_mem>>) src(%arg10 : memref<128x64xf32, #tpu.memory_space<vmem>>) dst(%dma_wait3A_639 : memref<10240x64xf32, #tpu.memory_space<vmem_shared>>)
      %dma_wait3A_640 = arith.constant 8 : i32
      %dma_wait3A_641 = arith.constant 0 : i32
      %dma_wait3A_642 = tpu.memref_slice %arg9[%dma_wait3A_640, %dma_wait3A_641] : memref<16x128xi32, #tpu.memory_space<vmem>> -> memref<1x128xi32, #tpu.memory_space<vmem>>
      %dma_wait3A_643 = tpu.memref_squeeze %dma_wait3A_642 : memref<1x128xi32, #tpu.memory_space<vmem>> -> memref<128xi32, #tpu.memory_space<vmem>>
      %dma_wait3A_644 = arith.constant 0 : i32
      %dma_wait3A_645 = arith.constant 0 : i32
      %dma_wait3A_646 = tpu.memref_slice %arg19[%dma_wait3A_644, %dma_wait3A_645] : memref<10240x16xf32, #tpu.memory_space<vmem_shared>> -> memref<10240x16xf32, #tpu.memory_space<vmem_shared>>
      tpu.wait_indirect_dma semaphore(%arg32 : memref<!tpu.dma_semaphore, #tpu.memory_space<semaphore_mem>>) src(%arg14 : memref<128x16xf32, #tpu.memory_space<vmem>>) dst(%dma_wait3A_646 : memref<10240x16xf32, #tpu.memory_space<vmem_shared>>)
      %dma_start3A_647 = arith.constant 12 : i32
      %dma_start3A_648 = arith.constant 0 : i32
      %dma_start3A_649 = tpu.memref_slice %arg8[%dma_start3A_647, %dma_start3A_648] : memref<16x128xi32, #tpu.memory_space<vmem>> -> memref<1x128xi32, #tpu.memory_space<vmem>>
      %dma_start3A_650 = tpu.memref_squeeze %dma_start3A_649 : memref<1x128xi32, #tpu.memory_space<vmem>> -> memref<128xi32, #tpu.memory_space<vmem>>
      %dma_start3A_651 = arith.constant 0 : i32
      %dma_start3A_652 = arith.constant 0 : i32
      %dma_start3A_653 = tpu.memref_slice %arg2[%dma_start3A_651, %dma_start3A_652] : memref<20000x64xf32, #tpu.memory_space<hbm>> -> memref<20000x64xf32, #tpu.memory_space<hbm>>
      tpu.enqueue_indirect_dma source(%dma_start3A_653 : memref<20000x64xf32, #tpu.memory_space<hbm>>) target(%arg10 : memref<128x64xf32, #tpu.memory_space<vmem>>) offsets(%dma_start3A_650 : memref<128xi32, #tpu.memory_space<vmem>>) semaphore(%arg20 : memref<!tpu.dma_semaphore, #tpu.memory_space<semaphore_mem>>)
      %mul3A_654 = arith.constant 12 : i32
      %mul3A_655 = arith.muli %mul3A_654, %select_n3A_10 : i32
      %add3A_656 = arith.addi %add3A_45, %mul3A_655 : i32
      %dma_start3A_657 = arith.constant 0 : i32
      %dma_start3A_658 = arith.constant 0 : i32
      %dma_start3A_659 = tpu.memref_slice %arg5[%add3A_656, %dma_start3A_657, %dma_start3A_658] : memref<2561x128x16xf32, #tpu.memory_space<hbm>> -> memref<1x128x16xf32, #tpu.memory_space<hbm>>
      %dma_start3A_660 = tpu.memref_squeeze %dma_start3A_659 : memref<1x128x16xf32, #tpu.memory_space<hbm>> -> memref<128x16xf32, #tpu.memory_space<hbm>>
      %dma_start3A_661 = arith.constant 0 : i32
      %dma_start3A_662 = arith.constant 0 : i32
      %dma_start3A_663 = tpu.memref_slice %arg5[%add3A_656, %dma_start3A_661, %dma_start3A_662] : memref<2561x128x16xf32, #tpu.memory_space<hbm>> -> memref<1x128x16xf32, #tpu.memory_space<hbm>>
      %dma_start3A_664 = tpu.memref_squeeze %dma_start3A_663 : memref<1x128x16xf32, #tpu.memory_space<hbm>> -> memref<128x16xf32, #tpu.memory_space<hbm>>
      tpu.enqueue_dma source(%dma_start3A_664 : memref<128x16xf32, #tpu.memory_space<hbm>>) target(%arg14 : memref<128x16xf32, #tpu.memory_space<vmem>>) target_semaphore(%arg24 : memref<!tpu.dma_semaphore, #tpu.memory_space<semaphore_mem>>)
      %dma_wait3A_665 = arith.constant 9 : i32
      %dma_wait3A_666 = arith.constant 0 : i32
      %dma_wait3A_667 = tpu.memref_slice %arg8[%dma_wait3A_665, %dma_wait3A_666] : memref<16x128xi32, #tpu.memory_space<vmem>> -> memref<1x128xi32, #tpu.memory_space<vmem>>
      %dma_wait3A_668 = tpu.memref_squeeze %dma_wait3A_667 : memref<1x128xi32, #tpu.memory_space<vmem>> -> memref<128xi32, #tpu.memory_space<vmem>>
      %dma_wait3A_669 = arith.constant 0 : i32
      %dma_wait3A_670 = arith.constant 0 : i32
      %dma_wait3A_671 = tpu.memref_slice %arg2[%dma_wait3A_669, %dma_wait3A_670] : memref<20000x64xf32, #tpu.memory_space<hbm>> -> memref<20000x64xf32, #tpu.memory_space<hbm>>
      tpu.wait_indirect_dma semaphore(%arg21 : memref<!tpu.dma_semaphore, #tpu.memory_space<semaphore_mem>>) src(%dma_wait3A_671 : memref<20000x64xf32, #tpu.memory_space<hbm>>) dst(%arg11 : memref<128x64xf32, #tpu.memory_space<vmem>>)
      %dma_start3A_672 = arith.constant 9 : i32
      %dma_start3A_673 = arith.constant 0 : i32
      %dma_start3A_674 = tpu.memref_slice %arg9[%dma_start3A_672, %dma_start3A_673] : memref<16x128xi32, #tpu.memory_space<vmem>> -> memref<1x128xi32, #tpu.memory_space<vmem>>
      %dma_start3A_675 = tpu.memref_squeeze %dma_start3A_674 : memref<1x128xi32, #tpu.memory_space<vmem>> -> memref<128xi32, #tpu.memory_space<vmem>>
      %dma_start3A_676 = arith.constant 0 : i32
      %dma_start3A_677 = arith.constant 0 : i32
      %dma_start3A_678 = tpu.memref_slice %arg18[%dma_start3A_676, %dma_start3A_677] : memref<10240x64xf32, #tpu.memory_space<vmem_shared>> -> memref<10240x64xf32, #tpu.memory_space<vmem_shared>>
      tpu.enqueue_indirect_dma source(%arg11 : memref<128x64xf32, #tpu.memory_space<vmem>>) target(%dma_start3A_678 : memref<10240x64xf32, #tpu.memory_space<vmem_shared>>) offsets(%dma_start3A_675 : memref<128xi32, #tpu.memory_space<vmem>>) semaphore(%arg29 : memref<!tpu.dma_semaphore, #tpu.memory_space<semaphore_mem>>) {add = true}
      %dma_wait3A_679 = arith.constant 0 : i32
      %dma_wait3A_680 = arith.constant 0 : i32
      %dma_wait3A_681 = tpu.memref_slice %arg5[%add3A_473, %dma_wait3A_679, %dma_wait3A_680] : memref<2561x128x16xf32, #tpu.memory_space<hbm>> -> memref<1x128x16xf32, #tpu.memory_space<hbm>>
      %dma_wait3A_682 = tpu.memref_squeeze %dma_wait3A_681 : memref<1x128x16xf32, #tpu.memory_space<hbm>> -> memref<128x16xf32, #tpu.memory_space<hbm>>
      %dma_wait3A_683 = arith.constant 0 : i32
      %dma_wait3A_684 = arith.constant 0 : i32
      %dma_wait3A_685 = tpu.memref_slice %arg5[%add3A_473, %dma_wait3A_683, %dma_wait3A_684] : memref<2561x128x16xf32, #tpu.memory_space<hbm>> -> memref<1x128x16xf32, #tpu.memory_space<hbm>>
      %dma_wait3A_686 = tpu.memref_squeeze %dma_wait3A_685 : memref<1x128x16xf32, #tpu.memory_space<hbm>> -> memref<128x16xf32, #tpu.memory_space<hbm>>
      tpu.wait_dma2 semaphore(%arg25 : memref<!tpu.dma_semaphore, #tpu.memory_space<semaphore_mem>>) src(%dma_wait3A_686 : memref<128x16xf32, #tpu.memory_space<hbm>>) dst(%arg15 : memref<128x16xf32, #tpu.memory_space<vmem>>)
      %dma_start3A_687 = arith.constant 9 : i32
      %dma_start3A_688 = arith.constant 0 : i32
      %dma_start3A_689 = tpu.memref_slice %arg9[%dma_start3A_687, %dma_start3A_688] : memref<16x128xi32, #tpu.memory_space<vmem>> -> memref<1x128xi32, #tpu.memory_space<vmem>>
      %dma_start3A_690 = tpu.memref_squeeze %dma_start3A_689 : memref<1x128xi32, #tpu.memory_space<vmem>> -> memref<128xi32, #tpu.memory_space<vmem>>
      %dma_start3A_691 = arith.constant 0 : i32
      %dma_start3A_692 = arith.constant 0 : i32
      %dma_start3A_693 = tpu.memref_slice %arg19[%dma_start3A_691, %dma_start3A_692] : memref<10240x16xf32, #tpu.memory_space<vmem_shared>> -> memref<10240x16xf32, #tpu.memory_space<vmem_shared>>
      tpu.enqueue_indirect_dma source(%arg15 : memref<128x16xf32, #tpu.memory_space<vmem>>) target(%dma_start3A_693 : memref<10240x16xf32, #tpu.memory_space<vmem_shared>>) offsets(%dma_start3A_690 : memref<128xi32, #tpu.memory_space<vmem>>) semaphore(%arg33 : memref<!tpu.dma_semaphore, #tpu.memory_space<semaphore_mem>>) {add = true}
      %dma_wait3A_694 = arith.constant 9 : i32
      %dma_wait3A_695 = arith.constant 0 : i32
      %dma_wait3A_696 = tpu.memref_slice %arg9[%dma_wait3A_694, %dma_wait3A_695] : memref<16x128xi32, #tpu.memory_space<vmem>> -> memref<1x128xi32, #tpu.memory_space<vmem>>
      %dma_wait3A_697 = tpu.memref_squeeze %dma_wait3A_696 : memref<1x128xi32, #tpu.memory_space<vmem>> -> memref<128xi32, #tpu.memory_space<vmem>>
      %dma_wait3A_698 = arith.constant 0 : i32
      %dma_wait3A_699 = arith.constant 0 : i32
      %dma_wait3A_700 = tpu.memref_slice %arg18[%dma_wait3A_698, %dma_wait3A_699] : memref<10240x64xf32, #tpu.memory_space<vmem_shared>> -> memref<10240x64xf32, #tpu.memory_space<vmem_shared>>
      tpu.wait_indirect_dma semaphore(%arg29 : memref<!tpu.dma_semaphore, #tpu.memory_space<semaphore_mem>>) src(%arg11 : memref<128x64xf32, #tpu.memory_space<vmem>>) dst(%dma_wait3A_700 : memref<10240x64xf32, #tpu.memory_space<vmem_shared>>)
      %dma_wait3A_701 = arith.constant 9 : i32
      %dma_wait3A_702 = arith.constant 0 : i32
      %dma_wait3A_703 = tpu.memref_slice %arg9[%dma_wait3A_701, %dma_wait3A_702] : memref<16x128xi32, #tpu.memory_space<vmem>> -> memref<1x128xi32, #tpu.memory_space<vmem>>
      %dma_wait3A_704 = tpu.memref_squeeze %dma_wait3A_703 : memref<1x128xi32, #tpu.memory_space<vmem>> -> memref<128xi32, #tpu.memory_space<vmem>>
      %dma_wait3A_705 = arith.constant 0 : i32
      %dma_wait3A_706 = arith.constant 0 : i32
      %dma_wait3A_707 = tpu.memref_slice %arg19[%dma_wait3A_705, %dma_wait3A_706] : memref<10240x16xf32, #tpu.memory_space<vmem_shared>> -> memref<10240x16xf32, #tpu.memory_space<vmem_shared>>
      tpu.wait_indirect_dma semaphore(%arg33 : memref<!tpu.dma_semaphore, #tpu.memory_space<semaphore_mem>>) src(%arg15 : memref<128x16xf32, #tpu.memory_space<vmem>>) dst(%dma_wait3A_707 : memref<10240x16xf32, #tpu.memory_space<vmem_shared>>)
      %dma_start3A_708 = arith.constant 13 : i32
      %dma_start3A_709 = arith.constant 0 : i32
      %dma_start3A_710 = tpu.memref_slice %arg8[%dma_start3A_708, %dma_start3A_709] : memref<16x128xi32, #tpu.memory_space<vmem>> -> memref<1x128xi32, #tpu.memory_space<vmem>>
      %dma_start3A_711 = tpu.memref_squeeze %dma_start3A_710 : memref<1x128xi32, #tpu.memory_space<vmem>> -> memref<128xi32, #tpu.memory_space<vmem>>
      %dma_start3A_712 = arith.constant 0 : i32
      %dma_start3A_713 = arith.constant 0 : i32
      %dma_start3A_714 = tpu.memref_slice %arg2[%dma_start3A_712, %dma_start3A_713] : memref<20000x64xf32, #tpu.memory_space<hbm>> -> memref<20000x64xf32, #tpu.memory_space<hbm>>
      tpu.enqueue_indirect_dma source(%dma_start3A_714 : memref<20000x64xf32, #tpu.memory_space<hbm>>) target(%arg11 : memref<128x64xf32, #tpu.memory_space<vmem>>) offsets(%dma_start3A_711 : memref<128xi32, #tpu.memory_space<vmem>>) semaphore(%arg21 : memref<!tpu.dma_semaphore, #tpu.memory_space<semaphore_mem>>)
      %mul3A_715 = arith.constant 13 : i32
      %mul3A_716 = arith.muli %mul3A_715, %select_n3A_10 : i32
      %add3A_717 = arith.addi %add3A_45, %mul3A_716 : i32
      %dma_start3A_718 = arith.constant 0 : i32
      %dma_start3A_719 = arith.constant 0 : i32
      %dma_start3A_720 = tpu.memref_slice %arg5[%add3A_717, %dma_start3A_718, %dma_start3A_719] : memref<2561x128x16xf32, #tpu.memory_space<hbm>> -> memref<1x128x16xf32, #tpu.memory_space<hbm>>
      %dma_start3A_721 = tpu.memref_squeeze %dma_start3A_720 : memref<1x128x16xf32, #tpu.memory_space<hbm>> -> memref<128x16xf32, #tpu.memory_space<hbm>>
      %dma_start3A_722 = arith.constant 0 : i32
      %dma_start3A_723 = arith.constant 0 : i32
      %dma_start3A_724 = tpu.memref_slice %arg5[%add3A_717, %dma_start3A_722, %dma_start3A_723] : memref<2561x128x16xf32, #tpu.memory_space<hbm>> -> memref<1x128x16xf32, #tpu.memory_space<hbm>>
      %dma_start3A_725 = tpu.memref_squeeze %dma_start3A_724 : memref<1x128x16xf32, #tpu.memory_space<hbm>> -> memref<128x16xf32, #tpu.memory_space<hbm>>
      tpu.enqueue_dma source(%dma_start3A_725 : memref<128x16xf32, #tpu.memory_space<hbm>>) target(%arg15 : memref<128x16xf32, #tpu.memory_space<vmem>>) target_semaphore(%arg25 : memref<!tpu.dma_semaphore, #tpu.memory_space<semaphore_mem>>)
      %dma_wait3A_726 = arith.constant 10 : i32
      %dma_wait3A_727 = arith.constant 0 : i32
      %dma_wait3A_728 = tpu.memref_slice %arg8[%dma_wait3A_726, %dma_wait3A_727] : memref<16x128xi32, #tpu.memory_space<vmem>> -> memref<1x128xi32, #tpu.memory_space<vmem>>
      %dma_wait3A_729 = tpu.memref_squeeze %dma_wait3A_728 : memref<1x128xi32, #tpu.memory_space<vmem>> -> memref<128xi32, #tpu.memory_space<vmem>>
      %dma_wait3A_730 = arith.constant 0 : i32
      %dma_wait3A_731 = arith.constant 0 : i32
      %dma_wait3A_732 = tpu.memref_slice %arg2[%dma_wait3A_730, %dma_wait3A_731] : memref<20000x64xf32, #tpu.memory_space<hbm>> -> memref<20000x64xf32, #tpu.memory_space<hbm>>
      tpu.wait_indirect_dma semaphore(%arg22 : memref<!tpu.dma_semaphore, #tpu.memory_space<semaphore_mem>>) src(%dma_wait3A_732 : memref<20000x64xf32, #tpu.memory_space<hbm>>) dst(%arg12 : memref<128x64xf32, #tpu.memory_space<vmem>>)
      %dma_start3A_733 = arith.constant 10 : i32
      %dma_start3A_734 = arith.constant 0 : i32
      %dma_start3A_735 = tpu.memref_slice %arg9[%dma_start3A_733, %dma_start3A_734] : memref<16x128xi32, #tpu.memory_space<vmem>> -> memref<1x128xi32, #tpu.memory_space<vmem>>
      %dma_start3A_736 = tpu.memref_squeeze %dma_start3A_735 : memref<1x128xi32, #tpu.memory_space<vmem>> -> memref<128xi32, #tpu.memory_space<vmem>>
      %dma_start3A_737 = arith.constant 0 : i32
      %dma_start3A_738 = arith.constant 0 : i32
      %dma_start3A_739 = tpu.memref_slice %arg18[%dma_start3A_737, %dma_start3A_738] : memref<10240x64xf32, #tpu.memory_space<vmem_shared>> -> memref<10240x64xf32, #tpu.memory_space<vmem_shared>>
      tpu.enqueue_indirect_dma source(%arg12 : memref<128x64xf32, #tpu.memory_space<vmem>>) target(%dma_start3A_739 : memref<10240x64xf32, #tpu.memory_space<vmem_shared>>) offsets(%dma_start3A_736 : memref<128xi32, #tpu.memory_space<vmem>>) semaphore(%arg30 : memref<!tpu.dma_semaphore, #tpu.memory_space<semaphore_mem>>) {add = true}
      %dma_wait3A_740 = arith.constant 0 : i32
      %dma_wait3A_741 = arith.constant 0 : i32
      %dma_wait3A_742 = tpu.memref_slice %arg5[%add3A_534, %dma_wait3A_740, %dma_wait3A_741] : memref<2561x128x16xf32, #tpu.memory_space<hbm>> -> memref<1x128x16xf32, #tpu.memory_space<hbm>>
      %dma_wait3A_743 = tpu.memref_squeeze %dma_wait3A_742 : memref<1x128x16xf32, #tpu.memory_space<hbm>> -> memref<128x16xf32, #tpu.memory_space<hbm>>
      %dma_wait3A_744 = arith.constant 0 : i32
      %dma_wait3A_745 = arith.constant 0 : i32
      %dma_wait3A_746 = tpu.memref_slice %arg5[%add3A_534, %dma_wait3A_744, %dma_wait3A_745] : memref<2561x128x16xf32, #tpu.memory_space<hbm>> -> memref<1x128x16xf32, #tpu.memory_space<hbm>>
      %dma_wait3A_747 = tpu.memref_squeeze %dma_wait3A_746 : memref<1x128x16xf32, #tpu.memory_space<hbm>> -> memref<128x16xf32, #tpu.memory_space<hbm>>
      tpu.wait_dma2 semaphore(%arg26 : memref<!tpu.dma_semaphore, #tpu.memory_space<semaphore_mem>>) src(%dma_wait3A_747 : memref<128x16xf32, #tpu.memory_space<hbm>>) dst(%arg16 : memref<128x16xf32, #tpu.memory_space<vmem>>)
      %dma_start3A_748 = arith.constant 10 : i32
      %dma_start3A_749 = arith.constant 0 : i32
      %dma_start3A_750 = tpu.memref_slice %arg9[%dma_start3A_748, %dma_start3A_749] : memref<16x128xi32, #tpu.memory_space<vmem>> -> memref<1x128xi32, #tpu.memory_space<vmem>>
      %dma_start3A_751 = tpu.memref_squeeze %dma_start3A_750 : memref<1x128xi32, #tpu.memory_space<vmem>> -> memref<128xi32, #tpu.memory_space<vmem>>
      %dma_start3A_752 = arith.constant 0 : i32
      %dma_start3A_753 = arith.constant 0 : i32
      %dma_start3A_754 = tpu.memref_slice %arg19[%dma_start3A_752, %dma_start3A_753] : memref<10240x16xf32, #tpu.memory_space<vmem_shared>> -> memref<10240x16xf32, #tpu.memory_space<vmem_shared>>
      tpu.enqueue_indirect_dma source(%arg16 : memref<128x16xf32, #tpu.memory_space<vmem>>) target(%dma_start3A_754 : memref<10240x16xf32, #tpu.memory_space<vmem_shared>>) offsets(%dma_start3A_751 : memref<128xi32, #tpu.memory_space<vmem>>) semaphore(%arg34 : memref<!tpu.dma_semaphore, #tpu.memory_space<semaphore_mem>>) {add = true}
      %dma_wait3A_755 = arith.constant 10 : i32
      %dma_wait3A_756 = arith.constant 0 : i32
      %dma_wait3A_757 = tpu.memref_slice %arg9[%dma_wait3A_755, %dma_wait3A_756] : memref<16x128xi32, #tpu.memory_space<vmem>> -> memref<1x128xi32, #tpu.memory_space<vmem>>
      %dma_wait3A_758 = tpu.memref_squeeze %dma_wait3A_757 : memref<1x128xi32, #tpu.memory_space<vmem>> -> memref<128xi32, #tpu.memory_space<vmem>>
      %dma_wait3A_759 = arith.constant 0 : i32
      %dma_wait3A_760 = arith.constant 0 : i32
      %dma_wait3A_761 = tpu.memref_slice %arg18[%dma_wait3A_759, %dma_wait3A_760] : memref<10240x64xf32, #tpu.memory_space<vmem_shared>> -> memref<10240x64xf32, #tpu.memory_space<vmem_shared>>
      tpu.wait_indirect_dma semaphore(%arg30 : memref<!tpu.dma_semaphore, #tpu.memory_space<semaphore_mem>>) src(%arg12 : memref<128x64xf32, #tpu.memory_space<vmem>>) dst(%dma_wait3A_761 : memref<10240x64xf32, #tpu.memory_space<vmem_shared>>)
      %dma_wait3A_762 = arith.constant 10 : i32
      %dma_wait3A_763 = arith.constant 0 : i32
      %dma_wait3A_764 = tpu.memref_slice %arg9[%dma_wait3A_762, %dma_wait3A_763] : memref<16x128xi32, #tpu.memory_space<vmem>> -> memref<1x128xi32, #tpu.memory_space<vmem>>
      %dma_wait3A_765 = tpu.memref_squeeze %dma_wait3A_764 : memref<1x128xi32, #tpu.memory_space<vmem>> -> memref<128xi32, #tpu.memory_space<vmem>>
      %dma_wait3A_766 = arith.constant 0 : i32
      %dma_wait3A_767 = arith.constant 0 : i32
      %dma_wait3A_768 = tpu.memref_slice %arg19[%dma_wait3A_766, %dma_wait3A_767] : memref<10240x16xf32, #tpu.memory_space<vmem_shared>> -> memref<10240x16xf32, #tpu.memory_space<vmem_shared>>
      tpu.wait_indirect_dma semaphore(%arg34 : memref<!tpu.dma_semaphore, #tpu.memory_space<semaphore_mem>>) src(%arg16 : memref<128x16xf32, #tpu.memory_space<vmem>>) dst(%dma_wait3A_768 : memref<10240x16xf32, #tpu.memory_space<vmem_shared>>)
      %dma_start3A_769 = arith.constant 14 : i32
      %dma_start3A_770 = arith.constant 0 : i32
      %dma_start3A_771 = tpu.memref_slice %arg8[%dma_start3A_769, %dma_start3A_770] : memref<16x128xi32, #tpu.memory_space<vmem>> -> memref<1x128xi32, #tpu.memory_space<vmem>>
      %dma_start3A_772 = tpu.memref_squeeze %dma_start3A_771 : memref<1x128xi32, #tpu.memory_space<vmem>> -> memref<128xi32, #tpu.memory_space<vmem>>
      %dma_start3A_773 = arith.constant 0 : i32
      %dma_start3A_774 = arith.constant 0 : i32
      %dma_start3A_775 = tpu.memref_slice %arg2[%dma_start3A_773, %dma_start3A_774] : memref<20000x64xf32, #tpu.memory_space<hbm>> -> memref<20000x64xf32, #tpu.memory_space<hbm>>
      tpu.enqueue_indirect_dma source(%dma_start3A_775 : memref<20000x64xf32, #tpu.memory_space<hbm>>) target(%arg12 : memref<128x64xf32, #tpu.memory_space<vmem>>) offsets(%dma_start3A_772 : memref<128xi32, #tpu.memory_space<vmem>>) semaphore(%arg22 : memref<!tpu.dma_semaphore, #tpu.memory_space<semaphore_mem>>)
      %mul3A_776 = arith.constant 14 : i32
      %mul3A_777 = arith.muli %mul3A_776, %select_n3A_10 : i32
      %add3A_778 = arith.addi %add3A_45, %mul3A_777 : i32
      %dma_start3A_779 = arith.constant 0 : i32
      %dma_start3A_780 = arith.constant 0 : i32
      %dma_start3A_781 = tpu.memref_slice %arg5[%add3A_778, %dma_start3A_779, %dma_start3A_780] : memref<2561x128x16xf32, #tpu.memory_space<hbm>> -> memref<1x128x16xf32, #tpu.memory_space<hbm>>
      %dma_start3A_782 = tpu.memref_squeeze %dma_start3A_781 : memref<1x128x16xf32, #tpu.memory_space<hbm>> -> memref<128x16xf32, #tpu.memory_space<hbm>>
      %dma_start3A_783 = arith.constant 0 : i32
      %dma_start3A_784 = arith.constant 0 : i32
      %dma_start3A_785 = tpu.memref_slice %arg5[%add3A_778, %dma_start3A_783, %dma_start3A_784] : memref<2561x128x16xf32, #tpu.memory_space<hbm>> -> memref<1x128x16xf32, #tpu.memory_space<hbm>>
      %dma_start3A_786 = tpu.memref_squeeze %dma_start3A_785 : memref<1x128x16xf32, #tpu.memory_space<hbm>> -> memref<128x16xf32, #tpu.memory_space<hbm>>
      tpu.enqueue_dma source(%dma_start3A_786 : memref<128x16xf32, #tpu.memory_space<hbm>>) target(%arg16 : memref<128x16xf32, #tpu.memory_space<vmem>>) target_semaphore(%arg26 : memref<!tpu.dma_semaphore, #tpu.memory_space<semaphore_mem>>)
      %dma_wait3A_787 = arith.constant 11 : i32
      %dma_wait3A_788 = arith.constant 0 : i32
      %dma_wait3A_789 = tpu.memref_slice %arg8[%dma_wait3A_787, %dma_wait3A_788] : memref<16x128xi32, #tpu.memory_space<vmem>> -> memref<1x128xi32, #tpu.memory_space<vmem>>
      %dma_wait3A_790 = tpu.memref_squeeze %dma_wait3A_789 : memref<1x128xi32, #tpu.memory_space<vmem>> -> memref<128xi32, #tpu.memory_space<vmem>>
      %dma_wait3A_791 = arith.constant 0 : i32
      %dma_wait3A_792 = arith.constant 0 : i32
      %dma_wait3A_793 = tpu.memref_slice %arg2[%dma_wait3A_791, %dma_wait3A_792] : memref<20000x64xf32, #tpu.memory_space<hbm>> -> memref<20000x64xf32, #tpu.memory_space<hbm>>
      tpu.wait_indirect_dma semaphore(%arg23 : memref<!tpu.dma_semaphore, #tpu.memory_space<semaphore_mem>>) src(%dma_wait3A_793 : memref<20000x64xf32, #tpu.memory_space<hbm>>) dst(%arg13 : memref<128x64xf32, #tpu.memory_space<vmem>>)
      %dma_start3A_794 = arith.constant 11 : i32
      %dma_start3A_795 = arith.constant 0 : i32
      %dma_start3A_796 = tpu.memref_slice %arg9[%dma_start3A_794, %dma_start3A_795] : memref<16x128xi32, #tpu.memory_space<vmem>> -> memref<1x128xi32, #tpu.memory_space<vmem>>
      %dma_start3A_797 = tpu.memref_squeeze %dma_start3A_796 : memref<1x128xi32, #tpu.memory_space<vmem>> -> memref<128xi32, #tpu.memory_space<vmem>>
      %dma_start3A_798 = arith.constant 0 : i32
      %dma_start3A_799 = arith.constant 0 : i32
      %dma_start3A_800 = tpu.memref_slice %arg18[%dma_start3A_798, %dma_start3A_799] : memref<10240x64xf32, #tpu.memory_space<vmem_shared>> -> memref<10240x64xf32, #tpu.memory_space<vmem_shared>>
      tpu.enqueue_indirect_dma source(%arg13 : memref<128x64xf32, #tpu.memory_space<vmem>>) target(%dma_start3A_800 : memref<10240x64xf32, #tpu.memory_space<vmem_shared>>) offsets(%dma_start3A_797 : memref<128xi32, #tpu.memory_space<vmem>>) semaphore(%arg31 : memref<!tpu.dma_semaphore, #tpu.memory_space<semaphore_mem>>) {add = true}
      %dma_wait3A_801 = arith.constant 0 : i32
      %dma_wait3A_802 = arith.constant 0 : i32
      %dma_wait3A_803 = tpu.memref_slice %arg5[%add3A_595, %dma_wait3A_801, %dma_wait3A_802] : memref<2561x128x16xf32, #tpu.memory_space<hbm>> -> memref<1x128x16xf32, #tpu.memory_space<hbm>>
      %dma_wait3A_804 = tpu.memref_squeeze %dma_wait3A_803 : memref<1x128x16xf32, #tpu.memory_space<hbm>> -> memref<128x16xf32, #tpu.memory_space<hbm>>
      %dma_wait3A_805 = arith.constant 0 : i32
      %dma_wait3A_806 = arith.constant 0 : i32
      %dma_wait3A_807 = tpu.memref_slice %arg5[%add3A_595, %dma_wait3A_805, %dma_wait3A_806] : memref<2561x128x16xf32, #tpu.memory_space<hbm>> -> memref<1x128x16xf32, #tpu.memory_space<hbm>>
      %dma_wait3A_808 = tpu.memref_squeeze %dma_wait3A_807 : memref<1x128x16xf32, #tpu.memory_space<hbm>> -> memref<128x16xf32, #tpu.memory_space<hbm>>
      tpu.wait_dma2 semaphore(%arg27 : memref<!tpu.dma_semaphore, #tpu.memory_space<semaphore_mem>>) src(%dma_wait3A_808 : memref<128x16xf32, #tpu.memory_space<hbm>>) dst(%arg17 : memref<128x16xf32, #tpu.memory_space<vmem>>)
      %dma_start3A_809 = arith.constant 11 : i32
      %dma_start3A_810 = arith.constant 0 : i32
      %dma_start3A_811 = tpu.memref_slice %arg9[%dma_start3A_809, %dma_start3A_810] : memref<16x128xi32, #tpu.memory_space<vmem>> -> memref<1x128xi32, #tpu.memory_space<vmem>>
      %dma_start3A_812 = tpu.memref_squeeze %dma_start3A_811 : memref<1x128xi32, #tpu.memory_space<vmem>> -> memref<128xi32, #tpu.memory_space<vmem>>
      %dma_start3A_813 = arith.constant 0 : i32
      %dma_start3A_814 = arith.constant 0 : i32
      %dma_start3A_815 = tpu.memref_slice %arg19[%dma_start3A_813, %dma_start3A_814] : memref<10240x16xf32, #tpu.memory_space<vmem_shared>> -> memref<10240x16xf32, #tpu.memory_space<vmem_shared>>
      tpu.enqueue_indirect_dma source(%arg17 : memref<128x16xf32, #tpu.memory_space<vmem>>) target(%dma_start3A_815 : memref<10240x16xf32, #tpu.memory_space<vmem_shared>>) offsets(%dma_start3A_812 : memref<128xi32, #tpu.memory_space<vmem>>) semaphore(%arg35 : memref<!tpu.dma_semaphore, #tpu.memory_space<semaphore_mem>>) {add = true}
      %dma_wait3A_816 = arith.constant 11 : i32
      %dma_wait3A_817 = arith.constant 0 : i32
      %dma_wait3A_818 = tpu.memref_slice %arg9[%dma_wait3A_816, %dma_wait3A_817] : memref<16x128xi32, #tpu.memory_space<vmem>> -> memref<1x128xi32, #tpu.memory_space<vmem>>
      %dma_wait3A_819 = tpu.memref_squeeze %dma_wait3A_818 : memref<1x128xi32, #tpu.memory_space<vmem>> -> memref<128xi32, #tpu.memory_space<vmem>>
      %dma_wait3A_820 = arith.constant 0 : i32
      %dma_wait3A_821 = arith.constant 0 : i32
      %dma_wait3A_822 = tpu.memref_slice %arg18[%dma_wait3A_820, %dma_wait3A_821] : memref<10240x64xf32, #tpu.memory_space<vmem_shared>> -> memref<10240x64xf32, #tpu.memory_space<vmem_shared>>
      tpu.wait_indirect_dma semaphore(%arg31 : memref<!tpu.dma_semaphore, #tpu.memory_space<semaphore_mem>>) src(%arg13 : memref<128x64xf32, #tpu.memory_space<vmem>>) dst(%dma_wait3A_822 : memref<10240x64xf32, #tpu.memory_space<vmem_shared>>)
      %dma_wait3A_823 = arith.constant 11 : i32
      %dma_wait3A_824 = arith.constant 0 : i32
      %dma_wait3A_825 = tpu.memref_slice %arg9[%dma_wait3A_823, %dma_wait3A_824] : memref<16x128xi32, #tpu.memory_space<vmem>> -> memref<1x128xi32, #tpu.memory_space<vmem>>
      %dma_wait3A_826 = tpu.memref_squeeze %dma_wait3A_825 : memref<1x128xi32, #tpu.memory_space<vmem>> -> memref<128xi32, #tpu.memory_space<vmem>>
      %dma_wait3A_827 = arith.constant 0 : i32
      %dma_wait3A_828 = arith.constant 0 : i32
      %dma_wait3A_829 = tpu.memref_slice %arg19[%dma_wait3A_827, %dma_wait3A_828] : memref<10240x16xf32, #tpu.memory_space<vmem_shared>> -> memref<10240x16xf32, #tpu.memory_space<vmem_shared>>
      tpu.wait_indirect_dma semaphore(%arg35 : memref<!tpu.dma_semaphore, #tpu.memory_space<semaphore_mem>>) src(%arg17 : memref<128x16xf32, #tpu.memory_space<vmem>>) dst(%dma_wait3A_829 : memref<10240x16xf32, #tpu.memory_space<vmem_shared>>)
      %dma_start3A_830 = arith.constant 15 : i32
      %dma_start3A_831 = arith.constant 0 : i32
      %dma_start3A_832 = tpu.memref_slice %arg8[%dma_start3A_830, %dma_start3A_831] : memref<16x128xi32, #tpu.memory_space<vmem>> -> memref<1x128xi32, #tpu.memory_space<vmem>>
      %dma_start3A_833 = tpu.memref_squeeze %dma_start3A_832 : memref<1x128xi32, #tpu.memory_space<vmem>> -> memref<128xi32, #tpu.memory_space<vmem>>
      %dma_start3A_834 = arith.constant 0 : i32
      %dma_start3A_835 = arith.constant 0 : i32
      %dma_start3A_836 = tpu.memref_slice %arg2[%dma_start3A_834, %dma_start3A_835] : memref<20000x64xf32, #tpu.memory_space<hbm>> -> memref<20000x64xf32, #tpu.memory_space<hbm>>
      tpu.enqueue_indirect_dma source(%dma_start3A_836 : memref<20000x64xf32, #tpu.memory_space<hbm>>) target(%arg13 : memref<128x64xf32, #tpu.memory_space<vmem>>) offsets(%dma_start3A_833 : memref<128xi32, #tpu.memory_space<vmem>>) semaphore(%arg23 : memref<!tpu.dma_semaphore, #tpu.memory_space<semaphore_mem>>)
      %mul3A_837 = arith.constant 15 : i32
      %mul3A_838 = arith.muli %mul3A_837, %select_n3A_10 : i32
      %add3A_839 = arith.addi %add3A_45, %mul3A_838 : i32
      %dma_start3A_840 = arith.constant 0 : i32
      %dma_start3A_841 = arith.constant 0 : i32
      %dma_start3A_842 = tpu.memref_slice %arg5[%add3A_839, %dma_start3A_840, %dma_start3A_841] : memref<2561x128x16xf32, #tpu.memory_space<hbm>> -> memref<1x128x16xf32, #tpu.memory_space<hbm>>
      %dma_start3A_843 = tpu.memref_squeeze %dma_start3A_842 : memref<1x128x16xf32, #tpu.memory_space<hbm>> -> memref<128x16xf32, #tpu.memory_space<hbm>>
      %dma_start3A_844 = arith.constant 0 : i32
      %dma_start3A_845 = arith.constant 0 : i32
      %dma_start3A_846 = tpu.memref_slice %arg5[%add3A_839, %dma_start3A_844, %dma_start3A_845] : memref<2561x128x16xf32, #tpu.memory_space<hbm>> -> memref<1x128x16xf32, #tpu.memory_space<hbm>>
      %dma_start3A_847 = tpu.memref_squeeze %dma_start3A_846 : memref<1x128x16xf32, #tpu.memory_space<hbm>> -> memref<128x16xf32, #tpu.memory_space<hbm>>
      tpu.enqueue_dma source(%dma_start3A_847 : memref<128x16xf32, #tpu.memory_space<hbm>>) target(%arg17 : memref<128x16xf32, #tpu.memory_space<vmem>>) target_semaphore(%arg27 : memref<!tpu.dma_semaphore, #tpu.memory_space<semaphore_mem>>)
      %dma_wait3A_848 = arith.constant 12 : i32
      %dma_wait3A_849 = arith.constant 0 : i32
      %dma_wait3A_850 = tpu.memref_slice %arg8[%dma_wait3A_848, %dma_wait3A_849] : memref<16x128xi32, #tpu.memory_space<vmem>> -> memref<1x128xi32, #tpu.memory_space<vmem>>
      %dma_wait3A_851 = tpu.memref_squeeze %dma_wait3A_850 : memref<1x128xi32, #tpu.memory_space<vmem>> -> memref<128xi32, #tpu.memory_space<vmem>>
      %dma_wait3A_852 = arith.constant 0 : i32
      %dma_wait3A_853 = arith.constant 0 : i32
      %dma_wait3A_854 = tpu.memref_slice %arg2[%dma_wait3A_852, %dma_wait3A_853] : memref<20000x64xf32, #tpu.memory_space<hbm>> -> memref<20000x64xf32, #tpu.memory_space<hbm>>
      tpu.wait_indirect_dma semaphore(%arg20 : memref<!tpu.dma_semaphore, #tpu.memory_space<semaphore_mem>>) src(%dma_wait3A_854 : memref<20000x64xf32, #tpu.memory_space<hbm>>) dst(%arg10 : memref<128x64xf32, #tpu.memory_space<vmem>>)
      %dma_start3A_855 = arith.constant 12 : i32
      %dma_start3A_856 = arith.constant 0 : i32
      %dma_start3A_857 = tpu.memref_slice %arg9[%dma_start3A_855, %dma_start3A_856] : memref<16x128xi32, #tpu.memory_space<vmem>> -> memref<1x128xi32, #tpu.memory_space<vmem>>
      %dma_start3A_858 = tpu.memref_squeeze %dma_start3A_857 : memref<1x128xi32, #tpu.memory_space<vmem>> -> memref<128xi32, #tpu.memory_space<vmem>>
      %dma_start3A_859 = arith.constant 0 : i32
      %dma_start3A_860 = arith.constant 0 : i32
      %dma_start3A_861 = tpu.memref_slice %arg18[%dma_start3A_859, %dma_start3A_860] : memref<10240x64xf32, #tpu.memory_space<vmem_shared>> -> memref<10240x64xf32, #tpu.memory_space<vmem_shared>>
      tpu.enqueue_indirect_dma source(%arg10 : memref<128x64xf32, #tpu.memory_space<vmem>>) target(%dma_start3A_861 : memref<10240x64xf32, #tpu.memory_space<vmem_shared>>) offsets(%dma_start3A_858 : memref<128xi32, #tpu.memory_space<vmem>>) semaphore(%arg28 : memref<!tpu.dma_semaphore, #tpu.memory_space<semaphore_mem>>) {add = true}
      %dma_wait3A_862 = arith.constant 0 : i32
      %dma_wait3A_863 = arith.constant 0 : i32
      %dma_wait3A_864 = tpu.memref_slice %arg5[%add3A_656, %dma_wait3A_862, %dma_wait3A_863] : memref<2561x128x16xf32, #tpu.memory_space<hbm>> -> memref<1x128x16xf32, #tpu.memory_space<hbm>>
      %dma_wait3A_865 = tpu.memref_squeeze %dma_wait3A_864 : memref<1x128x16xf32, #tpu.memory_space<hbm>> -> memref<128x16xf32, #tpu.memory_space<hbm>>
      %dma_wait3A_866 = arith.constant 0 : i32
      %dma_wait3A_867 = arith.constant 0 : i32
      %dma_wait3A_868 = tpu.memref_slice %arg5[%add3A_656, %dma_wait3A_866, %dma_wait3A_867] : memref<2561x128x16xf32, #tpu.memory_space<hbm>> -> memref<1x128x16xf32, #tpu.memory_space<hbm>>
      %dma_wait3A_869 = tpu.memref_squeeze %dma_wait3A_868 : memref<1x128x16xf32, #tpu.memory_space<hbm>> -> memref<128x16xf32, #tpu.memory_space<hbm>>
      tpu.wait_dma2 semaphore(%arg24 : memref<!tpu.dma_semaphore, #tpu.memory_space<semaphore_mem>>) src(%dma_wait3A_869 : memref<128x16xf32, #tpu.memory_space<hbm>>) dst(%arg14 : memref<128x16xf32, #tpu.memory_space<vmem>>)
      %dma_start3A_870 = arith.constant 12 : i32
      %dma_start3A_871 = arith.constant 0 : i32
      %dma_start3A_872 = tpu.memref_slice %arg9[%dma_start3A_870, %dma_start3A_871] : memref<16x128xi32, #tpu.memory_space<vmem>> -> memref<1x128xi32, #tpu.memory_space<vmem>>
      %dma_start3A_873 = tpu.memref_squeeze %dma_start3A_872 : memref<1x128xi32, #tpu.memory_space<vmem>> -> memref<128xi32, #tpu.memory_space<vmem>>
      %dma_start3A_874 = arith.constant 0 : i32
      %dma_start3A_875 = arith.constant 0 : i32
      %dma_start3A_876 = tpu.memref_slice %arg19[%dma_start3A_874, %dma_start3A_875] : memref<10240x16xf32, #tpu.memory_space<vmem_shared>> -> memref<10240x16xf32, #tpu.memory_space<vmem_shared>>
      tpu.enqueue_indirect_dma source(%arg14 : memref<128x16xf32, #tpu.memory_space<vmem>>) target(%dma_start3A_876 : memref<10240x16xf32, #tpu.memory_space<vmem_shared>>) offsets(%dma_start3A_873 : memref<128xi32, #tpu.memory_space<vmem>>) semaphore(%arg32 : memref<!tpu.dma_semaphore, #tpu.memory_space<semaphore_mem>>) {add = true}
      %dma_wait3A_877 = arith.constant 13 : i32
      %dma_wait3A_878 = arith.constant 0 : i32
      %dma_wait3A_879 = tpu.memref_slice %arg8[%dma_wait3A_877, %dma_wait3A_878] : memref<16x128xi32, #tpu.memory_space<vmem>> -> memref<1x128xi32, #tpu.memory_space<vmem>>
      %dma_wait3A_880 = tpu.memref_squeeze %dma_wait3A_879 : memref<1x128xi32, #tpu.memory_space<vmem>> -> memref<128xi32, #tpu.memory_space<vmem>>
      %dma_wait3A_881 = arith.constant 0 : i32
      %dma_wait3A_882 = arith.constant 0 : i32
      %dma_wait3A_883 = tpu.memref_slice %arg2[%dma_wait3A_881, %dma_wait3A_882] : memref<20000x64xf32, #tpu.memory_space<hbm>> -> memref<20000x64xf32, #tpu.memory_space<hbm>>
      tpu.wait_indirect_dma semaphore(%arg21 : memref<!tpu.dma_semaphore, #tpu.memory_space<semaphore_mem>>) src(%dma_wait3A_883 : memref<20000x64xf32, #tpu.memory_space<hbm>>) dst(%arg11 : memref<128x64xf32, #tpu.memory_space<vmem>>)
      %dma_start3A_884 = arith.constant 13 : i32
      %dma_start3A_885 = arith.constant 0 : i32
      %dma_start3A_886 = tpu.memref_slice %arg9[%dma_start3A_884, %dma_start3A_885] : memref<16x128xi32, #tpu.memory_space<vmem>> -> memref<1x128xi32, #tpu.memory_space<vmem>>
      %dma_start3A_887 = tpu.memref_squeeze %dma_start3A_886 : memref<1x128xi32, #tpu.memory_space<vmem>> -> memref<128xi32, #tpu.memory_space<vmem>>
      %dma_start3A_888 = arith.constant 0 : i32
      %dma_start3A_889 = arith.constant 0 : i32
      %dma_start3A_890 = tpu.memref_slice %arg18[%dma_start3A_888, %dma_start3A_889] : memref<10240x64xf32, #tpu.memory_space<vmem_shared>> -> memref<10240x64xf32, #tpu.memory_space<vmem_shared>>
      tpu.enqueue_indirect_dma source(%arg11 : memref<128x64xf32, #tpu.memory_space<vmem>>) target(%dma_start3A_890 : memref<10240x64xf32, #tpu.memory_space<vmem_shared>>) offsets(%dma_start3A_887 : memref<128xi32, #tpu.memory_space<vmem>>) semaphore(%arg29 : memref<!tpu.dma_semaphore, #tpu.memory_space<semaphore_mem>>) {add = true}
      %dma_wait3A_891 = arith.constant 0 : i32
      %dma_wait3A_892 = arith.constant 0 : i32
      %dma_wait3A_893 = tpu.memref_slice %arg5[%add3A_717, %dma_wait3A_891, %dma_wait3A_892] : memref<2561x128x16xf32, #tpu.memory_space<hbm>> -> memref<1x128x16xf32, #tpu.memory_space<hbm>>
      %dma_wait3A_894 = tpu.memref_squeeze %dma_wait3A_893 : memref<1x128x16xf32, #tpu.memory_space<hbm>> -> memref<128x16xf32, #tpu.memory_space<hbm>>
      %dma_wait3A_895 = arith.constant 0 : i32
      %dma_wait3A_896 = arith.constant 0 : i32
      %dma_wait3A_897 = tpu.memref_slice %arg5[%add3A_717, %dma_wait3A_895, %dma_wait3A_896] : memref<2561x128x16xf32, #tpu.memory_space<hbm>> -> memref<1x128x16xf32, #tpu.memory_space<hbm>>
      %dma_wait3A_898 = tpu.memref_squeeze %dma_wait3A_897 : memref<1x128x16xf32, #tpu.memory_space<hbm>> -> memref<128x16xf32, #tpu.memory_space<hbm>>
      tpu.wait_dma2 semaphore(%arg25 : memref<!tpu.dma_semaphore, #tpu.memory_space<semaphore_mem>>) src(%dma_wait3A_898 : memref<128x16xf32, #tpu.memory_space<hbm>>) dst(%arg15 : memref<128x16xf32, #tpu.memory_space<vmem>>)
      %dma_start3A_899 = arith.constant 13 : i32
      %dma_start3A_900 = arith.constant 0 : i32
      %dma_start3A_901 = tpu.memref_slice %arg9[%dma_start3A_899, %dma_start3A_900] : memref<16x128xi32, #tpu.memory_space<vmem>> -> memref<1x128xi32, #tpu.memory_space<vmem>>
      %dma_start3A_902 = tpu.memref_squeeze %dma_start3A_901 : memref<1x128xi32, #tpu.memory_space<vmem>> -> memref<128xi32, #tpu.memory_space<vmem>>
      %dma_start3A_903 = arith.constant 0 : i32
      %dma_start3A_904 = arith.constant 0 : i32
      %dma_start3A_905 = tpu.memref_slice %arg19[%dma_start3A_903, %dma_start3A_904] : memref<10240x16xf32, #tpu.memory_space<vmem_shared>> -> memref<10240x16xf32, #tpu.memory_space<vmem_shared>>
      tpu.enqueue_indirect_dma source(%arg15 : memref<128x16xf32, #tpu.memory_space<vmem>>) target(%dma_start3A_905 : memref<10240x16xf32, #tpu.memory_space<vmem_shared>>) offsets(%dma_start3A_902 : memref<128xi32, #tpu.memory_space<vmem>>) semaphore(%arg33 : memref<!tpu.dma_semaphore, #tpu.memory_space<semaphore_mem>>) {add = true}
      %dma_wait3A_906 = arith.constant 14 : i32
      %dma_wait3A_907 = arith.constant 0 : i32
      %dma_wait3A_908 = tpu.memref_slice %arg8[%dma_wait3A_906, %dma_wait3A_907] : memref<16x128xi32, #tpu.memory_space<vmem>> -> memref<1x128xi32, #tpu.memory_space<vmem>>
      %dma_wait3A_909 = tpu.memref_squeeze %dma_wait3A_908 : memref<1x128xi32, #tpu.memory_space<vmem>> -> memref<128xi32, #tpu.memory_space<vmem>>
      %dma_wait3A_910 = arith.constant 0 : i32
      %dma_wait3A_911 = arith.constant 0 : i32
      %dma_wait3A_912 = tpu.memref_slice %arg2[%dma_wait3A_910, %dma_wait3A_911] : memref<20000x64xf32, #tpu.memory_space<hbm>> -> memref<20000x64xf32, #tpu.memory_space<hbm>>
      tpu.wait_indirect_dma semaphore(%arg22 : memref<!tpu.dma_semaphore, #tpu.memory_space<semaphore_mem>>) src(%dma_wait3A_912 : memref<20000x64xf32, #tpu.memory_space<hbm>>) dst(%arg12 : memref<128x64xf32, #tpu.memory_space<vmem>>)
      %dma_start3A_913 = arith.constant 14 : i32
      %dma_start3A_914 = arith.constant 0 : i32
      %dma_start3A_915 = tpu.memref_slice %arg9[%dma_start3A_913, %dma_start3A_914] : memref<16x128xi32, #tpu.memory_space<vmem>> -> memref<1x128xi32, #tpu.memory_space<vmem>>
      %dma_start3A_916 = tpu.memref_squeeze %dma_start3A_915 : memref<1x128xi32, #tpu.memory_space<vmem>> -> memref<128xi32, #tpu.memory_space<vmem>>
      %dma_start3A_917 = arith.constant 0 : i32
      %dma_start3A_918 = arith.constant 0 : i32
      %dma_start3A_919 = tpu.memref_slice %arg18[%dma_start3A_917, %dma_start3A_918] : memref<10240x64xf32, #tpu.memory_space<vmem_shared>> -> memref<10240x64xf32, #tpu.memory_space<vmem_shared>>
      tpu.enqueue_indirect_dma source(%arg12 : memref<128x64xf32, #tpu.memory_space<vmem>>) target(%dma_start3A_919 : memref<10240x64xf32, #tpu.memory_space<vmem_shared>>) offsets(%dma_start3A_916 : memref<128xi32, #tpu.memory_space<vmem>>) semaphore(%arg30 : memref<!tpu.dma_semaphore, #tpu.memory_space<semaphore_mem>>) {add = true}
      %dma_wait3A_920 = arith.constant 0 : i32
      %dma_wait3A_921 = arith.constant 0 : i32
      %dma_wait3A_922 = tpu.memref_slice %arg5[%add3A_778, %dma_wait3A_920, %dma_wait3A_921] : memref<2561x128x16xf32, #tpu.memory_space<hbm>> -> memref<1x128x16xf32, #tpu.memory_space<hbm>>
      %dma_wait3A_923 = tpu.memref_squeeze %dma_wait3A_922 : memref<1x128x16xf32, #tpu.memory_space<hbm>> -> memref<128x16xf32, #tpu.memory_space<hbm>>
      %dma_wait3A_924 = arith.constant 0 : i32
      %dma_wait3A_925 = arith.constant 0 : i32
      %dma_wait3A_926 = tpu.memref_slice %arg5[%add3A_778, %dma_wait3A_924, %dma_wait3A_925] : memref<2561x128x16xf32, #tpu.memory_space<hbm>> -> memref<1x128x16xf32, #tpu.memory_space<hbm>>
      %dma_wait3A_927 = tpu.memref_squeeze %dma_wait3A_926 : memref<1x128x16xf32, #tpu.memory_space<hbm>> -> memref<128x16xf32, #tpu.memory_space<hbm>>
      tpu.wait_dma2 semaphore(%arg26 : memref<!tpu.dma_semaphore, #tpu.memory_space<semaphore_mem>>) src(%dma_wait3A_927 : memref<128x16xf32, #tpu.memory_space<hbm>>) dst(%arg16 : memref<128x16xf32, #tpu.memory_space<vmem>>)
      %dma_start3A_928 = arith.constant 14 : i32
      %dma_start3A_929 = arith.constant 0 : i32
      %dma_start3A_930 = tpu.memref_slice %arg9[%dma_start3A_928, %dma_start3A_929] : memref<16x128xi32, #tpu.memory_space<vmem>> -> memref<1x128xi32, #tpu.memory_space<vmem>>
      %dma_start3A_931 = tpu.memref_squeeze %dma_start3A_930 : memref<1x128xi32, #tpu.memory_space<vmem>> -> memref<128xi32, #tpu.memory_space<vmem>>
      %dma_start3A_932 = arith.constant 0 : i32
      %dma_start3A_933 = arith.constant 0 : i32
      %dma_start3A_934 = tpu.memref_slice %arg19[%dma_start3A_932, %dma_start3A_933] : memref<10240x16xf32, #tpu.memory_space<vmem_shared>> -> memref<10240x16xf32, #tpu.memory_space<vmem_shared>>
      tpu.enqueue_indirect_dma source(%arg16 : memref<128x16xf32, #tpu.memory_space<vmem>>) target(%dma_start3A_934 : memref<10240x16xf32, #tpu.memory_space<vmem_shared>>) offsets(%dma_start3A_931 : memref<128xi32, #tpu.memory_space<vmem>>) semaphore(%arg34 : memref<!tpu.dma_semaphore, #tpu.memory_space<semaphore_mem>>) {add = true}
      %dma_wait3A_935 = arith.constant 15 : i32
      %dma_wait3A_936 = arith.constant 0 : i32
      %dma_wait3A_937 = tpu.memref_slice %arg8[%dma_wait3A_935, %dma_wait3A_936] : memref<16x128xi32, #tpu.memory_space<vmem>> -> memref<1x128xi32, #tpu.memory_space<vmem>>
      %dma_wait3A_938 = tpu.memref_squeeze %dma_wait3A_937 : memref<1x128xi32, #tpu.memory_space<vmem>> -> memref<128xi32, #tpu.memory_space<vmem>>
      %dma_wait3A_939 = arith.constant 0 : i32
      %dma_wait3A_940 = arith.constant 0 : i32
      %dma_wait3A_941 = tpu.memref_slice %arg2[%dma_wait3A_939, %dma_wait3A_940] : memref<20000x64xf32, #tpu.memory_space<hbm>> -> memref<20000x64xf32, #tpu.memory_space<hbm>>
      tpu.wait_indirect_dma semaphore(%arg23 : memref<!tpu.dma_semaphore, #tpu.memory_space<semaphore_mem>>) src(%dma_wait3A_941 : memref<20000x64xf32, #tpu.memory_space<hbm>>) dst(%arg13 : memref<128x64xf32, #tpu.memory_space<vmem>>)
      %dma_start3A_942 = arith.constant 15 : i32
      %dma_start3A_943 = arith.constant 0 : i32
      %dma_start3A_944 = tpu.memref_slice %arg9[%dma_start3A_942, %dma_start3A_943] : memref<16x128xi32, #tpu.memory_space<vmem>> -> memref<1x128xi32, #tpu.memory_space<vmem>>
      %dma_start3A_945 = tpu.memref_squeeze %dma_start3A_944 : memref<1x128xi32, #tpu.memory_space<vmem>> -> memref<128xi32, #tpu.memory_space<vmem>>
      %dma_start3A_946 = arith.constant 0 : i32
      %dma_start3A_947 = arith.constant 0 : i32
      %dma_start3A_948 = tpu.memref_slice %arg18[%dma_start3A_946, %dma_start3A_947] : memref<10240x64xf32, #tpu.memory_space<vmem_shared>> -> memref<10240x64xf32, #tpu.memory_space<vmem_shared>>
      tpu.enqueue_indirect_dma source(%arg13 : memref<128x64xf32, #tpu.memory_space<vmem>>) target(%dma_start3A_948 : memref<10240x64xf32, #tpu.memory_space<vmem_shared>>) offsets(%dma_start3A_945 : memref<128xi32, #tpu.memory_space<vmem>>) semaphore(%arg31 : memref<!tpu.dma_semaphore, #tpu.memory_space<semaphore_mem>>) {add = true}
      %dma_wait3A_949 = arith.constant 0 : i32
      %dma_wait3A_950 = arith.constant 0 : i32
      %dma_wait3A_951 = tpu.memref_slice %arg5[%add3A_839, %dma_wait3A_949, %dma_wait3A_950] : memref<2561x128x16xf32, #tpu.memory_space<hbm>> -> memref<1x128x16xf32, #tpu.memory_space<hbm>>
      %dma_wait3A_952 = tpu.memref_squeeze %dma_wait3A_951 : memref<1x128x16xf32, #tpu.memory_space<hbm>> -> memref<128x16xf32, #tpu.memory_space<hbm>>
      %dma_wait3A_953 = arith.constant 0 : i32
      %dma_wait3A_954 = arith.constant 0 : i32
      %dma_wait3A_955 = tpu.memref_slice %arg5[%add3A_839, %dma_wait3A_953, %dma_wait3A_954] : memref<2561x128x16xf32, #tpu.memory_space<hbm>> -> memref<1x128x16xf32, #tpu.memory_space<hbm>>
      %dma_wait3A_956 = tpu.memref_squeeze %dma_wait3A_955 : memref<1x128x16xf32, #tpu.memory_space<hbm>> -> memref<128x16xf32, #tpu.memory_space<hbm>>
      tpu.wait_dma2 semaphore(%arg27 : memref<!tpu.dma_semaphore, #tpu.memory_space<semaphore_mem>>) src(%dma_wait3A_956 : memref<128x16xf32, #tpu.memory_space<hbm>>) dst(%arg17 : memref<128x16xf32, #tpu.memory_space<vmem>>)
      %dma_start3A_957 = arith.constant 15 : i32
      %dma_start3A_958 = arith.constant 0 : i32
      %dma_start3A_959 = tpu.memref_slice %arg9[%dma_start3A_957, %dma_start3A_958] : memref<16x128xi32, #tpu.memory_space<vmem>> -> memref<1x128xi32, #tpu.memory_space<vmem>>
      %dma_start3A_960 = tpu.memref_squeeze %dma_start3A_959 : memref<1x128xi32, #tpu.memory_space<vmem>> -> memref<128xi32, #tpu.memory_space<vmem>>
      %dma_start3A_961 = arith.constant 0 : i32
      %dma_start3A_962 = arith.constant 0 : i32
      %dma_start3A_963 = tpu.memref_slice %arg19[%dma_start3A_961, %dma_start3A_962] : memref<10240x16xf32, #tpu.memory_space<vmem_shared>> -> memref<10240x16xf32, #tpu.memory_space<vmem_shared>>
      tpu.enqueue_indirect_dma source(%arg17 : memref<128x16xf32, #tpu.memory_space<vmem>>) target(%dma_start3A_963 : memref<10240x16xf32, #tpu.memory_space<vmem_shared>>) offsets(%dma_start3A_960 : memref<128xi32, #tpu.memory_space<vmem>>) semaphore(%arg35 : memref<!tpu.dma_semaphore, #tpu.memory_space<semaphore_mem>>) {add = true}
      %dma_wait3A_964 = arith.constant 12 : i32
      %dma_wait3A_965 = arith.constant 0 : i32
      %dma_wait3A_966 = tpu.memref_slice %arg9[%dma_wait3A_964, %dma_wait3A_965] : memref<16x128xi32, #tpu.memory_space<vmem>> -> memref<1x128xi32, #tpu.memory_space<vmem>>
      %dma_wait3A_967 = tpu.memref_squeeze %dma_wait3A_966 : memref<1x128xi32, #tpu.memory_space<vmem>> -> memref<128xi32, #tpu.memory_space<vmem>>
      %dma_wait3A_968 = arith.constant 0 : i32
      %dma_wait3A_969 = arith.constant 0 : i32
      %dma_wait3A_970 = tpu.memref_slice %arg18[%dma_wait3A_968, %dma_wait3A_969] : memref<10240x64xf32, #tpu.memory_space<vmem_shared>> -> memref<10240x64xf32, #tpu.memory_space<vmem_shared>>
      tpu.wait_indirect_dma semaphore(%arg28 : memref<!tpu.dma_semaphore, #tpu.memory_space<semaphore_mem>>) src(%arg10 : memref<128x64xf32, #tpu.memory_space<vmem>>) dst(%dma_wait3A_970 : memref<10240x64xf32, #tpu.memory_space<vmem_shared>>)
      %dma_wait3A_971 = arith.constant 12 : i32
      %dma_wait3A_972 = arith.constant 0 : i32
      %dma_wait3A_973 = tpu.memref_slice %arg9[%dma_wait3A_971, %dma_wait3A_972] : memref<16x128xi32, #tpu.memory_space<vmem>> -> memref<1x128xi32, #tpu.memory_space<vmem>>
      %dma_wait3A_974 = tpu.memref_squeeze %dma_wait3A_973 : memref<1x128xi32, #tpu.memory_space<vmem>> -> memref<128xi32, #tpu.memory_space<vmem>>
      %dma_wait3A_975 = arith.constant 0 : i32
      %dma_wait3A_976 = arith.constant 0 : i32
      %dma_wait3A_977 = tpu.memref_slice %arg19[%dma_wait3A_975, %dma_wait3A_976] : memref<10240x16xf32, #tpu.memory_space<vmem_shared>> -> memref<10240x16xf32, #tpu.memory_space<vmem_shared>>
      tpu.wait_indirect_dma semaphore(%arg32 : memref<!tpu.dma_semaphore, #tpu.memory_space<semaphore_mem>>) src(%arg14 : memref<128x16xf32, #tpu.memory_space<vmem>>) dst(%dma_wait3A_977 : memref<10240x16xf32, #tpu.memory_space<vmem_shared>>)
      %dma_wait3A_978 = arith.constant 13 : i32
      %dma_wait3A_979 = arith.constant 0 : i32
      %dma_wait3A_980 = tpu.memref_slice %arg9[%dma_wait3A_978, %dma_wait3A_979] : memref<16x128xi32, #tpu.memory_space<vmem>> -> memref<1x128xi32, #tpu.memory_space<vmem>>
      %dma_wait3A_981 = tpu.memref_squeeze %dma_wait3A_980 : memref<1x128xi32, #tpu.memory_space<vmem>> -> memref<128xi32, #tpu.memory_space<vmem>>
      %dma_wait3A_982 = arith.constant 0 : i32
      %dma_wait3A_983 = arith.constant 0 : i32
      %dma_wait3A_984 = tpu.memref_slice %arg18[%dma_wait3A_982, %dma_wait3A_983] : memref<10240x64xf32, #tpu.memory_space<vmem_shared>> -> memref<10240x64xf32, #tpu.memory_space<vmem_shared>>
      tpu.wait_indirect_dma semaphore(%arg29 : memref<!tpu.dma_semaphore, #tpu.memory_space<semaphore_mem>>) src(%arg11 : memref<128x64xf32, #tpu.memory_space<vmem>>) dst(%dma_wait3A_984 : memref<10240x64xf32, #tpu.memory_space<vmem_shared>>)
      %dma_wait3A_985 = arith.constant 13 : i32
      %dma_wait3A_986 = arith.constant 0 : i32
      %dma_wait3A_987 = tpu.memref_slice %arg9[%dma_wait3A_985, %dma_wait3A_986] : memref<16x128xi32, #tpu.memory_space<vmem>> -> memref<1x128xi32, #tpu.memory_space<vmem>>
      %dma_wait3A_988 = tpu.memref_squeeze %dma_wait3A_987 : memref<1x128xi32, #tpu.memory_space<vmem>> -> memref<128xi32, #tpu.memory_space<vmem>>
      %dma_wait3A_989 = arith.constant 0 : i32
      %dma_wait3A_990 = arith.constant 0 : i32
      %dma_wait3A_991 = tpu.memref_slice %arg19[%dma_wait3A_989, %dma_wait3A_990] : memref<10240x16xf32, #tpu.memory_space<vmem_shared>> -> memref<10240x16xf32, #tpu.memory_space<vmem_shared>>
      tpu.wait_indirect_dma semaphore(%arg33 : memref<!tpu.dma_semaphore, #tpu.memory_space<semaphore_mem>>) src(%arg15 : memref<128x16xf32, #tpu.memory_space<vmem>>) dst(%dma_wait3A_991 : memref<10240x16xf32, #tpu.memory_space<vmem_shared>>)
      %dma_wait3A_992 = arith.constant 14 : i32
      %dma_wait3A_993 = arith.constant 0 : i32
      %dma_wait3A_994 = tpu.memref_slice %arg9[%dma_wait3A_992, %dma_wait3A_993] : memref<16x128xi32, #tpu.memory_space<vmem>> -> memref<1x128xi32, #tpu.memory_space<vmem>>
      %dma_wait3A_995 = tpu.memref_squeeze %dma_wait3A_994 : memref<1x128xi32, #tpu.memory_space<vmem>> -> memref<128xi32, #tpu.memory_space<vmem>>
      %dma_wait3A_996 = arith.constant 0 : i32
      %dma_wait3A_997 = arith.constant 0 : i32
      %dma_wait3A_998 = tpu.memref_slice %arg18[%dma_wait3A_996, %dma_wait3A_997] : memref<10240x64xf32, #tpu.memory_space<vmem_shared>> -> memref<10240x64xf32, #tpu.memory_space<vmem_shared>>
      tpu.wait_indirect_dma semaphore(%arg30 : memref<!tpu.dma_semaphore, #tpu.memory_space<semaphore_mem>>) src(%arg12 : memref<128x64xf32, #tpu.memory_space<vmem>>) dst(%dma_wait3A_998 : memref<10240x64xf32, #tpu.memory_space<vmem_shared>>)
      %dma_wait3A_999 = arith.constant 14 : i32
      %dma_wait3A_1000 = arith.constant 0 : i32
      %dma_wait3A_1001 = tpu.memref_slice %arg9[%dma_wait3A_999, %dma_wait3A_1000] : memref<16x128xi32, #tpu.memory_space<vmem>> -> memref<1x128xi32, #tpu.memory_space<vmem>>
      %dma_wait3A_1002 = tpu.memref_squeeze %dma_wait3A_1001 : memref<1x128xi32, #tpu.memory_space<vmem>> -> memref<128xi32, #tpu.memory_space<vmem>>
      %dma_wait3A_1003 = arith.constant 0 : i32
      %dma_wait3A_1004 = arith.constant 0 : i32
      %dma_wait3A_1005 = tpu.memref_slice %arg19[%dma_wait3A_1003, %dma_wait3A_1004] : memref<10240x16xf32, #tpu.memory_space<vmem_shared>> -> memref<10240x16xf32, #tpu.memory_space<vmem_shared>>
      tpu.wait_indirect_dma semaphore(%arg34 : memref<!tpu.dma_semaphore, #tpu.memory_space<semaphore_mem>>) src(%arg16 : memref<128x16xf32, #tpu.memory_space<vmem>>) dst(%dma_wait3A_1005 : memref<10240x16xf32, #tpu.memory_space<vmem_shared>>)
      %dma_wait3A_1006 = arith.constant 15 : i32
      %dma_wait3A_1007 = arith.constant 0 : i32
      %dma_wait3A_1008 = tpu.memref_slice %arg9[%dma_wait3A_1006, %dma_wait3A_1007] : memref<16x128xi32, #tpu.memory_space<vmem>> -> memref<1x128xi32, #tpu.memory_space<vmem>>
      %dma_wait3A_1009 = tpu.memref_squeeze %dma_wait3A_1008 : memref<1x128xi32, #tpu.memory_space<vmem>> -> memref<128xi32, #tpu.memory_space<vmem>>
      %dma_wait3A_1010 = arith.constant 0 : i32
      %dma_wait3A_1011 = arith.constant 0 : i32
      %dma_wait3A_1012 = tpu.memref_slice %arg18[%dma_wait3A_1010, %dma_wait3A_1011] : memref<10240x64xf32, #tpu.memory_space<vmem_shared>> -> memref<10240x64xf32, #tpu.memory_space<vmem_shared>>
      tpu.wait_indirect_dma semaphore(%arg31 : memref<!tpu.dma_semaphore, #tpu.memory_space<semaphore_mem>>) src(%arg13 : memref<128x64xf32, #tpu.memory_space<vmem>>) dst(%dma_wait3A_1012 : memref<10240x64xf32, #tpu.memory_space<vmem_shared>>)
      %dma_wait3A_1013 = arith.constant 15 : i32
      %dma_wait3A_1014 = arith.constant 0 : i32
      %dma_wait3A_1015 = tpu.memref_slice %arg9[%dma_wait3A_1013, %dma_wait3A_1014] : memref<16x128xi32, #tpu.memory_space<vmem>> -> memref<1x128xi32, #tpu.memory_space<vmem>>
      %dma_wait3A_1016 = tpu.memref_squeeze %dma_wait3A_1015 : memref<1x128xi32, #tpu.memory_space<vmem>> -> memref<128xi32, #tpu.memory_space<vmem>>
      %dma_wait3A_1017 = arith.constant 0 : i32
      %dma_wait3A_1018 = arith.constant 0 : i32
      %dma_wait3A_1019 = tpu.memref_slice %arg19[%dma_wait3A_1017, %dma_wait3A_1018] : memref<10240x16xf32, #tpu.memory_space<vmem_shared>> -> memref<10240x16xf32, #tpu.memory_space<vmem_shared>>
      tpu.wait_indirect_dma semaphore(%arg35 : memref<!tpu.dma_semaphore, #tpu.memory_space<semaphore_mem>>) src(%arg17 : memref<128x16xf32, #tpu.memory_space<vmem>>) dst(%dma_wait3A_1019 : memref<10240x16xf32, #tpu.memory_space<vmem_shared>>)
    }
    %scan3A_30 = arith.constant 10 : i32
    %barrier3A_31 = arith.constant 0 : index
    tpu.barrier barrier_id(%barrier3A_31)
    %scan3A_32 = arith.constant 0 : i32
    %scan3A_33 = arith.constant 0 : i32
    %scan3A_34 = arith.constant 5 : i32
    %scan3A_35 = arith.addi %scan3A_33, %scan3A_34 : i32
    %scan3A_36 = arith.constant 1 : i32
    scf.for %scan3A_38 = %scan3A_33 to %scan3A_35 step %scan3A_36  : i32 {
      %mul3A_39 = arith.constant 128 : i32
      %mul3A_40 = arith.muli %scan3A_38, %mul3A_39 : i32
      %add3A_41 = arith.addi %mul3A_12, %mul3A_40 : i32
      "tpu.region"() ({
        %run_scoped3A = tpu.sem_alloc : memref<!tpu.dma_semaphore, #tpu.memory_space<semaphore_mem>>
        %dma_start3A = arith.constant 0 : i32
        %dma_start3A_42 = tpu.memref_slice %arg18[%add3A_41, %dma_start3A] : memref<10240x64xf32, #tpu.memory_space<vmem_shared>> -> memref<128x64xf32, #tpu.memory_space<vmem_shared>>
        %dma_start3A_43 = arith.constant 0 : i32
        %dma_start3A_44 = tpu.memref_slice %arg18[%add3A_41, %dma_start3A_43] : memref<10240x64xf32, #tpu.memory_space<vmem_shared>> -> memref<128x64xf32, #tpu.memory_space<vmem_shared>>
        tpu.enqueue_dma source(%dma_start3A_44 : memref<128x64xf32, #tpu.memory_space<vmem_shared>>) target(%arg10 : memref<128x64xf32, #tpu.memory_space<vmem>>) target_semaphore(%run_scoped3A : memref<!tpu.dma_semaphore, #tpu.memory_space<semaphore_mem>>)
        %dma_wait3A = arith.constant 0 : i32
        %dma_wait3A_45 = tpu.memref_slice %arg18[%add3A_41, %dma_wait3A] : memref<10240x64xf32, #tpu.memory_space<vmem_shared>> -> memref<128x64xf32, #tpu.memory_space<vmem_shared>>
        %dma_wait3A_46 = arith.constant 0 : i32
        %dma_wait3A_47 = tpu.memref_slice %arg18[%add3A_41, %dma_wait3A_46] : memref<10240x64xf32, #tpu.memory_space<vmem_shared>> -> memref<128x64xf32, #tpu.memory_space<vmem_shared>>
        tpu.wait_dma2 semaphore(%run_scoped3A : memref<!tpu.dma_semaphore, #tpu.memory_space<semaphore_mem>>) src(%dma_wait3A_47 : memref<128x64xf32, #tpu.memory_space<vmem_shared>>) dst(%arg10 : memref<128x64xf32, #tpu.memory_space<vmem>>)
        tpu.yield
      }) : () -> ()
      "tpu.region"() ({
        %run_scoped3A = tpu.sem_alloc : memref<!tpu.dma_semaphore, #tpu.memory_space<semaphore_mem>>
        %dma_start3A = arith.constant 0 : i32
        %dma_start3A_42 = tpu.memref_slice %arg6[%arg0, %add3A_41, %dma_start3A] : memref<2x10240x64xf32, #tpu.memory_space<hbm>> -> memref<1x128x64xf32, #tpu.memory_space<hbm>>
        %dma_start3A_43 = tpu.memref_squeeze %dma_start3A_42 : memref<1x128x64xf32, #tpu.memory_space<hbm>> -> memref<128x64xf32, #tpu.memory_space<hbm>>
        %dma_start3A_44 = arith.constant 0 : i32
        %dma_start3A_45 = tpu.memref_slice %arg6[%arg0, %add3A_41, %dma_start3A_44] : memref<2x10240x64xf32, #tpu.memory_space<hbm>> -> memref<1x128x64xf32, #tpu.memory_space<hbm>>
        %dma_start3A_46 = tpu.memref_squeeze %dma_start3A_45 : memref<1x128x64xf32, #tpu.memory_space<hbm>> -> memref<128x64xf32, #tpu.memory_space<hbm>>
        tpu.enqueue_dma source(%arg10 : memref<128x64xf32, #tpu.memory_space<vmem>>) target(%dma_start3A_46 : memref<128x64xf32, #tpu.memory_space<hbm>>) target_semaphore(%run_scoped3A : memref<!tpu.dma_semaphore, #tpu.memory_space<semaphore_mem>>)
        %dma_wait3A = arith.constant 0 : i32
        %dma_wait3A_47 = tpu.memref_slice %arg6[%arg0, %add3A_41, %dma_wait3A] : memref<2x10240x64xf32, #tpu.memory_space<hbm>> -> memref<1x128x64xf32, #tpu.memory_space<hbm>>
        %dma_wait3A_48 = tpu.memref_squeeze %dma_wait3A_47 : memref<1x128x64xf32, #tpu.memory_space<hbm>> -> memref<128x64xf32, #tpu.memory_space<hbm>>
        %dma_wait3A_49 = arith.constant 0 : i32
        %dma_wait3A_50 = tpu.memref_slice %arg6[%arg0, %add3A_41, %dma_wait3A_49] : memref<2x10240x64xf32, #tpu.memory_space<hbm>> -> memref<1x128x64xf32, #tpu.memory_space<hbm>>
        %dma_wait3A_51 = tpu.memref_squeeze %dma_wait3A_50 : memref<1x128x64xf32, #tpu.memory_space<hbm>> -> memref<128x64xf32, #tpu.memory_space<hbm>>
        tpu.wait_dma2 semaphore(%run_scoped3A : memref<!tpu.dma_semaphore, #tpu.memory_space<semaphore_mem>>) src(%arg10 : memref<128x64xf32, #tpu.memory_space<vmem>>) dst(%dma_wait3A_51 : memref<128x64xf32, #tpu.memory_space<hbm>>)
        tpu.yield
      }) : () -> ()
      "tpu.region"() ({
        %run_scoped3A = tpu.sem_alloc : memref<!tpu.dma_semaphore, #tpu.memory_space<semaphore_mem>>
        %dma_start3A = arith.constant 0 : i32
        %dma_start3A_42 = tpu.memref_slice %arg19[%add3A_41, %dma_start3A] : memref<10240x16xf32, #tpu.memory_space<vmem_shared>> -> memref<128x16xf32, #tpu.memory_space<vmem_shared>>
        %dma_start3A_43 = arith.constant 0 : i32
        %dma_start3A_44 = tpu.memref_slice %arg19[%add3A_41, %dma_start3A_43] : memref<10240x16xf32, #tpu.memory_space<vmem_shared>> -> memref<128x16xf32, #tpu.memory_space<vmem_shared>>
        tpu.enqueue_dma source(%dma_start3A_44 : memref<128x16xf32, #tpu.memory_space<vmem_shared>>) target(%arg14 : memref<128x16xf32, #tpu.memory_space<vmem>>) target_semaphore(%run_scoped3A : memref<!tpu.dma_semaphore, #tpu.memory_space<semaphore_mem>>)
        %dma_wait3A = arith.constant 0 : i32
        %dma_wait3A_45 = tpu.memref_slice %arg19[%add3A_41, %dma_wait3A] : memref<10240x16xf32, #tpu.memory_space<vmem_shared>> -> memref<128x16xf32, #tpu.memory_space<vmem_shared>>
        %dma_wait3A_46 = arith.constant 0 : i32
        %dma_wait3A_47 = tpu.memref_slice %arg19[%add3A_41, %dma_wait3A_46] : memref<10240x16xf32, #tpu.memory_space<vmem_shared>> -> memref<128x16xf32, #tpu.memory_space<vmem_shared>>
        tpu.wait_dma2 semaphore(%run_scoped3A : memref<!tpu.dma_semaphore, #tpu.memory_space<semaphore_mem>>) src(%dma_wait3A_47 : memref<128x16xf32, #tpu.memory_space<vmem_shared>>) dst(%arg14 : memref<128x16xf32, #tpu.memory_space<vmem>>)
        tpu.yield
      }) : () -> ()
      "tpu.region"() ({
        %run_scoped3A = tpu.sem_alloc : memref<!tpu.dma_semaphore, #tpu.memory_space<semaphore_mem>>
        %dma_start3A = arith.constant 0 : i32
        %dma_start3A_42 = tpu.memref_slice %arg7[%arg0, %add3A_41, %dma_start3A] : memref<2x10240x16xf32, #tpu.memory_space<hbm>> -> memref<1x128x16xf32, #tpu.memory_space<hbm>>
        %dma_start3A_43 = tpu.memref_squeeze %dma_start3A_42 : memref<1x128x16xf32, #tpu.memory_space<hbm>> -> memref<128x16xf32, #tpu.memory_space<hbm>>
        %dma_start3A_44 = arith.constant 0 : i32
        %dma_start3A_45 = tpu.memref_slice %arg7[%arg0, %add3A_41, %dma_start3A_44] : memref<2x10240x16xf32, #tpu.memory_space<hbm>> -> memref<1x128x16xf32, #tpu.memory_space<hbm>>
        %dma_start3A_46 = tpu.memref_squeeze %dma_start3A_45 : memref<1x128x16xf32, #tpu.memory_space<hbm>> -> memref<128x16xf32, #tpu.memory_space<hbm>>
        tpu.enqueue_dma source(%arg14 : memref<128x16xf32, #tpu.memory_space<vmem>>) target(%dma_start3A_46 : memref<128x16xf32, #tpu.memory_space<hbm>>) target_semaphore(%run_scoped3A : memref<!tpu.dma_semaphore, #tpu.memory_space<semaphore_mem>>)
        %dma_wait3A = arith.constant 0 : i32
        %dma_wait3A_47 = tpu.memref_slice %arg7[%arg0, %add3A_41, %dma_wait3A] : memref<2x10240x16xf32, #tpu.memory_space<hbm>> -> memref<1x128x16xf32, #tpu.memory_space<hbm>>
        %dma_wait3A_48 = tpu.memref_squeeze %dma_wait3A_47 : memref<1x128x16xf32, #tpu.memory_space<hbm>> -> memref<128x16xf32, #tpu.memory_space<hbm>>
        %dma_wait3A_49 = arith.constant 0 : i32
        %dma_wait3A_50 = tpu.memref_slice %arg7[%arg0, %add3A_41, %dma_wait3A_49] : memref<2x10240x16xf32, #tpu.memory_space<hbm>> -> memref<1x128x16xf32, #tpu.memory_space<hbm>>
        %dma_wait3A_51 = tpu.memref_squeeze %dma_wait3A_50 : memref<1x128x16xf32, #tpu.memory_space<hbm>> -> memref<128x16xf32, #tpu.memory_space<hbm>>
        tpu.wait_dma2 semaphore(%run_scoped3A : memref<!tpu.dma_semaphore, #tpu.memory_space<semaphore_mem>>) src(%arg14 : memref<128x16xf32, #tpu.memory_space<vmem>>) dst(%dma_wait3A_51 : memref<128x16xf32, #tpu.memory_space<hbm>>)
        tpu.yield
      }) : () -> ()
    }
    %scan3A_37 = arith.constant 5 : i32
    return
  }
}

module attributes {stable_mosaic.version = 14 : i64} {
  func.func @body1(%arg0: i32, %arg1: memref<1000x128xf32, #tpu.memory_space<vmem>>, %arg2: memref<2x1000x64xf32, #tpu.memory_space<vmem>>, %arg3: memref<2x1000x16xf32, #tpu.memory_space<vmem>>, %arg4: memref<128x128xf32, #tpu.memory_space<vmem>>, %arg5: memref<128xf32, #tpu.memory_space<vmem>>, %arg6: memref<128x128xf32, #tpu.memory_space<vmem>>, %arg7: memref<128x128xf32, #tpu.memory_space<vmem>>, %arg8: memref<16x128xf32, #tpu.memory_space<vmem>>, %arg9: memref<128x128xf32, #tpu.memory_space<vmem>>, %arg10: memref<128xf32, #tpu.memory_space<vmem>>, %arg11: memref<1000x128xf32, #tpu.memory_space<vmem>>, %arg12: memref<2x128xf32, #tpu.memory_space<vmem>>) attributes {dimension_semantics = [#tpu.dimension_semantics<arbitrary>], iteration_bounds = array<i64: 10>, scalar_prefetch = 0 : i64, scratch_operands = 0 : i64, tpu.core_type = #tpu.core_type<tc>, window_params = [{transform_indices = @transform_0, window_bounds = array<i64: 1000, 128>}, {transform_indices = @transform_1, window_bounds = array<i64: 2, 1000, 64>}, {transform_indices = @transform_2, window_bounds = array<i64: 2, 1000, 16>}, {pipeline_mode = #tpu.pipeline_mode<synchronous>, transform_indices = @transform_3, window_bounds = array<i64: 128, 128>}, {pipeline_mode = #tpu.pipeline_mode<synchronous>, transform_indices = @transform_4, window_bounds = array<i64: 128>}, {pipeline_mode = #tpu.pipeline_mode<synchronous>, transform_indices = @transform_5, window_bounds = array<i64: 128, 128>}, {pipeline_mode = #tpu.pipeline_mode<synchronous>, transform_indices = @transform_6, window_bounds = array<i64: 128, 128>}, {pipeline_mode = #tpu.pipeline_mode<synchronous>, transform_indices = @transform_7, window_bounds = array<i64: 16, 128>}, {pipeline_mode = #tpu.pipeline_mode<synchronous>, transform_indices = @transform_8, window_bounds = array<i64: 128, 128>}, {pipeline_mode = #tpu.pipeline_mode<synchronous>, transform_indices = @transform_9, window_bounds = array<i64: 128>}, {transform_indices = @transform_10, window_bounds = array<i64: 1000, 128>}, {pipeline_mode = #tpu.pipeline_mode<synchronous>, transform_indices = @transform_11, window_bounds = array<i64: 2, 128>}]} {
    %get3A = arith.constant 0 : index
    %get3A_0 = arith.constant 0 : index
    %get3A_1 = vector.load %arg1[%get3A, %get3A_0] : memref<1000x128xf32, #tpu.memory_space<vmem>>, vector<1000x128xf32>
    %get3A_2 = arith.constant 0 : index
    %get3A_3 = arith.constant 0 : index
    %get3A_4 = vector.load %arg4[%get3A_2, %get3A_3] : memref<128x128xf32, #tpu.memory_space<vmem>>, vector<128x128xf32>
    %dot_general3A = arith.constant dense<0.000000e+00> : vector<1000x128xf32>
    %dot_general3A_5 = tpu.matmul %get3A_1, %get3A_4, %dot_general3A {dimension_numbers = #tpu.dot_dimension_numbers<[1], [0], [0], [1], [0, 0, 1, 1], [], []>, precision = #tpu.contract_precision<fp32>, transpose_lhs_hint = false} : vector<1000x128xf32>, vector<128x128xf32>, vector<1000x128xf32> -> vector<1000x128xf32>
    %get3A_6 = arith.constant 0 : index
    %get3A_7 = vector.load %arg5[%get3A_6] : memref<128xf32, #tpu.memory_space<vmem>>, vector<128xf32>
    %broadcast_in_dim3A = vector.shape_cast %get3A_7 : vector<128xf32> to vector<1x128xf32>
    %add3A = vector.broadcast %broadcast_in_dim3A : vector<1x128xf32> to vector<1000x128xf32>
    %add3A_8 = arith.addf %dot_general3A_5, %add3A : vector<1000x128xf32>
    %get3A_9 = arith.constant 0 : index
    %get3A_10 = arith.constant 0 : index
    %get3A_11 = arith.constant 0 : index
    %get3A_12 = vector.load %arg3[%get3A_9, %get3A_10, %get3A_11] : memref<2x1000x16xf32, #tpu.memory_space<vmem>>, vector<1x1000x16xf32>
    %get3A_13 = vector.shape_cast %get3A_12 : vector<1x1000x16xf32> to vector<1000x16xf32>
    %get3A_14 = arith.constant 1 : index
    %get3A_15 = arith.constant 0 : index
    %get3A_16 = arith.constant 0 : index
    %get3A_17 = vector.load %arg3[%get3A_14, %get3A_15, %get3A_16] : memref<2x1000x16xf32, #tpu.memory_space<vmem>>, vector<1x1000x16xf32>
    %get3A_18 = vector.shape_cast %get3A_17 : vector<1x1000x16xf32> to vector<1000x16xf32>
    %slice3A = vector.extract_strided_slice %get3A_18 {offsets = [0, 0], sizes = [1000, 1], strides = [1, 1]} : vector<1000x16xf32> to vector<1000x1xf32>
    %squeeze3A = vector.shape_cast %slice3A : vector<1000x1xf32> to vector<1000xf32>
    %get3A_19 = arith.constant 0 : index
    %get3A_20 = arith.constant 0 : index
    %get3A_21 = vector.load %arg4[%get3A_19, %get3A_20] : memref<128x128xf32, #tpu.memory_space<vmem>>, vector<128x128xf32>
    %get3A_22 = arith.constant 0 : index
    %get3A_23 = arith.constant 0 : index
    %get3A_24 = vector.load %arg7[%get3A_22, %get3A_23] : memref<128x128xf32, #tpu.memory_space<vmem>>, vector<128x128xf32>
    %dot_general3A_25 = arith.constant dense<0.000000e+00> : vector<128x128xf32>
    %dot_general3A_26 = tpu.matmul %get3A_21, %get3A_24, %dot_general3A_25 {dimension_numbers = #tpu.dot_dimension_numbers<[1], [0], [0], [1], [0, 0, 1, 1], [], []>, precision = #tpu.contract_precision<fp32>, transpose_lhs_hint = false} : vector<128x128xf32>, vector<128x128xf32>, vector<128x128xf32> -> vector<128x128xf32>
    %get3A_27 = arith.constant 0 : index
    %get3A_28 = vector.load %arg5[%get3A_27] : memref<128xf32, #tpu.memory_space<vmem>>, vector<128xf32>
    %reshape3A = vector.shape_cast %get3A_28 : vector<128xf32> to vector<1x128xf32>
    %get3A_29 = arith.constant 0 : index
    %get3A_30 = arith.constant 0 : index
    %get3A_31 = vector.load %arg7[%get3A_29, %get3A_30] : memref<128x128xf32, #tpu.memory_space<vmem>>, vector<128x128xf32>
    %dot_general3A_32 = arith.constant dense<0.000000e+00> : vector<1x128xf32>
    %dot_general3A_33 = tpu.matmul %reshape3A, %get3A_31, %dot_general3A_32 {dimension_numbers = #tpu.dot_dimension_numbers<[1], [0], [0], [1], [0, 0, 1, 1], [], []>, precision = #tpu.contract_precision<fp32>, transpose_lhs_hint = false} : vector<1x128xf32>, vector<128x128xf32>, vector<1x128xf32> -> vector<1x128xf32>
    %get3A_34 = arith.constant 0 : index
    %get3A_35 = arith.constant 0 : index
    %get3A_36 = arith.constant 0 : index
    %get3A_37 = vector.load %arg2[%get3A_34, %get3A_35, %get3A_36] : memref<2x1000x64xf32, #tpu.memory_space<vmem>>, vector<1x1000x64xf32>
    %get3A_38 = vector.shape_cast %get3A_37 : vector<1x1000x64xf32> to vector<1000x64xf32>
    %slice3A_39 = vector.extract_strided_slice %dot_general3A_26 {offsets = [0, 0], sizes = [64, 128], strides = [1, 1]} : vector<128x128xf32> to vector<64x128xf32>
    %dot_general3A_40 = arith.constant dense<0.000000e+00> : vector<1000x128xf32>
    %dot_general3A_41 = tpu.matmul %get3A_38, %slice3A_39, %dot_general3A_40 {dimension_numbers = #tpu.dot_dimension_numbers<[1], [0], [0], [1], [0, 0, 1, 1], [], []>, precision = #tpu.contract_precision<fp32>, transpose_lhs_hint = false} : vector<1000x64xf32>, vector<64x128xf32>, vector<1000x128xf32> -> vector<1000x128xf32>
    %get3A_42 = arith.constant 1 : index
    %get3A_43 = arith.constant 0 : index
    %get3A_44 = arith.constant 0 : index
    %get3A_45 = vector.load %arg2[%get3A_42, %get3A_43, %get3A_44] : memref<2x1000x64xf32, #tpu.memory_space<vmem>>, vector<1x1000x64xf32>
    %get3A_46 = vector.shape_cast %get3A_45 : vector<1x1000x64xf32> to vector<1000x64xf32>
    %slice3A_47 = vector.extract_strided_slice %dot_general3A_26 {offsets = [64, 0], sizes = [64, 128], strides = [1, 1]} : vector<128x128xf32> to vector<64x128xf32>
    %dot_general3A_48 = arith.constant dense<0.000000e+00> : vector<1000x128xf32>
    %dot_general3A_49 = tpu.matmul %get3A_46, %slice3A_47, %dot_general3A_48 {dimension_numbers = #tpu.dot_dimension_numbers<[1], [0], [0], [1], [0, 0, 1, 1], [], []>, precision = #tpu.contract_precision<fp32>, transpose_lhs_hint = false} : vector<1000x64xf32>, vector<64x128xf32>, vector<1000x128xf32> -> vector<1000x128xf32>
    %add3A_50 = arith.addf %dot_general3A_41, %dot_general3A_49 : vector<1000x128xf32>
    %reshape3A_51 = vector.shape_cast %squeeze3A : vector<1000xf32> to vector<1000x1xf32>
    %mul3A = vector.broadcast %reshape3A_51 : vector<1000x1xf32> to vector<1000x128xf32>
    %mul3A_52 = vector.broadcast %dot_general3A_33 : vector<1x128xf32> to vector<1000x128xf32>
    %mul3A_53 = arith.mulf %mul3A, %mul3A_52 : vector<1000x128xf32>
    %add3A_54 = arith.addf %add3A_50, %mul3A_53 : vector<1000x128xf32>
    %get3A_55 = arith.constant 0 : index
    %get3A_56 = arith.constant 0 : index
    %get3A_57 = vector.load %arg8[%get3A_55, %get3A_56] : memref<16x128xf32, #tpu.memory_space<vmem>>, vector<16x128xf32>
    %dot_general3A_58 = arith.constant dense<0.000000e+00> : vector<1000x128xf32>
    %dot_general3A_59 = tpu.matmul %get3A_13, %get3A_57, %dot_general3A_58 {dimension_numbers = #tpu.dot_dimension_numbers<[1], [0], [0], [1], [0, 0, 1, 1], [], []>, precision = #tpu.contract_precision<fp32>, transpose_lhs_hint = false} : vector<1000x16xf32>, vector<16x128xf32>, vector<1000x128xf32> -> vector<1000x128xf32>
    %add3A_60 = arith.addf %add3A_54, %dot_general3A_59 : vector<1000x128xf32>
    %get3A_61 = arith.constant 0 : index
    %get3A_62 = arith.constant 0 : index
    %get3A_63 = vector.load %arg6[%get3A_61, %get3A_62] : memref<128x128xf32, #tpu.memory_space<vmem>>, vector<128x128xf32>
    %dot_general3A_64 = arith.constant dense<0.000000e+00> : vector<1000x128xf32>
    %dot_general3A_65 = tpu.matmul %add3A_8, %get3A_63, %dot_general3A_64 {dimension_numbers = #tpu.dot_dimension_numbers<[1], [0], [0], [1], [0, 0, 1, 1], [], []>, precision = #tpu.contract_precision<fp32>, transpose_lhs_hint = false} : vector<1000x128xf32>, vector<128x128xf32>, vector<1000x128xf32> -> vector<1000x128xf32>
    %add3A_66 = arith.addf %dot_general3A_65, %add3A_60 : vector<1000x128xf32>
    %max3A = arith.constant 0.000000e+00 : f32
    %max3A_67 = vector.broadcast %max3A : f32 to vector<1000x128xf32>
    %max3A_68 = arith.maximumf %add3A_66, %max3A_67 : vector<1000x128xf32>
    %get3A_69 = arith.constant 0 : index
    %get3A_70 = arith.constant 0 : index
    %get3A_71 = vector.load %arg9[%get3A_69, %get3A_70] : memref<128x128xf32, #tpu.memory_space<vmem>>, vector<128x128xf32>
    %dot_general3A_72 = arith.constant dense<0.000000e+00> : vector<1000x128xf32>
    %dot_general3A_73 = tpu.matmul %max3A_68, %get3A_71, %dot_general3A_72 {dimension_numbers = #tpu.dot_dimension_numbers<[1], [0], [0], [1], [0, 0, 1, 1], [], []>, precision = #tpu.contract_precision<fp32>, transpose_lhs_hint = false} : vector<1000x128xf32>, vector<128x128xf32>, vector<1000x128xf32> -> vector<1000x128xf32>
    %get3A_74 = arith.constant 0 : index
    %get3A_75 = vector.load %arg10[%get3A_74] : memref<128xf32, #tpu.memory_space<vmem>>, vector<128xf32>
    %broadcast_in_dim3A_76 = vector.shape_cast %get3A_75 : vector<128xf32> to vector<1x128xf32>
    %add3A_77 = vector.broadcast %broadcast_in_dim3A_76 : vector<1x128xf32> to vector<1000x128xf32>
    %add3A_78 = arith.addf %dot_general3A_73, %add3A_77 : vector<1000x128xf32>
    %swap3A = arith.constant 0 : index
    %swap3A_79 = arith.constant 0 : index
    %swap3A_80 = vector.load %arg11[%swap3A, %swap3A_79] : memref<1000x128xf32, #tpu.memory_space<vmem>>, vector<1000x128xf32>
    tpu.vector_store %arg11[%swap3A, %swap3A_79], %add3A_78 {strides = array<i32>} : memref<1000x128xf32, #tpu.memory_space<vmem>>, vector<1000x128xf32>,
    %eq3A = arith.constant 0 : i32
    %eq3A_81 = arith.cmpi eq, %arg0, %eq3A : i32
    %convert_element_type3A = arith.extui %eq3A_81 : i1 to i32
    %cond3A = arith.constant 0 : i32
    %cond3A_82 = arith.cmpi ne, %convert_element_type3A, %cond3A : i32
    scf.if %cond3A_82 {
      %broadcast_in_dim3A_107 = arith.constant 0.000000e+00 : f32
      %broadcast_in_dim3A_108 = vector.broadcast %broadcast_in_dim3A_107 : f32 to vector<2x128xf32>
      %swap3A_109 = arith.constant 0 : index
      %swap3A_110 = arith.constant 0 : index
      %swap3A_111 = vector.load %arg12[%swap3A_109, %swap3A_110] : memref<2x128xf32, #tpu.memory_space<vmem>>, vector<2x128xf32>
      tpu.vector_store %arg12[%swap3A_109, %swap3A_110], %broadcast_in_dim3A_108 {strides = array<i32>} : memref<2x128xf32, #tpu.memory_space<vmem>>, vector<2x128xf32>,
    } else {
    }
    %get3A_83 = arith.constant 0 : index
    %get3A_84 = arith.constant 0 : index
    %get3A_85 = vector.load %arg12[%get3A_83, %get3A_84] : memref<2x128xf32, #tpu.memory_space<vmem>>, vector<1x128xf32>
    %get3A_86 = vector.shape_cast %get3A_85 : vector<1x128xf32> to vector<128xf32>
    %reduce_sum3A = arith.constant dense<0.000000e+00> : vector<128xf32>
    %reduce_sum3A_87 = vector.multi_reduction <add>, %add3A_78, %reduce_sum3A [0] : vector<1000x128xf32> to vector<128xf32>
    %add3A_88 = arith.addf %get3A_86, %reduce_sum3A_87 : vector<128xf32>
    %swap3A_89 = arith.constant 0 : index
    %swap3A_90 = arith.constant 0 : index
    %swap3A_91 = vector.load %arg12[%swap3A_89, %swap3A_90] : memref<2x128xf32, #tpu.memory_space<vmem>>, vector<1x128xf32>
    %swap3A_92 = vector.shape_cast %swap3A_91 : vector<1x128xf32> to vector<128xf32>
    %swap3A_93 = vector.shape_cast %add3A_88 : vector<128xf32> to vector<1x128xf32>
    tpu.vector_store %arg12[%swap3A_89, %swap3A_90], %swap3A_93 {strides = array<i32>} : memref<2x128xf32, #tpu.memory_space<vmem>>, vector<1x128xf32>,
    %get3A_94 = arith.constant 1 : index
    %get3A_95 = arith.constant 0 : index
    %get3A_96 = vector.load %arg12[%get3A_94, %get3A_95] : memref<2x128xf32, #tpu.memory_space<vmem>>, vector<1x128xf32>
    %get3A_97 = vector.shape_cast %get3A_96 : vector<1x128xf32> to vector<128xf32>
    %mul3A_98 = arith.mulf %add3A_78, %add3A_78 : vector<1000x128xf32>
    %reduce_sum3A_99 = arith.constant dense<0.000000e+00> : vector<128xf32>
    %reduce_sum3A_100 = vector.multi_reduction <add>, %mul3A_98, %reduce_sum3A_99 [0] : vector<1000x128xf32> to vector<128xf32>
    %add3A_101 = arith.addf %get3A_97, %reduce_sum3A_100 : vector<128xf32>
    %swap3A_102 = arith.constant 1 : index
    %swap3A_103 = arith.constant 0 : index
    %swap3A_104 = vector.load %arg12[%swap3A_102, %swap3A_103] : memref<2x128xf32, #tpu.memory_space<vmem>>, vector<1x128xf32>
    %swap3A_105 = vector.shape_cast %swap3A_104 : vector<1x128xf32> to vector<128xf32>
    %swap3A_106 = vector.shape_cast %add3A_101 : vector<128xf32> to vector<1x128xf32>
    tpu.vector_store %arg12[%swap3A_102, %swap3A_103], %swap3A_106 {strides = array<i32>} : memref<2x128xf32, #tpu.memory_space<vmem>>, vector<1x128xf32>,
    return
  }
  func.func @transform_0(%arg0: i32) -> (i32, i32) {
    %c0_i32 = arith.constant 0 : i32
    %c0_i32_0 = arith.constant 0 : i32
    return %arg0, %c0_i32 : i32, i32
  }
  func.func @transform_1(%arg0: i32) -> (i32, i32, i32) {
    %c0_i32 = arith.constant 0 : i32
    %c0_i32_0 = arith.constant 0 : i32
    %c0_i32_1 = arith.constant 0 : i32
    return %c0_i32, %arg0, %c0_i32_0 : i32, i32, i32
  }
  func.func @transform_2(%arg0: i32) -> (i32, i32, i32) {
    %c0_i32 = arith.constant 0 : i32
    %c0_i32_0 = arith.constant 0 : i32
    %c0_i32_1 = arith.constant 0 : i32
    return %c0_i32, %arg0, %c0_i32_0 : i32, i32, i32
  }
  func.func @transform_3(%arg0: i32) -> (i32, i32) {
    %c0_i32 = arith.constant 0 : i32
    %c0_i32_0 = arith.constant 0 : i32
    %c0_i32_1 = arith.constant 0 : i32
    return %c0_i32, %c0_i32_0 : i32, i32
  }
  func.func @transform_4(%arg0: i32) -> i32 {
    %c0_i32 = arith.constant 0 : i32
    %c0_i32_0 = arith.constant 0 : i32
    return %c0_i32 : i32
  }
  func.func @transform_5(%arg0: i32) -> (i32, i32) {
    %c0_i32 = arith.constant 0 : i32
    %c0_i32_0 = arith.constant 0 : i32
    %c0_i32_1 = arith.constant 0 : i32
    return %c0_i32, %c0_i32_0 : i32, i32
  }
  func.func @transform_6(%arg0: i32) -> (i32, i32) {
    %c0_i32 = arith.constant 0 : i32
    %c0_i32_0 = arith.constant 0 : i32
    %c0_i32_1 = arith.constant 0 : i32
    return %c0_i32, %c0_i32_0 : i32, i32
  }
  func.func @transform_7(%arg0: i32) -> (i32, i32) {
    %c0_i32 = arith.constant 0 : i32
    %c0_i32_0 = arith.constant 0 : i32
    %c0_i32_1 = arith.constant 0 : i32
    return %c0_i32, %c0_i32_0 : i32, i32
  }
  func.func @transform_8(%arg0: i32) -> (i32, i32) {
    %c0_i32 = arith.constant 0 : i32
    %c0_i32_0 = arith.constant 0 : i32
    %c0_i32_1 = arith.constant 0 : i32
    return %c0_i32, %c0_i32_0 : i32, i32
  }
  func.func @transform_9(%arg0: i32) -> i32 {
    %c0_i32 = arith.constant 0 : i32
    %c0_i32_0 = arith.constant 0 : i32
    return %c0_i32 : i32
  }
  func.func @transform_10(%arg0: i32) -> (i32, i32) {
    %c0_i32 = arith.constant 0 : i32
    %c0_i32_0 = arith.constant 0 : i32
    return %arg0, %c0_i32 : i32, i32
  }
  func.func @transform_11(%arg0: i32) -> (i32, i32) {
    %c0_i32 = arith.constant 0 : i32
    %c0_i32_0 = arith.constant 0 : i32
    %c0_i32_1 = arith.constant 0 : i32
    return %c0_i32, %c0_i32_0 : i32, i32
  }
}

module attributes {stable_mosaic.version = 14 : i64} {
  func.func @body2(%arg0: i32, %arg1: memref<1000x128xf32, #tpu.memory_space<vmem>>, %arg2: memref<2x128xf32, #tpu.memory_space<vmem>>, %arg3: memref<128xf32, #tpu.memory_space<vmem>>, %arg4: memref<128xf32, #tpu.memory_space<vmem>>, %arg5: memref<128x32xf32, #tpu.memory_space<vmem>>, %arg6: memref<32xf32, #tpu.memory_space<vmem>>, %arg7: memref<1000x32xf32, #tpu.memory_space<vmem>>) attributes {dimension_semantics = [#tpu.dimension_semantics<arbitrary>], iteration_bounds = array<i64: 10>, scalar_prefetch = 0 : i64, scratch_operands = 0 : i64, tpu.core_type = #tpu.core_type<tc>, window_params = [{transform_indices = @transform_0, window_bounds = array<i64: 1000, 128>}, {pipeline_mode = #tpu.pipeline_mode<synchronous>, transform_indices = @transform_1, window_bounds = array<i64: 2, 128>}, {pipeline_mode = #tpu.pipeline_mode<synchronous>, transform_indices = @transform_2, window_bounds = array<i64: 128>}, {pipeline_mode = #tpu.pipeline_mode<synchronous>, transform_indices = @transform_3, window_bounds = array<i64: 128>}, {pipeline_mode = #tpu.pipeline_mode<synchronous>, transform_indices = @transform_4, window_bounds = array<i64: 128, 32>}, {pipeline_mode = #tpu.pipeline_mode<synchronous>, transform_indices = @transform_5, window_bounds = array<i64: 32>}, {transform_indices = @transform_6, window_bounds = array<i64: 1000, 32>}]} {
    %get3A = arith.constant 0 : index
    %get3A_0 = arith.constant 0 : index
    %get3A_1 = vector.load %arg1[%get3A, %get3A_0] : memref<1000x128xf32, #tpu.memory_space<vmem>>, vector<1000x128xf32>
    %get3A_2 = arith.constant 0 : index
    %get3A_3 = arith.constant 0 : index
    %get3A_4 = vector.load %arg2[%get3A_2, %get3A_3] : memref<2x128xf32, #tpu.memory_space<vmem>>, vector<1x128xf32>
    %get3A_5 = vector.shape_cast %get3A_4 : vector<1x128xf32> to vector<128xf32>
    %broadcast_in_dim3A = vector.shape_cast %get3A_5 : vector<128xf32> to vector<1x128xf32>
    %mul3A = arith.constant 9.99999974E-5 : f32
    %mul3A_6 = vector.broadcast %mul3A : f32 to vector<1x128xf32>
    %mul3A_7 = arith.mulf %broadcast_in_dim3A, %mul3A_6 : vector<1x128xf32>
    %get3A_8 = arith.constant 1 : index
    %get3A_9 = arith.constant 0 : index
    %get3A_10 = vector.load %arg2[%get3A_8, %get3A_9] : memref<2x128xf32, #tpu.memory_space<vmem>>, vector<1x128xf32>
    %get3A_11 = vector.shape_cast %get3A_10 : vector<1x128xf32> to vector<128xf32>
    %broadcast_in_dim3A_12 = vector.shape_cast %get3A_11 : vector<128xf32> to vector<1x128xf32>
    %mul3A_13 = arith.constant 9.99999974E-5 : f32
    %mul3A_14 = vector.broadcast %mul3A_13 : f32 to vector<1x128xf32>
    %mul3A_15 = arith.mulf %broadcast_in_dim3A_12, %mul3A_14 : vector<1x128xf32>
    %mul3A_16 = arith.mulf %mul3A_7, %mul3A_7 : vector<1x128xf32>
    %sub3A = arith.subf %mul3A_15, %mul3A_16 : vector<1x128xf32>
    %sub3A_17 = vector.broadcast %mul3A_7 : vector<1x128xf32> to vector<1000x128xf32>
    %sub3A_18 = arith.subf %get3A_1, %sub3A_17 : vector<1000x128xf32>
    %add3A = arith.constant 9.99999974E-6 : f32
    %add3A_19 = vector.broadcast %add3A : f32 to vector<1x128xf32>
    %add3A_20 = arith.addf %sub3A, %add3A_19 : vector<1x128xf32>
    %rsqrt3A = math.rsqrt %add3A_20 : vector<1x128xf32>
    %mul3A_21 = vector.broadcast %rsqrt3A : vector<1x128xf32> to vector<1000x128xf32>
    %mul3A_22 = arith.mulf %sub3A_18, %mul3A_21 : vector<1000x128xf32>
    %get3A_23 = arith.constant 0 : index
    %get3A_24 = vector.load %arg3[%get3A_23] : memref<128xf32, #tpu.memory_space<vmem>>, vector<128xf32>
    %broadcast_in_dim3A_25 = vector.shape_cast %get3A_24 : vector<128xf32> to vector<1x128xf32>
    %mul3A_26 = vector.broadcast %broadcast_in_dim3A_25 : vector<1x128xf32> to vector<1000x128xf32>
    %mul3A_27 = arith.mulf %mul3A_22, %mul3A_26 : vector<1000x128xf32>
    %get3A_28 = arith.constant 0 : index
    %get3A_29 = vector.load %arg4[%get3A_28] : memref<128xf32, #tpu.memory_space<vmem>>, vector<128xf32>
    %broadcast_in_dim3A_30 = vector.shape_cast %get3A_29 : vector<128xf32> to vector<1x128xf32>
    %add3A_31 = vector.broadcast %broadcast_in_dim3A_30 : vector<1x128xf32> to vector<1000x128xf32>
    %add3A_32 = arith.addf %mul3A_27, %add3A_31 : vector<1000x128xf32>
    %max3A = arith.constant 0.000000e+00 : f32
    %max3A_33 = vector.broadcast %max3A : f32 to vector<1000x128xf32>
    %max3A_34 = arith.maximumf %add3A_32, %max3A_33 : vector<1000x128xf32>
    %get3A_35 = arith.constant 0 : index
    %get3A_36 = arith.constant 0 : index
    %get3A_37 = vector.load %arg5[%get3A_35, %get3A_36] : memref<128x32xf32, #tpu.memory_space<vmem>>, vector<128x32xf32>
    %dot_general3A = arith.constant dense<0.000000e+00> : vector<1000x32xf32>
    %dot_general3A_38 = tpu.matmul %max3A_34, %get3A_37, %dot_general3A {dimension_numbers = #tpu.dot_dimension_numbers<[1], [0], [0], [1], [0, 0, 1, 1], [], []>, precision = #tpu.contract_precision<fp32>, transpose_lhs_hint = false} : vector<1000x128xf32>, vector<128x32xf32>, vector<1000x32xf32> -> vector<1000x32xf32>
    %get3A_39 = arith.constant 0 : index
    %get3A_40 = vector.load %arg6[%get3A_39] : memref<32xf32, #tpu.memory_space<vmem>>, vector<32xf32>
    %broadcast_in_dim3A_41 = vector.shape_cast %get3A_40 : vector<32xf32> to vector<1x32xf32>
    %add3A_42 = vector.broadcast %broadcast_in_dim3A_41 : vector<1x32xf32> to vector<1000x32xf32>
    %add3A_43 = arith.addf %dot_general3A_38, %add3A_42 : vector<1000x32xf32>
    %swap3A = arith.constant 0 : index
    %swap3A_44 = arith.constant 0 : index
    %swap3A_45 = vector.load %arg7[%swap3A, %swap3A_44] : memref<1000x32xf32, #tpu.memory_space<vmem>>, vector<1000x32xf32>
    tpu.vector_store %arg7[%swap3A, %swap3A_44], %add3A_43 {strides = array<i32>} : memref<1000x32xf32, #tpu.memory_space<vmem>>, vector<1000x32xf32>,
    return
  }
  func.func @transform_0(%arg0: i32) -> (i32, i32) {
    %c0_i32 = arith.constant 0 : i32
    %c0_i32_0 = arith.constant 0 : i32
    return %arg0, %c0_i32 : i32, i32
  }
  func.func @transform_1(%arg0: i32) -> (i32, i32) {
    %c0_i32 = arith.constant 0 : i32
    %c0_i32_0 = arith.constant 0 : i32
    %c0_i32_1 = arith.constant 0 : i32
    return %c0_i32, %c0_i32_0 : i32, i32
  }
  func.func @transform_2(%arg0: i32) -> i32 {
    %c0_i32 = arith.constant 0 : i32
    %c0_i32_0 = arith.constant 0 : i32
    return %c0_i32 : i32
  }
  func.func @transform_3(%arg0: i32) -> i32 {
    %c0_i32 = arith.constant 0 : i32
    %c0_i32_0 = arith.constant 0 : i32
    return %c0_i32 : i32
  }
  func.func @transform_4(%arg0: i32) -> (i32, i32) {
    %c0_i32 = arith.constant 0 : i32
    %c0_i32_0 = arith.constant 0 : i32
    %c0_i32_1 = arith.constant 0 : i32
    return %c0_i32, %c0_i32_0 : i32, i32
  }
  func.func @transform_5(%arg0: i32) -> i32 {
    %c0_i32 = arith.constant 0 : i32
    %c0_i32_0 = arith.constant 0 : i32
    return %c0_i32 : i32
  }
  func.func @transform_6(%arg0: i32) -> (i32, i32) {
    %c0_i32 = arith.constant 0 : i32
    %c0_i32_0 = arith.constant 0 : i32
    return %arg0, %c0_i32 : i32, i32
  }
}

</mosaic_0001>

<sc_bundles>
// kernel: kernel.5.cloned.1.call-start
scs
__scs_entry_jumppad:
0x0: {  	(pc) =	sbr.rel $0x88, $3  }
0x1: {  	(tag) =	ssettag $0x0;
	lr =	simm.s32 $0x1  }
0x2: {  	[smem:$0x3F93] =	sst lr;
	_ =	strace $0xD0000000  }
0x3: {  	_ = 	snop  }
0x4: {  	_ = 	snop  }
0x5: {  	_ = 	snop  }
0x6: {  	_ = 	snop  }
0x7: {  	_ = 	snop  }
__scs_overlays_trampoline_lowered:
0x8: {  	[smem:$0x3FA2] =	sst s0  }
0x9: {  	[smem:$0x3FA3] =	sst s1  }
0xa: {  	[smem:$0x3FA4] =	sst s2  }
0xb: {  	[smem:$0x3FA5] =	sst s3  }
0xc: {  	[smem:$0x3FA6] =	sst s4  }
0xd: {  	[smem:$0x3FA7] =	sst s5  }
0xe: {  	[smem:$0x3FA8] =	sst s6  }
0xf: {  	[smem:$0x3FA9] =	sst s7  }
0x10: {  	[smem:$0x3FAA] =	sst s8  }
0x11: {  	[smem:$0x3FAB] =	sst s9;
	s0 =	simm.s32 @!p0 $0x0  }
0x12: {  	s1 =	sld [smem:$0x3F91];
	s0 =	simm.s32 @p0 $0x1  }
0x13: {  	[smem:$0x3FAC] =	sst s0;
	s0 =	simm.s32 @!p1 $0x0  }
0x14: {  	s2 =	sld [smem:$0x3F90];
	s0 =	simm.s32 @p1 $0x1  }
0x15: {  	[smem:$0x3FAD] =	sst s0;
	s0 =	simm.s32 @!p2 $0x0  }
0x16: {  	s3 =	sld [smem:$0x3FDB];
	s0 =	simm.s32 @p2 $0x1  }
0x17: {  	s4 =	simm.s32 $0x1BF5;
	[smem:$0x3FAF] =	sst s0  }
0x18: {  	s0 =	sld [smem:$0x3F92];
	_ =	swait.ge [sflag:s4], $0x0  }
0x19: {  	s7 =	sld [smem:$0x3F93]  }
0x1a: {  	s8 =	sadd.s32 $0xFFFFE003, lr  }
0x1b: {  	s9 =	sadd.s32 $0xFFFFFEF7, lr;
	s5 =	simm.s32 $0xFFFFFFFF;
	p2 =	slt.u32 s8, $0xFFFFF086  }
0x1c: {  	p1 =	slt.u32 s9, $0xF7A;
	s5 =	simm.s32 @!p2 $0x0  }
0x1d: {  	s5 =	simm.s32 @p1 $0x1;
	p0 =	seq.s32 s7, s2  }
0x1e: {  	s7 =	smul.u32 @!p0 $0xF7A, s2;
	p2 =	seq.s32 @!p0 s5, $0x0  }
0x1f: {  	s9 =	smul.u32 $0xF7A, s1;
	s8 =	simm.s32 @!p0 $0x1BF5;
	p2 =	por !p2, p0  }
0x20: {  	[sflag:s8] =	ssyncset.s32 @!p0 $0xFFFFF086;
	s6 =	sadd.s32 @!p0 s3, s7;
	s7 =	simm.s32 @!p0 $0x108  }
0x21: {  	s3 =	sadd.s32 s3, s9;
	s6 =	sadd.s32 @!p0 $0x88, s6;
	s7 =	simm.s32 @p2 $0x1082  }
0x22: {  	[simem:s7], [sflag:s8] =	dma.local @!p0 [hbm:s6], $0xF7A  }
0x23: {  	s9 =	sor.u32 $0xD0000000, s2;
	s6 =	simm.s32 $0x108;
	_ =	swait.ge @!p0 [sflag:s8], $0x0  }
0x24: {  	s3 =	sadd.s32 $0x88, s3;
	s6 =	simm.s32 @!p1 $0x1082;
	[sflag:s4] =	ssyncset.s32 $0xFFFFF086  }
0x25: {  	[simem:s6], [sflag:s4] =	dma.local [hbm:s3], $0xF7A  }
0x26: {  	[smem:$0x3F93] =	sst s1;
	(tag) =	ssettag s2;
	_ =	strace s9  }
0x27: {  	s1 =	sld [smem:$0x3FA3]  }
0x28: {  	s2 =	sld [smem:$0x3FA4]  }
0x29: {  	s4 =	sld [smem:$0x3FA6]  }
0x2a: {  	p0 =	seq.s32 s5, $0x0;
	s5 =	sld [smem:$0x3FA7]  }
0x2b: {  	s6 =	sld [smem:$0x3FA8]  }
0x2c: {  	s7 =	sld [smem:$0x3FA9]  }
0x2d: {  	s3 =	simm.s32 $0x108;
	s8 =	sld [smem:$0x3FAA]  }
0x2e: {  	s3 =	simm.s32 @!p0 $0x1082;
	s9 =	sld [smem:$0x3FAB]  }
0x2f: {  	lr =	sadd.s32 s0, s3;
	s0 =	sld [smem:$0x3FA2]  }
0x30: {  	s3 =	sld [smem:$0x3FA5]  }
0x31: {  	[smem:$0x3FAE] =	sst s10  }
0x32: {  	s10 =	sld [smem:$0x3FAC];
	_ =	sdelay $0x3  }
0x33: {  	p0 =	seq.s32 s10, $0x1;
	s10 =	sld [smem:$0x3FAE];
	_ =	sdelay $0x3  }
0x34: {  	[smem:$0x3FAE] =	sst s10  }
0x35: {  	s10 =	sld [smem:$0x3FAD];
	_ =	sdelay $0x3  }
0x36: {  	p1 =	seq.s32 s10, $0x1;
	s10 =	sld [smem:$0x3FAE];
	_ =	sdelay $0x3  }
0x37: {  	[smem:$0x3FAE] =	sst s10  }
0x38: {  	s10 =	sld [smem:$0x3FAF]  }
0x39: {  	_ = 	snop;
	(pc) =	sbr.ind lr, $3  }
0x3a: {  	_ = 	snop  }
0x3b: {  	_ = 	snop  }
0x3c: {  	p2 =	seq.s32 s10, $0x1;
	s10 =	sld [smem:$0x3FAE]  }
0x3d: {  	_ =	shalt  }
0x3e: {  	_ =	shalt  }
0x3f: {  	_ =	shalt  }
0x40: {  	_ =	shalt  }
0x41: {  	_ =	shalt  }
0x42: {  	_ =	shalt  }
0x43: {  	_ =	shalt  }
0x44: {  	_ =	shalt  }
0x45: {  	_ =	shalt  }
0x46: {  	_ =	shalt  }
0x47: {  	_ =	shalt  }
0x48: {  	_ =	shalt  }
0x49: {  	_ =	shalt  }
0x4a: {  	_ =	shalt  }
0x4b: {  	_ =	shalt  }
0x4c: {  	_ =	shalt  }
0x4d: {  	_ =	shalt  }
0x4e: {  	_ =	shalt  }
0x4f: {  	_ =	shalt  }
0x50: {  	_ =	shalt  }
0x51: {  	_ =	shalt  }
0x52: {  	_ =	shalt  }
0x53: {  	_ =	shalt  }
0x54: {  	_ =	shalt  }
0x55: {  	_ =	shalt  }
0x56: {  	_ =	shalt  }
0x57: {  	_ =	shalt  }
0x58: {  	_ =	shalt  }
0x59: {  	_ =	shalt  }
0x5a: {  	_ =	shalt  }
0x5b: {  	_ =	shalt  }
0x5c: {  	_ =	shalt  }
0x5d: {  	_ =	shalt  }
0x5e: {  	_ =	shalt  }
0x5f: {  	_ =	shalt  }
0x60: {  	_ =	shalt  }
0x61: {  	_ =	shalt  }
0x62: {  	_ =	shalt  }
0x63: {  	_ =	shalt  }
0x64: {  	_ =	shalt  }
0x65: {  	_ =	shalt  }
0x66: {  	_ =	shalt  }
0x67: {  	_ =	shalt  }
0x68: {  	_ =	shalt  }
0x69: {  	_ =	shalt  }
0x6a: {  	_ =	shalt  }
0x6b: {  	_ =	shalt  }
0x6c: {  	_ =	shalt  }
0x6d: {  	_ =	shalt  }
0x6e: {  	_ =	shalt  }
0x6f: {  	_ =	shalt  }
0x70: {  	_ =	shalt  }
0x71: {  	_ =	shalt  }
0x72: {  	_ =	shalt  }
0x73: {  	_ =	shalt  }
0x74: {  	_ =	shalt  }
0x75: {  	_ =	shalt  }
0x76: {  	_ =	shalt  }
0x77: {  	_ =	shalt  }
0x78: {  	_ =	shalt  }
0x79: {  	_ =	shalt  }
0x7a: {  	_ =	shalt  }
0x7b: {  	_ =	shalt  }
0x7c: {  	_ =	shalt  }
0x7d: {  	_ =	shalt  }
0x7e: {  	_ =	shalt  }
0x7f: {  	_ =	shalt  }
0x80: {  	_ =	shalt  }
0x81: {  	_ =	shalt  }
0x82: {  	_ =	shalt  }
0x83: {  	_ =	shalt  }
0x84: {  	_ =	shalt  }
0x85: {  	_ =	shalt  }
0x86: {  	_ =	shalt  }
0x87: {  	_ =	shalt  }
.Lfunc_end0:
.L_simem_size_0:
called_computation_lowered:
.L_overlay_start_0:
0x88: {  	s2 =	sld [smem:$0x3FD9]  }
0x89: {  	s3 =	sld [smem:$0x3FFE];
	_ =	sdelay $0x1  }
0x8a: {  	s1 =	srdreg.scid  }
0x8b: {  	s0 =	sand.u32 $0x1, s1  }
0x8c: {  	s16 =	sshll.u32 s0, $0xA;
	s2 =	sadd.s32 s3, s2  }
0x8d: {  	s2 =	sadd.s32 s2, s16  }
0x8e: {  	[smem:$0x3FBA] =	sst s2  }
0x8f: {  	_ = 	snop  }
0x90: {  	(tm) =	ssettm $0x1  }
0x91: {  	s17 =	sld [smem:$0x3FFB];
	_ =	sdelay $0x3  }
0x92: {  	_ =	strace s17  }
0x93: {  	s2 =	sld [smem:$0x3FFC];
	_ =	sdelay $0x3  }
0x94: {  	_ =	strace s2  }
0x95: {  	s2 =	sld [smem:$0x3FFD];
	_ =	sdelay $0x3  }
0x96: {  	_ =	strace s2  }
0x97: {  	_ =	strace $0x8FFFFFFF  }
0x98: {  	s18 =	sld [smem:$0x3FDB];
	_ =	sdelay $0x1  }
0x99: {  	s19 =	simm.s32 $_scs_section_size  }
0x9a: {  	s4 =	simm.s32 $_size__tile_overlayer_lowered;
	s5 =	simm.s32 $_tile_overlayer_lowered  }
0x9b: {  	s22 =	simm.s32 $0x1BFF;
	s21 =	sshll.u32 s5, $0x1;
	s2 =	sadd.s32 s19, s18  }
0x9c: {  	s6 =	simm.s32 $0x0;
	s20 =	sshll.u32 s4, $0x1;
	s4 =	sadd.s32 s21, s2  }
0x9d: {  	[timem:s6], [sflag:s22] =	dma.local [hbm:s4], s20  }
0x9e: {  	_ =	swait.ge [sflag:s22], s20  }
0x9f: {  	s3 =	ssub.s32 $0x0, s20;
	[sflag:s22] =	ssyncset.done $0x0  }
0xa0: {  	[sflag:s22] =	ssyncadd.s32 s3;
	_ =	sdelay $0x1  }
0xa1: {  	s23 =	simm.s32 $0x1B8B  }
0xa2: {  	_ =	swait.ge [sflag:s23], $0x1  }
0xa3: {  	[sflag:s23] =	ssyncset.done $0x0  }
0xa4: {  	s25 =	simm.s32 $0x1B8E;
	s24 =	sld [smem:$0x3FFE];
	[sflag:s23] =	ssyncadd.s32 $0xFFFFFFFF  }
0xa5: {  	s26 =	simm.s32 $execute0_lowered;
	[smem:$0x3FD2] =	sst s25  }
0xa6: {  	s4 =	sshll.u32 s26, $0x1;
	_ =	strace $0x80000046;
	[dreg:$0x1] =	wrdreg $0xFFFFFFFF  }
0xa7: {  	s28 =	simm.s32 $_size_execute0_lowered;
	s2 =	sadd.s32 s2, s4;
	[dreg:$0x0] =	wrdreg $0x0  }
0xa8: {  	s4 =	sshll.u32 s28, $0x1;
	[dreg:$0x2] =	wrdreg s2  }
0xa9: {  	[dreg:$0x3] =	wrdreg s4  }
0xaa: {  	[dreg:$0x4] =	wrdreg $0xC0  }
0xab: {  	_ =	task [dreg:s6], $0x5FFFF  }
0xac: {  	[dreg:$0x1] =	wrdreg $0xFFFFFFFF  }
0xad: {  	[dreg:$0x0] =	wrdreg $0x60  }
0xae: {  	[dreg:$0x2] =	wrdreg s24  }
0xaf: {  	[dreg:$0x3] =	wrdreg $0xB0000  }
0xb0: {  	[dreg:$0x4] =	wrdreg $0x150000  }
0xb1: {  	[dreg:$0x5] =	wrdreg $0x9  }
0xb2: {  	_ =	task.clear_ibuf [dreg:s6], $0x6FFFF;
	_ =	strace $0x90000046  }
0xb3: {  	s29 =	simm.s32 $0x9;
	_ =	strace $0x80000048  }
0xb4: {  	_ =	swait.ge [sflag:s29], $0x1  }
0xb5: {  	[sflag:s29] =	ssyncadd.s32 $0xFFFFFFFF  }
0xb6: {  	_ =	strace $0x90000048  }
0xb7: {  	_ =	sfence  }
0xb8: {  	s30 =	sld [smem:$0x0];
	_ =	sdelay $0x2  }
0xb9: {  	s31 =	sshll.u32 s1, $0xD;
	s1 =	sshrl.u32 s1, $0x2  }
0xba: {  	s3 =	sand.u32 $0x4000, s31;
	s1 =	sadd.s32 s1, s30  }
0xbb: {  	s0 =	sor.u32 s3, s0;
	s1 =	sshll.u32 s1, $0x11  }
0xbc: {  	s0 =	sor.u32 s1, s0  }
0xbd: {  	s0 =	sadd.s32 $0x8F2B, s0  }
0xbe: {  	[sflag:s0] =	ssyncadd.remote.s32 $0x1  }
0xbf: {  	_ =	sfence.sel $0xFFFF  }
0xc0: {  	[dreg:$0x0] =	wrdreg $0xFFFFFFFF;
	(pc) =	sbr.abs _section_cstart, $3  }
0xc1: {  	[dreg:$0x1] =	wrdreg $0xFFFFFFFF  }
0xc2: {  	_ =	task.clear_ibuf [dreg:s6], $0x2FFFF;
	_ =	strace $0x9FFFFFFF  }
0xc3: {  	(tm) =	ssettm $0x7FFFFFFF  }
tec
execute0_lowered:
.L_overlay_start_1:
0x0: {  	(tag) =	ssettag $0x1  }
0x1: {  	s0 =	rddreg [dreg:$0x0]  }
0x2: {  	s1 =	rddreg [dreg:$0x1]  }
0x3: {  	s2 =	rddreg [dreg:$0x2];
	s4 =	srdreg.scid;
	s28 =	simm.s32 $0x0  }
0x4: {  	s20 =	stileid.u32;
	s7 =	simm.s32 $0x2;
	s8 =	simm.s32 $0x3  }
0x5: {  	s25 =	simm.s32 $0x100;
	s21 =	simm.s32 $0x180;
	s22 =	simm.s32 $0x200  }
0x6: {  	s23 =	simm.s32 $0x280;
	s30 =	simm.s32 $0x11;
	s29 =	simm.s32 $0x9000  }
0x7: {  	s26 =	sand.u32 $0x1, s4;
	[smem:$0x7FF] =	sst s28;
	s11 =	smul.u32 $0x280, s20  }
0x8: {  	s17 =	smul.u32 $0xA00, s20;
	_ =	strace $0x80000047;
	[dreg:$0x14] =	wrdreg s25  }
0x9: {  	s31 =	simm.s32 $0xC;
	s4 =	smul.u32 $0xA000, s26;
	[dreg:$0x15] =	wrdreg s21  }
0xa: {  	s5 =	ssub.s32 $0x2, s26;
	s14 =	smul.u32 $0xA0000, s26;
	[dreg:$0x16] =	wrdreg s22  }
0xb: {  	p0 =	seq.s32 s26, $0x0;
	s12 =	smul.u32 $0x28000, s26;
	[dreg:$0x17] =	wrdreg s23  }
0xc: {  	s25 =	simm.s32 $0x300;
	s22 =	simm.s32 $0x480;
	s23 =	simm.s32 $0x500  }
0xd: {  	[smem:$0x7FC] =	sst s26;
	s7 =	simm.s32 @!p0 $0x0;
	s8 =	simm.s32 @!p0 $0x0  }
0xe: {  	s9 =	sshrl.u32 s5, $0x1;
	s15 =	sadd.s32 $0x80, s11;
	[dreg:$0x18] =	wrdreg s25  }
0xf: {  	s16 =	sadd.s32 $0x100, s11;
	s13 =	sadd.s32 $0x180, s11;
	[dreg:$0x1b] =	wrdreg s22  }
0x10: {  	s18 =	sadd.s32 $0x200, s11;
	[dreg:$0x1c] =	wrdreg s23;
	s25 =	simm.s32 $0x600  }
0x11: {  	s6 =	sadd.s32 s4, s0;
	s4 =	sadd.s32 $0x51200, s0;
	[dreg:$0x4] =	wrdreg s7  }
0x12: {  	s7 =	simm.s32 $0x4;
	[dreg:$0x5] =	wrdreg s8;
	s8 =	simm.s32 $0x5  }
0x13: {  	s10 =	sshll.u32 s15, $0x6;
	[dreg:$0x1e] =	wrdreg s25;
	s7 =	simm.s32 @!p0 $0x0  }
0x14: {  	s8 =	simm.s32 @!p0 $0x0;
	s17 =	sadd.s32 s17, s6;
	[dreg:$0x6] =	wrdreg s7  }
0x15: {  	s15 =	sshll.u32 s15, $0x4;
	[dreg:$0x7] =	wrdreg s8;
	s19 =	sadd.s32 $0x3D200, s17  }
0x16: {  	s7 =	simm.s32 $0x6;
	s17 =	sadd.s32 $0x29200, s17;
	[dreg:$0x12] =	wrdreg s19  }
0x17: {  	s8 =	simm.s32 $0x7;
	s7 =	simm.s32 @!p0 $0x0;
	[dreg:$0x13] =	wrdreg s17  }
0x18: {  	s3 =	sadd.s32 s14, s10;
	s8 =	simm.s32 @!p0 $0x0;
	[dreg:$0x8] =	wrdreg s7  }
0x19: {  	s19 =	sshrl.u32 s3, $0x3;
	s3 =	simm.s32 $0x380;
	[dreg:$0x9] =	wrdreg s8  }
0x1a: {  	s6 =	sshll.u32 s18, $0x6;
	s17 =	simm.s32 $0x700;
	[dreg:$0x19] =	wrdreg s3  }
0x1b: {  	s18 =	sshll.u32 s18, $0x4;
	s19 =	sadd.s32 s4, s19;
	[smem:$0x7E4] =	sst s17  }
0x1c: {  	s7 =	simm.s32 $0x8;
	s3 =	simm.s32 $0x680;
	[smem:$0x7E0] =	sst s19  }
0x1d: {  	s8 =	simm.s32 $0x9;
	s7 =	simm.s32 @!p0 $0x0;
	[dreg:$0x1f] =	wrdreg s3  }
0x1e: {  	s8 =	simm.s32 @!p0 $0x0;
	[dreg:$0xa] =	wrdreg s7;
	s7 =	simm.s32 $0xA  }
0x1f: {  	[dreg:$0xb] =	wrdreg s8;
	s8 =	simm.s32 $0xB;
	s7 =	simm.s32 @!p0 $0x0  }
0x20: {  	s8 =	simm.s32 @!p0 $0x0;
	[dreg:$0xc] =	wrdreg s7;
	s7 =	simm.s32 $0xC  }
0x21: {  	[dreg:$0xd] =	wrdreg s8;
	s8 =	simm.s32 $0xD;
	s7 =	simm.s32 @!p0 $0x0  }
0x22: {  	s3 =	simm.s32 $0x780;
	s8 =	simm.s32 @!p0 $0x0;
	[dreg:$0xe] =	wrdreg s7  }
0x23: {  	s7 =	simm.s32 $0xE;
	[dreg:$0xf] =	wrdreg s8;
	s8 =	simm.s32 $0xF  }
0x24: {  	[smem:$0x7EA] =	sst s3;
	s7 =	simm.s32 @!p0 $0x0;
	s8 =	simm.s32 @!p0 $0x0  }
0x25: {  	[dreg:$0x10] =	wrdreg s7;
	s7 =	ssub.s32 s5, s9;
	s9 =	smul.u32 $0xA000, s20  }
0x26: {  	s17 =	sadd.s32 $0x529A00, s0;
	[dreg:$0x11] =	wrdreg s8;
	s8 =	sshll.u32 s16, $0x6  }
0x27: {  	s5 =	sshll.u32 s13, $0x6;
	s13 =	sshll.u32 s13, $0x4;
	s24 =	sadd.s32 s14, s9  }
0x28: {  	s21 =	sadd.s32 s14, s5;
	s3 =	sshrl.u32 s8, $0x2;
	s11 =	sshrl.u32 s24, $0x3  }
0x29: {  	s24 =	sadd.s32 s14, s8;
	s14 =	sadd.s32 s14, s6;
	s11 =	sadd.s32 s4, s11  }
0x2a: {  	s19 =	sshrl.u32 s24, $0x3;
	s24 =	simm.s32 $0x580;
	[smem:$0x7DF] =	sst s11  }
0x2b: {  	s14 =	sshrl.u32 s14, $0x3;
	s19 =	sadd.s32 s4, s19;
	[dreg:$0x1d] =	wrdreg s24  }
0x2c: {  	s11 =	smul.u32 $0x2800, s20;
	[smem:$0x7E1] =	sst s19;
	s19 =	simm.s32 $0x400  }
0x2d: {  	[dreg:$0x1a] =	wrdreg s19;
	s19 =	sshrl.u32 s21, $0x3;
	s21 =	sadd.s32 s12, s15  }
0x2e: {  	s15 =	sadd.s32 s15, s2;
	s19 =	sadd.s32 s4, s19;
	s4 =	sadd.s32 s4, s14  }
0x2f: {  	s22 =	sshrl.u32 s21, $0x3;
	[smem:$0x7E2] =	sst s19;
	s19 =	sadd.s32 s12, s11  }
0x30: {  	[smem:$0x7E3] =	sst s4;
	s4 =	sadd.s32 $0x79200, s0;
	s14 =	sshrl.u32 s19, $0x3  }
0x31: {  	[smem:$0x7F7] =	sst s15;
	s19 =	sshll.u32 s16, $0x4;
	s14 =	sadd.s32 s4, s14  }
0x32: {  	s23 =	sadd.s32 s12, s19;
	[smem:$0x7E5] =	sst s14;
	s14 =	sadd.s32 s4, s22  }
0x33: {  	s22 =	sadd.s32 s9, s1;
	[smem:$0x7E6] =	sst s14;
	s14 =	sshrl.u32 s23, $0x3  }
0x34: {  	[smem:$0x7EC] =	sst s22;
	s23 =	sshrl.u32 s9, $0x2;
	s9 =	sadd.s32 s5, s1  }
0x35: {  	s24 =	sadd.s32 s12, s13;
	s22 =	sadd.s32 s13, s2;
	[smem:$0x7F2] =	sst s9  }
0x36: {  	s25 =	sshrl.u32 s24, $0x3;
	s14 =	sadd.s32 s4, s14;
	[smem:$0x7F9] =	sst s22  }
0x37: {  	s15 =	simm.s32 $0x6;
	s24 =	sadd.s32 s23, s2;
	[smem:$0x7E7] =	sst s14  }
0x38: {  	s12 =	sadd.s32 s12, s18;
	s23 =	sadd.s32 s18, s2;
	[smem:$0x7EE] =	sst s24  }
0x39: {  	s12 =	sshrl.u32 s12, $0x3;
	s14 =	sadd.s32 s4, s25;
	[smem:$0x7FA] =	sst s23  }
0x3a: {  	s16 =	sadd.s32 $0x2000, s0;
	s4 =	sadd.s32 s4, s12;
	[smem:$0x7E8] =	sst s14  }
0x3b: {  	s13 =	simm.s32 $0x4;
	s24 =	sadd.s32 s10, s1;
	[smem:$0x7E9] =	sst s4  }
0x3c: {  	s12 =	smul.u32 $0x28000, s20;
	s14 =	smax.u32 s7, $0x1;
	[smem:$0x7FD] =	sst s24  }
0x3d: {  	s18 =	simm.s32 $0x7;
	s7 =	sadd.s32 s8, s1;
	[smem:$0x7EB] =	sst s14  }
0x3e: {  	s21 =	sshrl.u32 s12, $0x2;
	[smem:$0x7F0] =	sst s7;
	s12 =	sadd.s32 s6, s1  }
0x3f: {  	s25 =	sshrl.u32 s10, $0x2;
	s14 =	sadd.s32 s11, s2;
	[smem:$0x7F4] =	sst s12  }
0x40: {  	s10 =	sshrl.u32 s6, $0x2;
	s0 =	sadd.s32 s21, s1;
	[smem:$0x7F6] =	sst s14  }
0x41: {  	s8 =	sshrl.u32 s5, $0x2;
	s21 =	sadd.s32 s19, s2;
	[smem:$0x7ED] =	sst s0  }
0x42: {  	s6 =	simm.s32 $0x80;
	s0 =	sadd.s32 s25, s2;
	[smem:$0x7F8] =	sst s21  }
0x43: {  	s25 =	smul.u32 $0xA0, s20;
	[smem:$0x7EF] =	sst s0;
	s0 =	sadd.s32 s3, s2  }
0x44: {  	s11 =	simm.s32 $0x2;
	s14 =	simm.s32 $0x5;
	[smem:$0x7F1] =	sst s0  }
0x45: {  	s19 =	simm.s32 $0xA;
	s0 =	sadd.s32 s8, s2;
	[smem:$0x7FB] =	sst s25  }
0x46: {  	s12 =	simm.s32 $0x3;
	[smem:$0x7F3] =	sst s0;
	s0 =	sadd.s32 s10, s2  }
0x47: {  	v0 =	vimm.f32 $0.0e+00;
	s8 =	simm.s32 $0x0;
	[smem:$0x7F5] =	sst s0;
	s0 =	simm.s32 $0x1000  }
.LBB2_1:
0x48: {  	s7 =	simm.s32 $0x1020  }
0x49: {  	[tilespmem:s7+$0x0] =	vst v0  }
0x4a: {  	[tilespmem:s7+$0xFFFFFFE0] =	vst v0  }
0x4b: {  	[tilespmem:s7+$0x10] =	vst v0  }
0x4c: {  	[smem:$0x7DE] =	sst s8;
	s8 =	simm.s32 $0x40;
	s22 =	simm.s32 $0x0;
	[tilespmem:s7+$0xFFFFFFF0] =	vst v0  }
.LBB2_2:
0x4d: {  	p1 =	sne.s32 s8, $0x1FC0  }
0x4e: {  	[tilespmem:s22+$0x9000] =	vst v0;
	s7 =	sadd.s32 $0x40, s7;
	s22 =	smov.u32 s8;
	s8 =	sadd.s32 $0x40, s8  }
.Ltmp0:
0x4f: {  	[tilespmem:s7+$0x0] =	vst v0;
	(pc) =	sbr.rel @p1 .LBB2_2-.Ltmp0, $4  }
0x50: {  	_ = 	snop  }
0x51: {  	[tilespmem:s7+$0xFFFFFFE0] =	vst v0  }
0x52: {  	[tilespmem:s7+$0x10] =	vst v0  }
0x53: {  	s22 =	sshra.s32 s22, $0x2;
	[tilespmem:s7+$0xFFFFFFF0] =	vst v0  }
0x54: {  	s7 =	sld [smem:$0x7ED];
	_ =	sdelay $0x1  }
0x55: {  	[tilespmem:s22+$0x9000] =	vst v0  }
0x56: {  	[spmem:s7] =	stream.linear.scatter [tilespmem:s0], [sflag:$0x11], $0x2000, $0x38;
	[tilespmem:$0x17800] =	vst v63  }
0x57: {  	_ =	swait.ge [sflag:s30], $0x2000  }
0x58: {  	s9 =	sld [smem:$0x7EE]  }
0x59: {  	[sflag:s30] =	ssyncset.done $0x0  }
0x5a: {  	[sflag:s30] =	ssyncadd.s32 $0xFFFFE000  }
0x5b: {  	[spmem:s9] =	stream.linear.scatter [tilespmem:s29], [sflag:$0x11], $0x800, $0x38;
	[tilespmem:$0x17800] =	vst v63  }
0x5c: {  	_ =	swait.ge [sflag:s30], $0x800  }
0x5d: {  	[sflag:s30] =	ssyncset.done $0x0  }
0x5e: {  	[sflag:s30] =	ssyncadd.s32 $0xFFFFF800  }
0x5f: {  	[spmem:s24] =	stream.linear.scatter [tilespmem:s0], [sflag:$0x11], $0x2000, $0x38;
	[tilespmem:$0x17800] =	vst v63  }
0x60: {  	_ =	swait.ge [sflag:s30], $0x2000  }
0x61: {  	s10 =	sld [smem:$0x7EF]  }
0x62: {  	[sflag:s30] =	ssyncset.done $0x0  }
0x63: {  	[sflag:s30] =	ssyncadd.s32 $0xFFFFE000  }
0x64: {  	[spmem:s10] =	stream.linear.scatter [tilespmem:s29], [sflag:$0x11], $0x800, $0x38;
	[tilespmem:$0x17800] =	vst v63  }
0x65: {  	_ =	swait.ge [sflag:s30], $0x800  }
0x66: {  	s20 =	sld [smem:$0x7F0]  }
0x67: {  	[sflag:s30] =	ssyncset.done $0x0  }
0x68: {  	[sflag:s30] =	ssyncadd.s32 $0xFFFFF800  }
0x69: {  	[spmem:s20] =	stream.linear.scatter [tilespmem:s0], [sflag:$0x11], $0x2000, $0x38;
	[tilespmem:$0x17800] =	vst v63  }
0x6a: {  	_ =	swait.ge [sflag:s30], $0x2000  }
0x6b: {  	s21 =	sld [smem:$0x7F1]  }
0x6c: {  	[sflag:s30] =	ssyncset.done $0x0  }
0x6d: {  	[sflag:s30] =	ssyncadd.s32 $0xFFFFE000  }
0x6e: {  	[spmem:s21] =	stream.linear.scatter [tilespmem:s29], [sflag:$0x11], $0x800, $0x38;
	[tilespmem:$0x17800] =	vst v63  }
0x6f: {  	_ =	swait.ge [sflag:s30], $0x800  }
0x70: {  	s22 =	sld [smem:$0x7F2]  }
0x71: {  	[sflag:s30] =	ssyncset.done $0x0  }
0x72: {  	[sflag:s30] =	ssyncadd.s32 $0xFFFFF800  }
0x73: {  	[spmem:s22] =	stream.linear.scatter [tilespmem:s0], [sflag:$0x11], $0x2000, $0x38;
	[tilespmem:$0x17800] =	vst v63  }
0x74: {  	_ =	swait.ge [sflag:s30], $0x2000  }
0x75: {  	s23 =	sld [smem:$0x7F3]  }
0x76: {  	[sflag:s30] =	ssyncset.done $0x0  }
0x77: {  	[sflag:s30] =	ssyncadd.s32 $0xFFFFE000  }
0x78: {  	[spmem:s23] =	stream.linear.scatter [tilespmem:s29], [sflag:$0x11], $0x800, $0x38;
	[tilespmem:$0x17800] =	vst v63  }
0x79: {  	_ =	swait.ge [sflag:s30], $0x800  }
0x7a: {  	s24 =	sld [smem:$0x7F4]  }
0x7b: {  	[sflag:s30] =	ssyncset.done $0x0  }
0x7c: {  	[sflag:s30] =	ssyncadd.s32 $0xFFFFF800  }
0x7d: {  	[spmem:s24] =	stream.linear.scatter [tilespmem:s0], [sflag:$0x11], $0x2000, $0x38;
	[tilespmem:$0x17800] =	vst v63  }
0x7e: {  	_ =	swait.ge [sflag:s30], $0x2000  }
0x7f: {  	s25 =	sld [smem:$0x7F5]  }
0x80: {  	[sflag:s30] =	ssyncset.done $0x0  }
0x81: {  	[sflag:s30] =	ssyncadd.s32 $0xFFFFE000  }
0x82: {  	[spmem:s25] =	stream.linear.scatter [tilespmem:s29], [sflag:$0x11], $0x800, $0x38;
	[tilespmem:$0x17800] =	vst v63  }
0x83: {  	_ =	swait.ge [sflag:s30], $0x800  }
0x84: {  	[sflag:s30] =	ssyncset.done $0x0  }
0x85: {  	[sflag:s30] =	ssyncadd.s32 $0xFFFFF800  }
0x86: {  	[bflag:$0x0] =	sbarrier.arrive $0xFFFF  }
0x87: {  	s7 =	simm.s32 $0x0;
	s22 =	sld [smem:$0x7FB]  }
.LBB2_4:
0x88: {  	s8 =	rddreg [dreg:$0x13]  }
0x89: {  	s24 =	simm.s32 $0x11;
	s8 =	sadd.s32 s7, s8  }
0x8a: {  	[tilespmem:s28], [sflag:$0x11] =	stream.linear.gather [hbm4b:s8+s28], $0x800, $0x38;
	[tilespmem:$0x17800] =	vst v63  }
0x8b: {  	_ =	swait.ge [sflag:s24], $0x800  }
0x8c: {  	s4 =	rddreg [dreg:$0x12];
	[sflag:s24] =	ssyncset.done $0x0  }
0x8d: {  	s23 =	simm.s32 $0x800;
	[sflag:s24] =	ssyncadd.s32 $0xFFFFF800;
	s8 =	sadd.s32 s7, s4  }
0x8e: {  	[tilespmem:s23], [sflag:$0x11] =	stream.linear.gather [hbm4b:s8+s28], $0x800, $0x38;
	[tilespmem:$0x17800] =	vst v63  }
0x8f: {  	s8 =	smov.u32 s22;
	_ =	swait.ge [sflag:s24], $0x800  }
0x90: {  	s0 =	simm.s32 $0x1000;
	s8 =	simm.s32 @!p0 $0xA00;
	[sflag:s24] =	ssyncset.done $0x0  }
0x91: {  	s3 =	simm.s32 $0x9000;
	s5 =	sshll.u32 s8, $0x8;
	[sflag:s24] =	ssyncadd.s32 $0xFFFFF800  }
0x92: {  	[tilespmem:s0], [sflag:$0x1] =	stream.indirect.gather [hbm4b:s16+s6], $0x40, s28, s6, $0xb8;
	[tilespmem:$0x17800] =	vst v63  }
0x93: {  	s10 =	sor.u32 s26, s8;
	s24 =	sadd.s32 s17, s5;
	s0 =	simm.s32 $0x0  }
0x94: {  	[tilespmem:s3], [sflag:$0x5] =	stream.linear.gather [hbm4b:s24+s0], $0x800, $0x38;
	[tilespmem:$0x17800] =	vst v63  }
0x95: {  	s24 =	sshll.u32 s10, $0x8  }
0x96: {  	s9 =	simm.s32 $0x3000;
	s24 =	sand.u32 $0x1FFFF100, s24  }
0x97: {  	[tilespmem:s9], [sflag:$0x2] =	stream.indirect.gather [hbm4b:s16+s6], $0x40, s6, s6, $0xb8;
	[tilespmem:$0x17800] =	vst v63  }
0x98: {  	s29 =	rddreg [dreg:$0x4];
	s24 =	sxor.u32 $0x100, s24  }
0x99: {  	s25 =	simm.s32 $0x9800;
	s30 =	sor.u32 s29, s8;
	s24 =	sadd.s32 s17, s24  }
0x9a: {  	[tilespmem:s25], [sflag:$0x6] =	stream.linear.gather [hbm4b:s24+s0], $0x800, $0x38;
	[tilespmem:$0x17800] =	vst v63  }
0x9b: {  	s24 =	sshll.u32 s30, $0x8  }
0x9c: {  	s26 =	rddreg [dreg:$0x14];
	s10 =	simm.s32 $0x5000;
	s24 =	sand.u32 $0x1FFFF200, s24  }
0x9d: {  	[tilespmem:s10], [sflag:$0x3] =	stream.indirect.gather [hbm4b:s16+s6], $0x40, s26, s6, $0xb8;
	[tilespmem:$0x17800] =	vst v63  }
0x9e: {  	s29 =	rddreg [dreg:$0x5];
	s9 =	simm.s32 $0xA000;
	s24 =	sadd.s32 s17, s24  }
0x9f: {  	[tilespmem:s9], [sflag:$0x7] =	stream.linear.gather [hbm4b:s24+s0], $0x800, $0x38;
	[tilespmem:$0x17800] =	vst v63  }
0xa0: {  	s9 =	sor.u32 s29, s8  }
0xa1: {  	s30 =	simm.s32 $0x7000;
	s26 =	rddreg [dreg:$0x15];
	s24 =	sshll.u32 s9, $0x8  }
0xa2: {  	[tilespmem:s30], [sflag:$0x4] =	stream.indirect.gather [hbm4b:s16+s6], $0x40, s26, s6, $0xb8;
	[tilespmem:$0x17800] =	vst v63  }
0xa3: {  	s24 =	sand.u32 $0x1FFFF300, s24  }
0xa4: {  	s5 =	simm.s32 $0x1;
	s10 =	simm.s32 $0xA800;
	s24 =	sadd.s32 s17, s24  }
0xa5: {  	[tilespmem:s10], [sflag:$0x8] =	stream.linear.gather [hbm4b:s24+s0], $0x800, $0x38;
	[tilespmem:$0x17800] =	vst v63  }
0xa6: {  	_ =	swait.ge [sflag:s5], $0x2000  }
0xa7: {  	[sflag:s5] =	ssyncset.done $0x0  }
0xa8: {  	s9 =	simm.s32 $0x1000;
	[sflag:s5] =	ssyncadd.s32 $0xFFFFE000  }
0xa9: {  	[spmem:s1] =	stream.indirect.scatter.add.f32 [tilespmem:s9], [sflag:$0x9], $0x40, s23, s6, $0xb8;
	[tilespmem:$0x17800] =	vst v63  }
0xaa: {  	_ =	swait.ge [sflag:s14], $0x800  }
0xab: {  	[sflag:s14] =	ssyncset.done $0x0  }
0xac: {  	s30 =	simm.s32 $0x9;
	s10 =	simm.s32 $0x9000;
	[sflag:s14] =	ssyncadd.s32 $0xFFFFF800  }
0xad: {  	[spmem:s2] =	stream.indirect.scatter.add.f32 [tilespmem:s10], [sflag:$0xD], $0x10, s23, s6, $0xb8;
	[tilespmem:$0x17800] =	vst v63  }
0xae: {  	_ =	swait.ge [sflag:s30], $0x2000  }
0xaf: {  	[sflag:s30] =	ssyncset.done $0x0  }
0xb0: {  	s23 =	simm.s32 $0xD;
	[sflag:s30] =	ssyncadd.s32 $0xFFFFE000  }
0xb1: {  	_ =	swait.ge [sflag:s23], $0x800  }
0xb2: {  	[sflag:s23] =	ssyncset.done $0x0;
	s29 =	rddreg [dreg:$0x6]  }
0xb3: {  	s26 =	rddreg [dreg:$0x16];
	[sflag:s23] =	ssyncadd.s32 $0xFFFFF800;
	s29 =	sor.u32 s29, s8  }
0xb4: {  	[tilespmem:s9], [sflag:$0x1] =	stream.indirect.gather [hbm4b:s16+s6], $0x40, s26, s6, $0xb8;
	[tilespmem:$0x17800] =	vst v63  }
0xb5: {  	s24 =	sshll.u32 s29, $0x8  }
0xb6: {  	s24 =	sand.u32 $0x1FFFF400, s24  }
0xb7: {  	s24 =	sadd.s32 s17, s24  }
0xb8: {  	[tilespmem:s10], [sflag:$0x5] =	stream.linear.gather [hbm4b:s24+s0], $0x800, $0x38;
	[tilespmem:$0x17800] =	vst v63  }
0xb9: {  	_ =	swait.ge [sflag:s11], $0x2000  }
0xba: {  	[sflag:s11] =	ssyncset.done $0x0  }
0xbb: {  	s4 =	simm.s32 $0x3000;
	s9 =	simm.s32 $0x880;
	[sflag:s11] =	ssyncadd.s32 $0xFFFFE000  }
0xbc: {  	[spmem:s1] =	stream.indirect.scatter.add.f32 [tilespmem:s4], [sflag:$0xA], $0x40, s9, s6, $0xb8;
	[tilespmem:$0x17800] =	vst v63  }
0xbd: {  	_ =	swait.ge [sflag:s15], $0x800  }
0xbe: {  	[sflag:s15] =	ssyncset.done $0x0  }
0xbf: {  	s10 =	simm.s32 $0x9800;
	[sflag:s15] =	ssyncadd.s32 $0xFFFFF800  }
0xc0: {  	[spmem:s2] =	stream.indirect.scatter.add.f32 [tilespmem:s10], [sflag:$0xE], $0x10, s9, s6, $0xb8;
	[tilespmem:$0x17800] =	vst v63  }
0xc1: {  	_ =	swait.ge [sflag:s19], $0x2000  }
0xc2: {  	[sflag:s19] =	ssyncset.done $0x0  }
0xc3: {  	s28 =	simm.s32 $0xE;
	[sflag:s19] =	ssyncadd.s32 $0xFFFFE000  }
0xc4: {  	_ =	swait.ge [sflag:s28], $0x800  }
0xc5: {  	[sflag:s28] =	ssyncset.done $0x0;
	s29 =	rddreg [dreg:$0x7]  }
0xc6: {  	s26 =	rddreg [dreg:$0x17];
	[sflag:s28] =	ssyncadd.s32 $0xFFFFF800;
	s9 =	sor.u32 s29, s8  }
0xc7: {  	[tilespmem:s4], [sflag:$0x2] =	stream.indirect.gather [hbm4b:s16+s6], $0x40, s26, s6, $0xb8;
	[tilespmem:$0x17800] =	vst v63  }
0xc8: {  	s24 =	sshll.u32 s9, $0x8  }
0xc9: {  	s24 =	sand.u32 $0x1FFFF500, s24  }
0xca: {  	s24 =	sadd.s32 s17, s24  }
0xcb: {  	[tilespmem:s10], [sflag:$0x6] =	stream.linear.gather [hbm4b:s24+s0], $0x800, $0x38;
	[tilespmem:$0x17800] =	vst v63  }
0xcc: {  	_ =	swait.ge [sflag:s12], $0x2000  }
0xcd: {  	[sflag:s12] =	ssyncset.done $0x0  }
0xce: {  	s25 =	simm.s32 $0x5000;
	s26 =	simm.s32 $0x900;
	[sflag:s12] =	ssyncadd.s32 $0xFFFFE000  }
0xcf: {  	[spmem:s1] =	stream.indirect.scatter.add.f32 [tilespmem:s25], [sflag:$0xB], $0x40, s26, s6, $0xb8;
	[tilespmem:$0x17800] =	vst v63  }
0xd0: {  	_ =	swait.ge [sflag:s18], $0x800  }
0xd1: {  	[sflag:s18] =	ssyncset.done $0x0  }
0xd2: {  	s21 =	simm.s32 $0xB;
	s10 =	simm.s32 $0xA000;
	[sflag:s18] =	ssyncadd.s32 $0xFFFFF800  }
0xd3: {  	[spmem:s2] =	stream.indirect.scatter.add.f32 [tilespmem:s10], [sflag:$0xF], $0x10, s26, s6, $0xb8;
	[tilespmem:$0x17800] =	vst v63  }
0xd4: {  	_ =	swait.ge [sflag:s21], $0x2000  }
0xd5: {  	[sflag:s21] =	ssyncset.done $0x0  }
0xd6: {  	s20 =	simm.s32 $0xF;
	[sflag:s21] =	ssyncadd.s32 $0xFFFFE000  }
0xd7: {  	_ =	swait.ge [sflag:s20], $0x800  }
0xd8: {  	s29 =	rddreg [dreg:$0x18];
	[sflag:s20] =	ssyncset.done $0x0  }
0xd9: {  	s9 =	rddreg [dreg:$0x8];
	[sflag:s20] =	ssyncadd.s32 $0xFFFFF800  }
0xda: {  	[tilespmem:s25], [sflag:$0x3] =	stream.indirect.gather [hbm4b:s16+s6], $0x40, s29, s6, $0xb8;
	[tilespmem:$0x17800] =	vst v63  }
0xdb: {  	s29 =	sor.u32 s9, s8  }
0xdc: {  	s24 =	sshll.u32 s29, $0x8  }
0xdd: {  	s24 =	sand.u32 $0x1FFFF600, s24  }
0xde: {  	s24 =	sadd.s32 s17, s24  }
0xdf: {  	[tilespmem:s10], [sflag:$0x7] =	stream.linear.gather [hbm4b:s24+s0], $0x800, $0x38;
	[tilespmem:$0x17800] =	vst v63  }
0xe0: {  	_ =	swait.ge [sflag:s13], $0x2000  }
0xe1: {  	s9 =	simm.s32 $0x980;
	[sflag:s13] =	ssyncset.done $0x0  }
0xe2: {  	s25 =	simm.s32 $0x7000;
	s29 =	simm.s32 $0x8;
	[sflag:s13] =	ssyncadd.s32 $0xFFFFE000  }
0xe3: {  	[spmem:s1] =	stream.indirect.scatter.add.f32 [tilespmem:s25], [sflag:$0xC], $0x40, s9, s6, $0xb8;
	[tilespmem:$0x17800] =	vst v63  }
0xe4: {  	_ =	swait.ge [sflag:s29], $0x800  }
0xe5: {  	[sflag:s29] =	ssyncset.done $0x0  }
0xe6: {  	s10 =	simm.s32 $0xA800;
	[sflag:s29] =	ssyncadd.s32 $0xFFFFF800  }
0xe7: {  	[spmem:s2] =	stream.indirect.scatter.add.f32 [tilespmem:s10], [sflag:$0x10], $0x10, s9, s6, $0xb8;
	[tilespmem:$0x17800] =	vst v63  }
0xe8: {  	_ =	swait.ge [sflag:s31], $0x2000  }
0xe9: {  	[sflag:s31] =	ssyncset.done $0x0  }
0xea: {  	s3 =	simm.s32 $0x10;
	[sflag:s31] =	ssyncadd.s32 $0xFFFFE000  }
0xeb: {  	_ =	swait.ge [sflag:s3], $0x800  }
0xec: {  	[sflag:s3] =	ssyncset.done $0x0;
	s9 =	rddreg [dreg:$0x9]  }
0xed: {  	s26 =	rddreg [dreg:$0x19];
	[sflag:s3] =	ssyncadd.s32 $0xFFFFF800;
	s9 =	sor.u32 s9, s8  }
0xee: {  	[tilespmem:s25], [sflag:$0x4] =	stream.indirect.gather [hbm4b:s16+s6], $0x40, s26, s6, $0xb8;
	[tilespmem:$0x17800] =	vst v63  }
0xef: {  	s24 =	sshll.u32 s9, $0x8  }
0xf0: {  	s24 =	sand.u32 $0x1FFFF700, s24  }
0xf1: {  	s24 =	sadd.s32 s17, s24  }
0xf2: {  	[tilespmem:s10], [sflag:$0x8] =	stream.linear.gather [hbm4b:s24+s0], $0x800, $0x38;
	[tilespmem:$0x17800] =	vst v63  }
0xf3: {  	_ =	swait.ge [sflag:s5], $0x2000  }
0xf4: {  	[sflag:s5] =	ssyncset.done $0x0  }
0xf5: {  	s25 =	simm.s32 $0xA00;
	s9 =	simm.s32 $0x1000;
	[sflag:s5] =	ssyncadd.s32 $0xFFFFE000  }
0xf6: {  	[spmem:s1] =	stream.indirect.scatter.add.f32 [tilespmem:s9], [sflag:$0x9], $0x40, s25, s6, $0xb8;
	[tilespmem:$0x17800] =	vst v63  }
0xf7: {  	_ =	swait.ge [sflag:s14], $0x800  }
0xf8: {  	[sflag:s14] =	ssyncset.done $0x0  }
0xf9: {  	s10 =	simm.s32 $0x9000;
	[sflag:s14] =	ssyncadd.s32 $0xFFFFF800  }
0xfa: {  	[spmem:s2] =	stream.indirect.scatter.add.f32 [tilespmem:s10], [sflag:$0xD], $0x10, s25, s6, $0xb8;
	[tilespmem:$0x17800] =	vst v63  }
0xfb: {  	_ =	swait.ge [sflag:s30], $0x2000  }
0xfc: {  	[sflag:s30] =	ssyncset.done $0x0  }
0xfd: {  	[sflag:s30] =	ssyncadd.s32 $0xFFFFE000  }
0xfe: {  	_ =	swait.ge [sflag:s23], $0x800  }
0xff: {  	s26 =	rddreg [dreg:$0x1a];
	[sflag:s23] =	ssyncset.done $0x0  }
0x100: {  	s25 =	rddreg [dreg:$0xa];
	[sflag:s23] =	ssyncadd.s32 $0xFFFFF800  }
0x101: {  	[tilespmem:s9], [sflag:$0x1] =	stream.indirect.gather [hbm4b:s16+s6], $0x40, s26, s6, $0xb8;
	[tilespmem:$0x17800] =	vst v63  }
0x102: {  	s9 =	sor.u32 s25, s8  }
0x103: {  	s24 =	sshll.u32 s9, $0x8  }
0x104: {  	s24 =	sand.u32 $0x1FFFF800, s24  }
0x105: {  	s24 =	sadd.s32 s17, s24  }
0x106: {  	[tilespmem:s10], [sflag:$0x5] =	stream.linear.gather [hbm4b:s24+s0], $0x800, $0x38;
	[tilespmem:$0x17800] =	vst v63  }
0x107: {  	_ =	swait.ge [sflag:s11], $0x2000  }
0x108: {  	[sflag:s11] =	ssyncset.done $0x0  }
0x109: {  	s25 =	simm.s32 $0xA80;
	[sflag:s11] =	ssyncadd.s32 $0xFFFFE000  }
0x10a: {  	[spmem:s1] =	stream.indirect.scatter.add.f32 [tilespmem:s4], [sflag:$0xA], $0x40, s25, s6, $0xb8;
	[tilespmem:$0x17800] =	vst v63  }
0x10b: {  	_ =	swait.ge [sflag:s15], $0x800  }
0x10c: {  	[sflag:s15] =	ssyncset.done $0x0  }
0x10d: {  	s10 =	simm.s32 $0x9800;
	[sflag:s15] =	ssyncadd.s32 $0xFFFFF800  }
0x10e: {  	[spmem:s2] =	stream.indirect.scatter.add.f32 [tilespmem:s10], [sflag:$0xE], $0x10, s25, s6, $0xb8;
	[tilespmem:$0x17800] =	vst v63  }
0x10f: {  	_ =	swait.ge [sflag:s19], $0x2000  }
0x110: {  	[sflag:s19] =	ssyncset.done $0x0  }
0x111: {  	[sflag:s19] =	ssyncadd.s32 $0xFFFFE000  }
0x112: {  	_ =	swait.ge [sflag:s28], $0x800  }
0x113: {  	[sflag:s28] =	ssyncset.done $0x0;
	s9 =	rddreg [dreg:$0xb]  }
0x114: {  	s26 =	rddreg [dreg:$0x1b];
	[sflag:s28] =	ssyncadd.s32 $0xFFFFF800;
	s25 =	sor.u32 s9, s8  }
0x115: {  	[tilespmem:s4], [sflag:$0x2] =	stream.indirect.gather [hbm4b:s16+s6], $0x40, s26, s6, $0xb8;
	[tilespmem:$0x17800] =	vst v63  }
0x116: {  	s24 =	sshll.u32 s25, $0x8  }
0x117: {  	s24 =	sand.u32 $0x1FFFF900, s24  }
0x118: {  	s24 =	sadd.s32 s17, s24  }
0x119: {  	[tilespmem:s10], [sflag:$0x6] =	stream.linear.gather [hbm4b:s24+s0], $0x800, $0x38;
	[tilespmem:$0x17800] =	vst v63  }
0x11a: {  	_ =	swait.ge [sflag:s12], $0x2000  }
0x11b: {  	[sflag:s12] =	ssyncset.done $0x0  }
0x11c: {  	s26 =	simm.s32 $0xB00;
	s4 =	simm.s32 $0x5000;
	[sflag:s12] =	ssyncadd.s32 $0xFFFFE000  }
0x11d: {  	[spmem:s1] =	stream.indirect.scatter.add.f32 [tilespmem:s4], [sflag:$0xB], $0x40, s26, s6, $0xb8;
	[tilespmem:$0x17800] =	vst v63  }
0x11e: {  	_ =	swait.ge [sflag:s18], $0x800  }
0x11f: {  	[sflag:s18] =	ssyncset.done $0x0  }
0x120: {  	s25 =	simm.s32 $0xA000;
	[sflag:s18] =	ssyncadd.s32 $0xFFFFF800  }
0x121: {  	[spmem:s2] =	stream.indirect.scatter.add.f32 [tilespmem:s25], [sflag:$0xF], $0x10, s26, s6, $0xb8;
	[tilespmem:$0x17800] =	vst v63  }
0x122: {  	_ =	swait.ge [sflag:s21], $0x2000  }
0x123: {  	[sflag:s21] =	ssyncset.done $0x0  }
0x124: {  	[sflag:s21] =	ssyncadd.s32 $0xFFFFE000  }
0x125: {  	_ =	swait.ge [sflag:s20], $0x800  }
0x126: {  	[sflag:s20] =	ssyncset.done $0x0;
	s9 =	rddreg [dreg:$0xc]  }
0x127: {  	s26 =	rddreg [dreg:$0x1c];
	[sflag:s20] =	ssyncadd.s32 $0xFFFFF800;
	s10 =	sor.u32 s9, s8  }
0x128: {  	[tilespmem:s4], [sflag:$0x3] =	stream.indirect.gather [hbm4b:s16+s6], $0x40, s26, s6, $0xb8;
	[tilespmem:$0x17800] =	vst v63  }
0x129: {  	s24 =	sshll.u32 s10, $0x8  }
0x12a: {  	s24 =	sand.u32 $0x1FFFFA00, s24  }
0x12b: {  	s24 =	sadd.s32 s17, s24  }
0x12c: {  	[tilespmem:s25], [sflag:$0x7] =	stream.linear.gather [hbm4b:s24+s0], $0x800, $0x38;
	[tilespmem:$0x17800] =	vst v63  }
0x12d: {  	_ =	swait.ge [sflag:s13], $0x2000  }
0x12e: {  	[sflag:s13] =	ssyncset.done $0x0  }
0x12f: {  	s26 =	simm.s32 $0x7000;
	s25 =	simm.s32 $0xB80;
	[sflag:s13] =	ssyncadd.s32 $0xFFFFE000  }
0x130: {  	[spmem:s1] =	stream.indirect.scatter.add.f32 [tilespmem:s26], [sflag:$0xC], $0x40, s25, s6, $0xb8;
	[tilespmem:$0x17800] =	vst v63  }
0x131: {  	_ =	swait.ge [sflag:s29], $0x800  }
0x132: {  	[sflag:s29] =	ssyncset.done $0x0  }
0x133: {  	s10 =	simm.s32 $0xA800;
	[sflag:s29] =	ssyncadd.s32 $0xFFFFF800  }
0x134: {  	[spmem:s2] =	stream.indirect.scatter.add.f32 [tilespmem:s10], [sflag:$0x10], $0x10, s25, s6, $0xb8;
	[tilespmem:$0x17800] =	vst v63  }
0x135: {  	_ =	swait.ge [sflag:s31], $0x2000  }
0x136: {  	[sflag:s31] =	ssyncset.done $0x0  }
0x137: {  	[sflag:s31] =	ssyncadd.s32 $0xFFFFE000  }
0x138: {  	_ =	swait.ge [sflag:s3], $0x800  }
0x139: {  	s9 =	rddreg [dreg:$0x1d];
	[sflag:s3] =	ssyncset.done $0x0  }
0x13a: {  	s25 =	rddreg [dreg:$0xd];
	[sflag:s3] =	ssyncadd.s32 $0xFFFFF800  }
0x13b: {  	[tilespmem:s26], [sflag:$0x4] =	stream.indirect.gather [hbm4b:s16+s6], $0x40, s9, s6, $0xb8;
	[tilespmem:$0x17800] =	vst v63  }
0x13c: {  	s9 =	sor.u32 s25, s8  }
0x13d: {  	s24 =	sshll.u32 s9, $0x8  }
0x13e: {  	s24 =	sand.u32 $0x1FFFFB00, s24  }
0x13f: {  	s24 =	sadd.s32 s17, s24  }
0x140: {  	[tilespmem:s10], [sflag:$0x8] =	stream.linear.gather [hbm4b:s24+s0], $0x800, $0x38;
	[tilespmem:$0x17800] =	vst v63  }
0x141: {  	_ =	swait.ge [sflag:s5], $0x2000  }
0x142: {  	[sflag:s5] =	ssyncset.done $0x0  }
0x143: {  	s26 =	simm.s32 $0x1000;
	s24 =	simm.s32 $0xC00;
	[sflag:s5] =	ssyncadd.s32 $0xFFFFE000  }
0x144: {  	[spmem:s1] =	stream.indirect.scatter.add.f32 [tilespmem:s26], [sflag:$0x9], $0x40, s24, s6, $0xb8;
	[tilespmem:$0x17800] =	vst v63  }
0x145: {  	_ =	swait.ge [sflag:s14], $0x800  }
0x146: {  	[sflag:s14] =	ssyncset.done $0x0  }
0x147: {  	s4 =	simm.s32 $0x9000;
	[sflag:s14] =	ssyncadd.s32 $0xFFFFF800  }
0x148: {  	[spmem:s2] =	stream.indirect.scatter.add.f32 [tilespmem:s4], [sflag:$0xD], $0x10, s24, s6, $0xb8;
	[tilespmem:$0x17800] =	vst v63  }
0x149: {  	_ =	swait.ge [sflag:s30], $0x2000  }
0x14a: {  	[sflag:s30] =	ssyncset.done $0x0  }
0x14b: {  	[sflag:s30] =	ssyncadd.s32 $0xFFFFE000  }
0x14c: {  	_ =	swait.ge [sflag:s23], $0x800  }
0x14d: {  	s5 =	rddreg [dreg:$0x1e];
	[sflag:s23] =	ssyncset.done $0x0  }
0x14e: {  	s10 =	rddreg [dreg:$0xe];
	[sflag:s23] =	ssyncadd.s32 $0xFFFFF800  }
0x14f: {  	[tilespmem:s26], [sflag:$0x1] =	stream.indirect.gather [hbm4b:s16+s6], $0x40, s5, s6, $0xb8;
	[tilespmem:$0x17800] =	vst v63  }
0x150: {  	s26 =	sor.u32 s10, s8  }
0x151: {  	s24 =	sshll.u32 s26, $0x8  }
0x152: {  	s24 =	sand.u32 $0x1FFFFC00, s24  }
0x153: {  	s24 =	sadd.s32 s17, s24  }
0x154: {  	[tilespmem:s4], [sflag:$0x5] =	stream.linear.gather [hbm4b:s24+s0], $0x800, $0x38;
	[tilespmem:$0x17800] =	vst v63  }
0x155: {  	_ =	swait.ge [sflag:s11], $0x2000  }
0x156: {  	[sflag:s11] =	ssyncset.done $0x0  }
0x157: {  	s9 =	simm.s32 $0x3000;
	s5 =	simm.s32 $0xC80;
	[sflag:s11] =	ssyncadd.s32 $0xFFFFE000  }
0x158: {  	[spmem:s1] =	stream.indirect.scatter.add.f32 [tilespmem:s9], [sflag:$0xA], $0x40, s5, s6, $0xb8;
	[tilespmem:$0x17800] =	vst v63  }
0x159: {  	_ =	swait.ge [sflag:s15], $0x800  }
0x15a: {  	[sflag:s15] =	ssyncset.done $0x0  }
0x15b: {  	s10 =	simm.s32 $0x9800;
	[sflag:s15] =	ssyncadd.s32 $0xFFFFF800  }
0x15c: {  	[spmem:s2] =	stream.indirect.scatter.add.f32 [tilespmem:s10], [sflag:$0xE], $0x10, s5, s6, $0xb8;
	[tilespmem:$0x17800] =	vst v63  }
0x15d: {  	_ =	swait.ge [sflag:s19], $0x2000  }
0x15e: {  	[sflag:s19] =	ssyncset.done $0x0  }
0x15f: {  	[sflag:s19] =	ssyncadd.s32 $0xFFFFE000  }
0x160: {  	_ =	swait.ge [sflag:s28], $0x800  }
0x161: {  	s26 =	rddreg [dreg:$0x1f];
	[sflag:s28] =	ssyncset.done $0x0  }
0x162: {  	s0 =	rddreg [dreg:$0xf];
	[sflag:s28] =	ssyncadd.s32 $0xFFFFF800  }
0x163: {  	[tilespmem:s9], [sflag:$0x2] =	stream.indirect.gather [hbm4b:s16+s6], $0x40, s26, s6, $0xb8;
	[tilespmem:$0x17800] =	vst v63  }
0x164: {  	s9 =	sor.u32 s0, s8  }
0x165: {  	s24 =	sshll.u32 s9, $0x8  }
0x166: {  	s24 =	sand.u32 $0x1FFFFD00, s24  }
0x167: {  	s28 =	simm.s32 $0x0;
	s24 =	sadd.s32 s17, s24  }
0x168: {  	[tilespmem:s10], [sflag:$0x6] =	stream.linear.gather [hbm4b:s24+s28], $0x800, $0x38;
	[tilespmem:$0x17800] =	vst v63  }
0x169: {  	_ =	swait.ge [sflag:s12], $0x2000  }
0x16a: {  	[sflag:s12] =	ssyncset.done $0x0  }
0x16b: {  	s10 =	simm.s32 $0xD00;
	s24 =	simm.s32 $0x5000;
	[sflag:s12] =	ssyncadd.s32 $0xFFFFE000  }
0x16c: {  	[spmem:s1] =	stream.indirect.scatter.add.f32 [tilespmem:s24], [sflag:$0xB], $0x40, s10, s6, $0xb8;
	[tilespmem:$0x17800] =	vst v63  }
0x16d: {  	_ =	swait.ge [sflag:s18], $0x800  }
0x16e: {  	[sflag:s18] =	ssyncset.done $0x0  }
0x16f: {  	s9 =	simm.s32 $0xA000;
	[sflag:s18] =	ssyncadd.s32 $0xFFFFF800  }
0x170: {  	[spmem:s2] =	stream.indirect.scatter.add.f32 [tilespmem:s9], [sflag:$0xF], $0x10, s10, s6, $0xb8;
	[tilespmem:$0x17800] =	vst v63  }
0x171: {  	_ =	swait.ge [sflag:s21], $0x2000  }
0x172: {  	[sflag:s21] =	ssyncset.done $0x0  }
0x173: {  	[sflag:s21] =	ssyncadd.s32 $0xFFFFE000  }
0x174: {  	_ =	swait.ge [sflag:s20], $0x800  }
0x175: {  	s26 =	sld [smem:$0x7E4]  }
0x176: {  	[sflag:s20] =	ssyncset.done $0x0;
	s0 =	rddreg [dreg:$0x10]  }
0x177: {  	[sflag:s20] =	ssyncadd.s32 $0xFFFFF800;
	s0 =	sor.u32 s0, s8  }
0x178: {  	[tilespmem:s24], [sflag:$0x3] =	stream.indirect.gather [hbm4b:s16+s6], $0x40, s26, s6, $0xb8;
	[tilespmem:$0x17800] =	vst v63  }
0x179: {  	s24 =	sshll.u32 s0, $0x8  }
0x17a: {  	s24 =	sand.u32 $0x1FFFFE00, s24  }
0x17b: {  	s24 =	sadd.s32 s17, s24  }
0x17c: {  	[tilespmem:s9], [sflag:$0x7] =	stream.linear.gather [hbm4b:s24+s28], $0x800, $0x38;
	[tilespmem:$0x17800] =	vst v63  }
0x17d: {  	_ =	swait.ge [sflag:s13], $0x2000  }
0x17e: {  	[sflag:s13] =	ssyncset.done $0x0  }
0x17f: {  	s20 =	simm.s32 $0xD80;
	s24 =	simm.s32 $0x7000;
	[sflag:s13] =	ssyncadd.s32 $0xFFFFE000  }
0x180: {  	[spmem:s1] =	stream.indirect.scatter.add.f32 [tilespmem:s24], [sflag:$0xC], $0x40, s20, s6, $0xb8;
	[tilespmem:$0x17800] =	vst v63  }
0x181: {  	_ =	swait.ge [sflag:s29], $0x800  }
0x182: {  	[sflag:s29] =	ssyncset.done $0x0  }
0x183: {  	s25 =	simm.s32 $0xA800;
	[sflag:s29] =	ssyncadd.s32 $0xFFFFF800  }
0x184: {  	[spmem:s2] =	stream.indirect.scatter.add.f32 [tilespmem:s25], [sflag:$0x10], $0x10, s20, s6, $0xb8;
	[tilespmem:$0x17800] =	vst v63  }
0x185: {  	_ =	swait.ge [sflag:s31], $0x2000  }
0x186: {  	[sflag:s31] =	ssyncset.done $0x0  }
0x187: {  	[sflag:s31] =	ssyncadd.s32 $0xFFFFE000  }
0x188: {  	_ =	swait.ge [sflag:s3], $0x800  }
0x189: {  	s26 =	sld [smem:$0x7EA]  }
0x18a: {  	s0 =	rddreg [dreg:$0x11]  }
0x18b: {  	[sflag:s3] =	ssyncset.done $0x0;
	s8 =	sor.u32 s0, s8  }
0x18c: {  	[sflag:s3] =	ssyncadd.s32 $0xFFFFF800;
	s8 =	sshll.u32 s8, $0x8  }
0x18d: {  	[tilespmem:s24], [sflag:$0x4] =	stream.indirect.gather [hbm4b:s16+s6], $0x40, s26, s6, $0xb8;
	[tilespmem:$0x17800] =	vst v63  }
0x18e: {  	s8 =	sand.u32 $0x1FFFFF00, s8  }
0x18f: {  	s5 =	simm.s32 $0x1;
	s8 =	sadd.s32 s17, s8  }
0x190: {  	[tilespmem:s25], [sflag:$0x8] =	stream.linear.gather [hbm4b:s8+s28], $0x800, $0x38;
	[tilespmem:$0x17800] =	vst v63  }
0x191: {  	s26 =	sld [smem:$0x7FC];
	_ =	swait.ge [sflag:s5], $0x2000  }
0x192: {  	[sflag:s5] =	ssyncset.done $0x0  }
0x193: {  	s8 =	simm.s32 $0x1000;
	[sflag:s5] =	ssyncadd.s32 $0xFFFFE000;
	s5 =	simm.s32 $0xE00  }
0x194: {  	[spmem:s1] =	stream.indirect.scatter.add.f32 [tilespmem:s8], [sflag:$0x9], $0x40, s5, s6, $0xb8;
	[tilespmem:$0x17800] =	vst v63  }
0x195: {  	_ =	swait.ge [sflag:s14], $0x800  }
0x196: {  	[sflag:s14] =	ssyncset.done $0x0  }
0x197: {  	s20 =	simm.s32 $0x9000;
	[sflag:s14] =	ssyncadd.s32 $0xFFFFF800  }
0x198: {  	[spmem:s2] =	stream.indirect.scatter.add.f32 [tilespmem:s20], [sflag:$0xD], $0x10, s5, s6, $0xb8;
	[tilespmem:$0x17800] =	vst v63  }
0x199: {  	_ =	swait.ge [sflag:s11], $0x2000  }
0x19a: {  	[sflag:s11] =	ssyncset.done $0x0  }
0x19b: {  	s0 =	simm.s32 $0xE80;
	s5 =	simm.s32 $0x3000;
	[sflag:s11] =	ssyncadd.s32 $0xFFFFE000  }
0x19c: {  	[spmem:s1] =	stream.indirect.scatter.add.f32 [tilespmem:s5], [sflag:$0xA], $0x40, s0, s6, $0xb8;
	[tilespmem:$0x17800] =	vst v63  }
0x19d: {  	_ =	swait.ge [sflag:s15], $0x800  }
0x19e: {  	[sflag:s15] =	ssyncset.done $0x0  }
0x19f: {  	s4 =	simm.s32 $0x9800;
	[sflag:s15] =	ssyncadd.s32 $0xFFFFF800  }
0x1a0: {  	[spmem:s2] =	stream.indirect.scatter.add.f32 [tilespmem:s4], [sflag:$0xE], $0x10, s0, s6, $0xb8;
	[tilespmem:$0x17800] =	vst v63  }
0x1a1: {  	_ =	swait.ge [sflag:s12], $0x2000  }
0x1a2: {  	[sflag:s12] =	ssyncset.done $0x0  }
0x1a3: {  	s10 =	simm.s32 $0x5000;
	s4 =	simm.s32 $0xF00;
	[sflag:s12] =	ssyncadd.s32 $0xFFFFE000  }
0x1a4: {  	[spmem:s1] =	stream.indirect.scatter.add.f32 [tilespmem:s10], [sflag:$0xB], $0x40, s4, s6, $0xb8;
	[tilespmem:$0x17800] =	vst v63  }
0x1a5: {  	_ =	swait.ge [sflag:s18], $0x800  }
0x1a6: {  	[sflag:s18] =	ssyncset.done $0x0  }
0x1a7: {  	s9 =	simm.s32 $0xA000;
	[sflag:s18] =	ssyncadd.s32 $0xFFFFF800  }
0x1a8: {  	[spmem:s2] =	stream.indirect.scatter.add.f32 [tilespmem:s9], [sflag:$0xF], $0x10, s4, s6, $0xb8;
	[tilespmem:$0x17800] =	vst v63  }
0x1a9: {  	_ =	swait.ge [sflag:s13], $0x2000  }
0x1aa: {  	[sflag:s13] =	ssyncset.done $0x0  }
0x1ab: {  	s24 =	simm.s32 $0x7000;
	s10 =	simm.s32 $0xF80;
	[sflag:s13] =	ssyncadd.s32 $0xFFFFE000  }
0x1ac: {  	[spmem:s1] =	stream.indirect.scatter.add.f32 [tilespmem:s24], [sflag:$0xC], $0x40, s10, s6, $0xb8;
	[tilespmem:$0x17800] =	vst v63  }
0x1ad: {  	_ =	swait.ge [sflag:s29], $0x800  }
0x1ae: {  	[sflag:s29] =	ssyncset.done $0x0  }
0x1af: {  	[sflag:s29] =	ssyncadd.s32 $0xFFFFF800  }
0x1b0: {  	[spmem:s2] =	stream.indirect.scatter.add.f32 [tilespmem:s25], [sflag:$0x10], $0x10, s10, s6, $0xb8;
	[tilespmem:$0x17800] =	vst v63  }
0x1b1: {  	_ =	swait.ge [sflag:s30], $0x2000  }
0x1b2: {  	[sflag:s30] =	ssyncset.done $0x0  }
0x1b3: {  	[sflag:s30] =	ssyncadd.s32 $0xFFFFE000  }
0x1b4: {  	_ =	swait.ge [sflag:s23], $0x800  }
0x1b5: {  	[sflag:s23] =	ssyncset.done $0x0  }
0x1b6: {  	[sflag:s23] =	ssyncadd.s32 $0xFFFFF800  }
0x1b7: {  	_ =	swait.ge [sflag:s19], $0x2000  }
0x1b8: {  	[sflag:s19] =	ssyncset.done $0x0  }
0x1b9: {  	s21 =	simm.s32 $0xE;
	[sflag:s19] =	ssyncadd.s32 $0xFFFFE000  }
0x1ba: {  	_ =	swait.ge [sflag:s21], $0x800  }
0x1bb: {  	[sflag:s21] =	ssyncset.done $0x0  }
0x1bc: {  	s8 =	simm.s32 $0xB;
	[sflag:s21] =	ssyncadd.s32 $0xFFFFF800  }
0x1bd: {  	_ =	swait.ge [sflag:s8], $0x2000  }
0x1be: {  	[sflag:s8] =	ssyncset.done $0x0  }
0x1bf: {  	s30 =	simm.s32 $0xF;
	[sflag:s8] =	ssyncadd.s32 $0xFFFFE000  }
0x1c0: {  	_ =	swait.ge [sflag:s30], $0x800  }
0x1c1: {  	[sflag:s30] =	ssyncset.done $0x0  }
0x1c2: {  	s20 =	simm.s32 $0xC;
	[sflag:s30] =	ssyncadd.s32 $0xFFFFF800  }
0x1c3: {  	p1 =	sne.s32 s7, $0x900;
	_ =	swait.ge [sflag:s20], $0x2000  }
.Ltmp1:
0x1c4: {  	[sflag:s20] =	ssyncset.done $0x0;
	(pc) =	sbr.rel @p1 .LBB2_4-.Ltmp1, $4  }
0x1c5: {  	s5 =	simm.s32 $0x10;
	[sflag:s20] =	ssyncadd.s32 $0xFFFFE000  }
0x1c6: {  	_ =	swait.ge [sflag:s5], $0x800  }
0x1c7: {  	[sflag:s5] =	ssyncset.done $0x0  }
0x1c8: {  	s7 =	sadd.s32 $0x100, s7;
	s22 =	sadd.s32 $0x10, s22;
	[sflag:s5] =	ssyncadd.s32 $0xFFFFF800  }
0x1c9: {  	[bflag:$0x0] =	sbarrier.arrive $0xFFFF  }
0x1ca: {  	s7 =	sld [smem:$0x7EC];
	_ =	sdelay $0x1  }
0x1cb: {  	s9 =	simm.s32 $0x1000;
	s0 =	simm.s32 $0x11  }
0x1cc: {  	[tilespmem:s9], [sflag:$0x11] =	stream.linear.gather [spmem:s7], $0x2000, $0x38;
	[tilespmem:$0x17800] =	vst v63  }
0x1cd: {  	_ =	swait.ge [sflag:s0], $0x2000  }
0x1ce: {  	s24 =	sld [smem:$0x7DF]  }
0x1cf: {  	[sflag:s0] =	ssyncset.done $0x0  }
0x1d0: {  	[sflag:s0] =	ssyncadd.s32 $0xFFFFE000  }
0x1d1: {  	[hbm4b:s24+s28] =	stream.linear.scatter [tilespmem:s9], [sflag:$0x11], $0x2000, $0x38;
	[tilespmem:$0x17800] =	vst v63  }
0x1d2: {  	_ =	swait.ge [sflag:s0], $0x2000  }
0x1d3: {  	s25 =	sld [smem:$0x7F6]  }
0x1d4: {  	[sflag:s0] =	ssyncset.done $0x0  }
0x1d5: {  	s8 =	simm.s32 $0x9000;
	[sflag:s0] =	ssyncadd.s32 $0xFFFFE000  }
0x1d6: {  	[tilespmem:s8], [sflag:$0x11] =	stream.linear.gather [spmem:s25], $0x800, $0x38;
	[tilespmem:$0x17800] =	vst v63  }
0x1d7: {  	_ =	swait.ge [sflag:s0], $0x800  }
0x1d8: {  	s3 =	sld [smem:$0x7E5]  }
0x1d9: {  	[sflag:s0] =	ssyncset.done $0x0  }
0x1da: {  	[sflag:s0] =	ssyncadd.s32 $0xFFFFF800  }
0x1db: {  	[hbm4b:s3+s28] =	stream.linear.scatter [tilespmem:s8], [sflag:$0x11], $0x800, $0x38;
	[tilespmem:$0x17800] =	vst v63  }
0x1dc: {  	_ =	swait.ge [sflag:s0], $0x800  }
0x1dd: {  	s24 =	sld [smem:$0x7FD]  }
0x1de: {  	[sflag:s0] =	ssyncset.done $0x0  }
0x1df: {  	[sflag:s0] =	ssyncadd.s32 $0xFFFFF800  }
0x1e0: {  	[tilespmem:s9], [sflag:$0x11] =	stream.linear.gather [spmem:s24], $0x2000, $0x38;
	[tilespmem:$0x17800] =	vst v63  }
0x1e1: {  	_ =	swait.ge [sflag:s0], $0x2000  }
0x1e2: {  	s4 =	sld [smem:$0x7E0]  }
0x1e3: {  	[sflag:s0] =	ssyncset.done $0x0  }
0x1e4: {  	[sflag:s0] =	ssyncadd.s32 $0xFFFFE000  }
0x1e5: {  	[hbm4b:s4+s28] =	stream.linear.scatter [tilespmem:s9], [sflag:$0x11], $0x2000, $0x38;
	[tilespmem:$0x17800] =	vst v63  }
0x1e6: {  	_ =	swait.ge [sflag:s0], $0x2000  }
0x1e7: {  	s5 =	sld [smem:$0x7F7]  }
0x1e8: {  	[sflag:s0] =	ssyncset.done $0x0  }
0x1e9: {  	[sflag:s0] =	ssyncadd.s32 $0xFFFFE000  }
0x1ea: {  	[tilespmem:s8], [sflag:$0x11] =	stream.linear.gather [spmem:s5], $0x800, $0x38;
	[tilespmem:$0x17800] =	vst v63  }
0x1eb: {  	_ =	swait.ge [sflag:s0], $0x800  }
0x1ec: {  	s10 =	sld [smem:$0x7E6]  }
0x1ed: {  	[sflag:s0] =	ssyncset.done $0x0  }
0x1ee: {  	[sflag:s0] =	ssyncadd.s32 $0xFFFFF800  }
0x1ef: {  	[hbm4b:s10+s28] =	stream.linear.scatter [tilespmem:s8], [sflag:$0x11], $0x800, $0x38;
	[tilespmem:$0x17800] =	vst v63  }
0x1f0: {  	_ =	swait.ge [sflag:s0], $0x800  }
0x1f1: {  	s20 =	sld [smem:$0x7F0]  }
0x1f2: {  	[sflag:s0] =	ssyncset.done $0x0  }
0x1f3: {  	[sflag:s0] =	ssyncadd.s32 $0xFFFFF800  }
0x1f4: {  	[tilespmem:s9], [sflag:$0x11] =	stream.linear.gather [spmem:s20], $0x2000, $0x38;
	[tilespmem:$0x17800] =	vst v63  }
0x1f5: {  	_ =	swait.ge [sflag:s0], $0x2000  }
0x1f6: {  	s21 =	sld [smem:$0x7E1]  }
0x1f7: {  	[sflag:s0] =	ssyncset.done $0x0  }
0x1f8: {  	[sflag:s0] =	ssyncadd.s32 $0xFFFFE000  }
0x1f9: {  	[hbm4b:s21+s28] =	stream.linear.scatter [tilespmem:s9], [sflag:$0x11], $0x2000, $0x38;
	[tilespmem:$0x17800] =	vst v63  }
0x1fa: {  	_ =	swait.ge [sflag:s0], $0x2000  }
0x1fb: {  	s22 =	sld [smem:$0x7F8]  }
0x1fc: {  	[sflag:s0] =	ssyncset.done $0x0  }
0x1fd: {  	[sflag:s0] =	ssyncadd.s32 $0xFFFFE000  }
0x1fe: {  	[tilespmem:s8], [sflag:$0x11] =	stream.linear.gather [spmem:s22], $0x800, $0x38;
	[tilespmem:$0x17800] =	vst v63  }
0x1ff: {  	_ =	swait.ge [sflag:s0], $0x800  }
0x200: {  	s23 =	sld [smem:$0x7E7]  }
0x201: {  	[sflag:s0] =	ssyncset.done $0x0  }
0x202: {  	[sflag:s0] =	ssyncadd.s32 $0xFFFFF800  }
0x203: {  	[hbm4b:s23+s28] =	stream.linear.scatter [tilespmem:s8], [sflag:$0x11], $0x800, $0x38;
	[tilespmem:$0x17800] =	vst v63  }
0x204: {  	_ =	swait.ge [sflag:s0], $0x800  }
0x205: {  	s25 =	sld [smem:$0x7F2]  }
0x206: {  	[sflag:s0] =	ssyncset.done $0x0  }
0x207: {  	[sflag:s0] =	ssyncadd.s32 $0xFFFFF800  }
0x208: {  	[tilespmem:s9], [sflag:$0x11] =	stream.linear.gather [spmem:s25], $0x2000, $0x38;
	[tilespmem:$0x17800] =	vst v63  }
0x209: {  	_ =	swait.ge [sflag:s0], $0x2000  }
0x20a: {  	s3 =	sld [smem:$0x7E2]  }
0x20b: {  	[sflag:s0] =	ssyncset.done $0x0  }
0x20c: {  	[sflag:s0] =	ssyncadd.s32 $0xFFFFE000  }
0x20d: {  	[hbm4b:s3+s28] =	stream.linear.scatter [tilespmem:s9], [sflag:$0x11], $0x2000, $0x38;
	[tilespmem:$0x17800] =	vst v63  }
0x20e: {  	_ =	swait.ge [sflag:s0], $0x2000  }
0x20f: {  	s4 =	sld [smem:$0x7F9]  }
0x210: {  	[sflag:s0] =	ssyncset.done $0x0  }
0x211: {  	[sflag:s0] =	ssyncadd.s32 $0xFFFFE000  }
0x212: {  	[tilespmem:s8], [sflag:$0x11] =	stream.linear.gather [spmem:s4], $0x800, $0x38;
	[tilespmem:$0x17800] =	vst v63  }
0x213: {  	_ =	swait.ge [sflag:s0], $0x800  }
0x214: {  	s5 =	sld [smem:$0x7E8]  }
0x215: {  	[sflag:s0] =	ssyncset.done $0x0  }
0x216: {  	[sflag:s0] =	ssyncadd.s32 $0xFFFFF800  }
0x217: {  	[hbm4b:s5+s28] =	stream.linear.scatter [tilespmem:s8], [sflag:$0x11], $0x800, $0x38;
	[tilespmem:$0x17800] =	vst v63  }
0x218: {  	_ =	swait.ge [sflag:s0], $0x800  }
0x219: {  	s10 =	sld [smem:$0x7F4]  }
0x21a: {  	[sflag:s0] =	ssyncset.done $0x0  }
0x21b: {  	[sflag:s0] =	ssyncadd.s32 $0xFFFFF800  }
0x21c: {  	[tilespmem:s9], [sflag:$0x11] =	stream.linear.gather [spmem:s10], $0x2000, $0x38;
	[tilespmem:$0x17800] =	vst v63  }
0x21d: {  	_ =	swait.ge [sflag:s0], $0x2000  }
0x21e: {  	s20 =	sld [smem:$0x7E3]  }
0x21f: {  	[sflag:s0] =	ssyncset.done $0x0  }
0x220: {  	[sflag:s0] =	ssyncadd.s32 $0xFFFFE000  }
0x221: {  	[hbm4b:s20+s28] =	stream.linear.scatter [tilespmem:s9], [sflag:$0x11], $0x2000, $0x38;
	[tilespmem:$0x17800] =	vst v63  }
0x222: {  	_ =	swait.ge [sflag:s0], $0x2000  }
0x223: {  	s21 =	sld [smem:$0x7FA]  }
0x224: {  	[sflag:s0] =	ssyncset.done $0x0  }
0x225: {  	[sflag:s0] =	ssyncadd.s32 $0xFFFFE000  }
0x226: {  	[tilespmem:s8], [sflag:$0x11] =	stream.linear.gather [spmem:s21], $0x800, $0x38;
	[tilespmem:$0x17800] =	vst v63  }
0x227: {  	_ =	swait.ge [sflag:s0], $0x800  }
0x228: {  	s22 =	sld [smem:$0x7E9]  }
0x229: {  	[sflag:s0] =	ssyncset.done $0x0  }
0x22a: {  	[sflag:s0] =	ssyncadd.s32 $0xFFFFF800  }
0x22b: {  	[hbm4b:s22+s28] =	stream.linear.scatter [tilespmem:s8], [sflag:$0x11], $0x800, $0x38;
	[tilespmem:$0x17800] =	vst v63  }
0x22c: {  	_ =	swait.ge [sflag:s0], $0x800  }
0x22d: {  	s23 =	sld [smem:$0x7DE]  }
0x22e: {  	s25 =	sld [smem:$0x7EB];
	_ =	sdelay $0x1  }
0x22f: {  	s8 =	sadd.s32 $0x1, s23  }
0x230: {  	p1 =	sne.s32 s8, s25  }
.Ltmp2:
0x231: {  	_ = 	snop;
	(pc) =	sbr.rel @p1 .LBB2_1-.Ltmp2, $3  }
0x232: {  	_ =	sdelay $0x1  }
0x233: {  	s29 =	simm.s32 $0x9000;
	[sflag:s0] =	ssyncset.done $0x0  }
0x234: {  	s30 =	simm.s32 $0x11;
	[sflag:s0] =	ssyncadd.s32 $0xFFFFF800;
	s0 =	simm.s32 $0x1000  }
0x235: {  	_ =	sfence.sel $0x180000  }
0x236: {  	[bflag:$0x0] =	sbarrier.arrive $0xFFFF  }
0x237: {  	_ =	strace $0x90000047  }
0x238: {  	s0 =	stileid.u32;
	[bflag:$0x2] =	sbarrier.arrive $0xFFFF  }
0x239: {  	p0 =	sne.s32 s0, $0x0;
	s0 =	rddreg [dreg:$0x3]  }
0x23a: {  	s0 =	sadd.s32 @!p0 $0x100000, s0  }
0x23b: {  	[sflag:s0] =	ssyncadd.tile.s32 @!p0 $0x1;
	_ =	shalt  }
.Lfunc_end2:
_tile_overlayer_lowered:
.L_overlay_start_2:
0x23c: {  	(tag) =	ssettag $0x2  }
0x23d: {  	s0 =	rddreg [dreg:$0x0];
	s2 =	stileid.u32  }
0x23e: {  	s1 =	rddreg [dreg:$0x1];
	p0 =	sne.s32 s2, $0x0  }
0x23f: {  	s3 =	rddreg [dreg:$0x2];
	[bflag:$0x3] =	sbarrier.arrive $0xFFFF;
	s2 =	simm.s32 @!p0 $0x1C11  }
0x240: {  	[timem:s3], [sflag:s2] =	dma.local @!p0 [hbm:s0], s1  }
0x241: {  	s0 =	simm.s32 @!p0 $0x11  }
0x242: {  	_ =	swait.ge @!p0 [sflag:s0], s1  }
0x243: {  	s1 =	ssub.s32 @!p0 $0x0, s1;
	[sflag:s0] =	ssyncset.done @!p0 $0x0  }
0x244: {  	[sflag:s0] =	ssyncadd.s32 @!p0 s1  }
0x245: {  	[bflag:$0x3] =	sbarrier.arrive $0xFFFF  }
0x246: {  	_ =	shalt  }

</sc_bundles>
